<compile_context>
chip_gen: v7x
topology: tpu7x:2x2x1
jax: 0.10.2.dev20260603
libtpu: 0.0.44.dev20260713+nightly
codegen_flags: <defaults>
</compile_context>

<pallas_src>
import functools

import jax
import jax.numpy as jnp
from jax import lax
from jax.experimental import pallas as pl
from jax.experimental.pallas import tpu as pltpu
from jax.experimental.pallas import tpu_sc as plsc

NUM_BINS = 256
PAD = 272
LANES = 16
NC, NS = 2, 16
NW = NC * NS


def _make_hist_call(N, C, H, W):
    rows = N * C
    assert rows % NW == 0 and W % LANES == 0
    rpw = rows // NW
    wvecs = W // LANES
    assert rpw % 2 == 0

    mesh = plsc.VectorSubcoreMesh(core_axis_name="c", subcore_axis_name="s")

    @functools.partial(
        pl.kernel,
        out_type=jax.ShapeDtypeStruct((rows, NUM_BINS), jnp.float32),
        mesh=mesh,
        compiler_params=pltpu.CompilerParams(
            needs_layout_passes=False, use_tc_tiling_on_sc=True),
        scratch_types=[
            pltpu.VMEM((H, W), jnp.float32),
            pltpu.VMEM((H, W), jnp.float32),
            pltpu.VMEM((LANES * PAD,), jnp.float32),
            pltpu.VMEM((LANES * PAD,), jnp.float32),
            pltpu.VMEM((PAD,), jnp.float32),
            pltpu.VMEM((PAD,), jnp.float32),
            pltpu.VMEM((NUM_BINS,), jnp.float32),
            pltpu.SemaphoreType.DMA,
            pltpu.SemaphoreType.DMA,
        ],
    )
    def hist_call(x_hbm, out_hbm, buf0, buf1, cnt, ssum, rcnt, rs, orow,
                  sem0, sem1):
        wid = lax.axis_index("s") * NC + lax.axis_index("c")
        row0 = wid * rpw
        lane16 = lax.iota(jnp.int32, LANES)
        lane_off = lane16 * PAD + 2
        ones = jnp.ones((LANES,), jnp.float32)
        zeros = jnp.zeros((LANES,), jnp.float32)

        bufs = (buf0, buf1)
        sems = (sem0, sem1)

        def map_copy(r, b):
            n = r // C
            c = r % C
            return pltpu.make_async_copy(x_hbm.at[n, c], bufs[b], sems[b])

        map_copy(row0, 0).start()
        map_copy(row0 + 1, 1).start()

        def do_row(r, b):
            buf = bufs[b]
            map_copy(r, b).wait()

            def zbody(i, c):
                cnt[pl.ds(i * LANES, LANES)] = zeros
                ssum[pl.ds(i * LANES, LANES)] = zeros
                return c
            lax.fori_loop(0, (LANES * PAD) // LANES, zbody, 0)

            @plsc.parallel_loop(0, H, 1, unroll=2)
            def _(h):
                for wv in range(wvecs):
                    v = buf[h, pl.ds(wv * LANES, LANES)]
                    iv = v.astype(jnp.int32)
                    fv = v - iv.astype(jnp.float32)
                    a = iv + lane_off
                    plsc.addupdate_scatter(cnt, [a], ones)
                    plsc.addupdate_scatter(ssum, [a], fv)

            @pl.when(r + 2 < row0 + rpw)
            def _():
                map_copy(r + 2, b).start()

            def rbody(c, carry):
                o = c * LANES
                tc = cnt[pl.ds(o, LANES)]
                ts = ssum[pl.ds(o, LANES)]
                for l in range(1, LANES):
                    tc = tc + cnt[pl.ds(l * PAD + o, LANES)]
                    ts = ts + ssum[pl.ds(l * PAD + o, LANES)]
                rcnt[pl.ds(o, LANES)] = tc
                rs[pl.ds(o, LANES)] = ts
                return carry
            lax.fori_loop(0, PAD // LANES, rbody, 0)

            def stbody(c, carry):
                o = c * LANES
                base = lane16 + o
                c_p1 = plsc.load_gather(rcnt, [base + 3])
                c_0 = plsc.load_gather(rcnt, [base + 2])
                c_m1 = plsc.load_gather(rcnt, [base + 1])
                s_p1 = plsc.load_gather(rs, [base + 3])
                s_0 = plsc.load_gather(rs, [base + 2])
                s_m1 = plsc.load_gather(rs, [base + 1])
                s_m2 = plsc.load_gather(rs, [base])
                orow[pl.ds(o, LANES)] = (
                    c_0 + 0.5 * (c_p1 + c_m1)
                    + 0.5 * ((s_m1 + s_m2) - (s_p1 + s_0)))
                return carry
            lax.fori_loop(0, NUM_BINS // LANES, stbody, 0)

            pltpu.sync_copy(orow, out_hbm.at[r])

        def jbody(j, carry):
            r = row0 + 2 * j
            do_row(r, 0)
            do_row(r + 1, 1)
            return carry
        lax.fori_loop(0, rpw // 2, jbody, 0)

    return hist_call


def kernel(input):
    N, C, H, W = input.shape
    out = _make_hist_call(N, C, H, W)(input)
    return out.reshape(N, C, NUM_BINS)

# --- scband reference (transcript-rebuilt; emitter-appended) ---
"""Pipeline reference for scband-histogram-11184094839163 (READ-ONLY COPY).

The authoritative reference and input builder live on the scoring server;
editing this copy changes nothing except your own understanding.
"""

import jax, jax.numpy as jnp
import numpy as np

BANDWIDTH = 2.0
NUM_BINS = 256

def setup_inputs(seed: int = 0) -> dict:
    key = jax.random.key(seed)
    # pixel-valued inputs in [0, 255) as expected by a 256-bin image histogram layer
    x = jax.random.uniform(key, (4, 96, 224, 224), dtype=jnp.float32) * 255.0
    return {"input": x}

def reference(input):
    # Faithful soft (kernel-density) histogram with triangular kernel of width `bandwidth`,
    # 256 bins centered at integers 0..255, computed per (N*C) channel map.
    N, C, H, W = input.shape
    x = input.reshape(N * C, H * W)
    base = jnp.floor(x)  # nearest-below bin center; zero gradient (constant w.r.t. x)
    R = int(np.ceil(BANDWIDTH))
    row = (jnp.arange(N * C, dtype=jnp.int32)[:, None]) * 0  # placeholder to keep row idx 2D
    row_idx = jnp.broadcast_to(jnp.arange(N * C, dtype=jnp.int32)[:, None], x.shape)
    hist = jnp.zeros((N * C, NUM_BINS), dtype=jnp.float32)
    for o in range(-R + 1, R + 1):
        center = base + float(o)
        w = jnp.maximum(0.0, 1.0 - jnp.abs(x - center) / BANDWIDTH)
        idx = center.astype(jnp.int32)
        valid = (idx >= 0) & (idx < NUM_BINS)
        w = jnp.where(valid, w, 0.0)
        # out-of-range indices are dropped by mode='drop'
        hist = hist.at[row_idx, idx].add(w, mode='drop')
    return hist.reshape(N, C, NUM_BINS)

if __name__ == "__main__":
    import jax
    _d = setup_inputs()
    print(jax.jit(kernel)(*tuple(_d.values())))

</pallas_src>

<mosaic_0001>
#map = affine_map<(d0, d1) -> (0, 0, 0, 0)>
#map1 = affine_map<(d0, d1) -> (0, 0)>
module attributes {stable_mosaic.version = 14 : i64} {
  func.func @hist_call(%arg0: i32, %arg1: i32, %arg2: memref<4x96x224x224xf32, #tpu.memory_space<hbm>>, %arg3: memref<384x256xf32, #tpu.memory_space<hbm>>, %arg4: memref<224x224xf32, #tpu.memory_space<vmem>>, %arg5: memref<224x224xf32, #tpu.memory_space<vmem>>, %arg6: memref<4352xf32, #tpu.memory_space<vmem>>, %arg7: memref<4352xf32, #tpu.memory_space<vmem>>, %arg8: memref<272xf32, #tpu.memory_space<vmem>>, %arg9: memref<272xf32, #tpu.memory_space<vmem>>, %arg10: memref<256xf32, #tpu.memory_space<vmem>>, %arg11: memref<!tpu.dma_semaphore, #tpu.memory_space<semaphore_mem>>, %arg12: memref<!tpu.dma_semaphore, #tpu.memory_space<semaphore_mem>>) attributes {dimension_semantics = [#tpu.dimension_semantics<core_parallel>, #tpu.dimension_semantics<subcore_parallel>], iteration_bounds = array<i64: 2, 16>, scalar_prefetch = 0 : i64, scratch_operands = 9 : i64, tpu.core_type = #tpu.core_type<sc_vector_subcore>, window_params = [{transform_indices = #map}, {transform_indices = #map1}]} {
    %mul3A = arith.constant 2 : i32
    %mul3A_0 = arith.muli %arg1, %mul3A : i32
    %add3A = arith.addi %mul3A_0, %arg0 : i32
    %mul3A_1 = arith.constant 12 : i32
    %mul3A_2 = arith.muli %add3A, %mul3A_1 : i32
    %iota3A = tpu.iota {dimensions = array<i32: 0>} : vector<16xi32>
    %mul3A_3 = arith.constant 272 : i32
    %mul3A_4 = vector.broadcast %mul3A_3 : i32 to vector<16xi32>
    %mul3A_5 = arith.muli %iota3A, %mul3A_4 : vector<16xi32>
    %add3A_6 = arith.constant 2 : i32
    %add3A_7 = vector.broadcast %add3A_6 : i32 to vector<16xi32>
    %add3A_8 = arith.addi %mul3A_5, %add3A_7 : vector<16xi32>
    %broadcast_in_dim3A = arith.constant 1.000000e+00 : f32
    %broadcast_in_dim3A_9 = vector.broadcast %broadcast_in_dim3A : f32 to vector<16xf32>
    %broadcast_in_dim3A_10 = arith.constant 0.000000e+00 : f32
    %broadcast_in_dim3A_11 = vector.broadcast %broadcast_in_dim3A_10 : f32 to vector<16xf32>
    %jit3A = arith.constant 96 : i32
    %div3A = arith.divsi %mul3A_2, %jit3A : i32
    %sign3A = arith.constant 0 : i32
    %sign3A_12 = arith.cmpi sgt, %mul3A_2, %sign3A : i32
    %sign3A_13 = arith.extui %sign3A_12 : i1 to i32
    %sign3A_14 = arith.constant 0 : i32
    %sign3A_15 = arith.cmpi slt, %mul3A_2, %sign3A_14 : i32
    %sign3A_16 = arith.extui %sign3A_15 : i1 to i32
    %sign3A_17 = arith.subi %sign3A_13, %sign3A_16 : i32
    %sign3A_18 = arith.constant 0 : i32
    %sign3A_19 = arith.cmpi sgt, %jit3A, %sign3A_18 : i32
    %sign3A_20 = arith.extui %sign3A_19 : i1 to i32
    %sign3A_21 = arith.constant 0 : i32
    %sign3A_22 = arith.cmpi slt, %jit3A, %sign3A_21 : i32
    %sign3A_23 = arith.extui %sign3A_22 : i1 to i32
    %sign3A_24 = arith.subi %sign3A_20, %sign3A_23 : i32
    %ne3A = arith.cmpi ne, %sign3A_17, %sign3A_24 : i32
    %rem3A = arith.remsi %mul3A_2, %jit3A : i32
    %ne3A_25 = arith.constant 0 : i32
    %ne3A_26 = arith.cmpi ne, %rem3A, %ne3A_25 : i32
    %and3A = arith.andi %ne3A, %ne3A_26 : i1
    %sub3A = arith.constant 1 : i32
    %sub3A_27 = arith.subi %div3A, %sub3A : i32
    %select_n3A = arith.select %and3A, %sub3A_27, %div3A : i32
    %jit3A_28 = arith.constant 96 : i32
    %eq3A = arith.constant 0 : i32
    %eq3A_29 = arith.cmpi eq, %jit3A_28, %eq3A : i32
    %jit3A_30 = arith.constant 1 : i32
    %select_n3A_31 = arith.select %eq3A_29, %jit3A_30, %jit3A_28 : i32
    %rem3A_32 = arith.remsi %mul3A_2, %select_n3A_31 : i32
    %ne3A_33 = arith.constant 0 : i32
    %ne3A_34 = arith.cmpi ne, %rem3A_32, %ne3A_33 : i32
    %lt3A = arith.constant 0 : i32
    %lt3A_35 = arith.cmpi slt, %rem3A_32, %lt3A : i32
    %lt3A_36 = arith.constant 0 : i32
    %lt3A_37 = arith.cmpi slt, %select_n3A_31, %lt3A_36 : i32
    %ne3A_38 = arith.xori %lt3A_35, %lt3A_37 : i1
    %and3A_39 = arith.andi %ne3A_38, %ne3A_34 : i1
    %add3A_40 = arith.addi %rem3A_32, %select_n3A_31 : i32
    %select_n3A_41 = arith.select %and3A_39, %add3A_40, %rem3A_32 : i32
    %dma_start3A = arith.constant 0 : i32
    %dma_start3A_42 = arith.constant 0 : i32
    %dma_start3A_43 = tpu.memref_slice %arg2[%select_n3A, %select_n3A_41, %dma_start3A, %dma_start3A_42] : memref<4x96x224x224xf32, #tpu.memory_space<hbm>> -> memref<1x1x224x224xf32, #tpu.memory_space<hbm>>
    %dma_start3A_44 = tpu.memref_squeeze %dma_start3A_43 : memref<1x1x224x224xf32, #tpu.memory_space<hbm>> -> memref<224x224xf32, #tpu.memory_space<hbm>>
    %dma_start3A_45 = arith.constant 0 : i32
    %dma_start3A_46 = arith.constant 0 : i32
    %dma_start3A_47 = tpu.memref_slice %arg2[%select_n3A, %select_n3A_41, %dma_start3A_45, %dma_start3A_46] : memref<4x96x224x224xf32, #tpu.memory_space<hbm>> -> memref<1x1x224x224xf32, #tpu.memory_space<hbm>>
    %dma_start3A_48 = tpu.memref_squeeze %dma_start3A_47 : memref<1x1x224x224xf32, #tpu.memory_space<hbm>> -> memref<224x224xf32, #tpu.memory_space<hbm>>
    tpu.enqueue_dma source(%dma_start3A_48 : memref<224x224xf32, #tpu.memory_space<hbm>>) target(%arg4 : memref<224x224xf32, #tpu.memory_space<vmem>>) target_semaphore(%arg11 : memref<!tpu.dma_semaphore, #tpu.memory_space<semaphore_mem>>)
    %add3A_49 = arith.constant 1 : i32
    %add3A_50 = arith.addi %mul3A_2, %add3A_49 : i32
    %jit3A_51 = arith.constant 96 : i32
    %div3A_52 = arith.divsi %add3A_50, %jit3A_51 : i32
    %sign3A_53 = arith.constant 0 : i32
    %sign3A_54 = arith.cmpi sgt, %add3A_50, %sign3A_53 : i32
    %sign3A_55 = arith.extui %sign3A_54 : i1 to i32
    %sign3A_56 = arith.constant 0 : i32
    %sign3A_57 = arith.cmpi slt, %add3A_50, %sign3A_56 : i32
    %sign3A_58 = arith.extui %sign3A_57 : i1 to i32
    %sign3A_59 = arith.subi %sign3A_55, %sign3A_58 : i32
    %sign3A_60 = arith.constant 0 : i32
    %sign3A_61 = arith.cmpi sgt, %jit3A_51, %sign3A_60 : i32
    %sign3A_62 = arith.extui %sign3A_61 : i1 to i32
    %sign3A_63 = arith.constant 0 : i32
    %sign3A_64 = arith.cmpi slt, %jit3A_51, %sign3A_63 : i32
    %sign3A_65 = arith.extui %sign3A_64 : i1 to i32
    %sign3A_66 = arith.subi %sign3A_62, %sign3A_65 : i32
    %ne3A_67 = arith.cmpi ne, %sign3A_59, %sign3A_66 : i32
    %rem3A_68 = arith.remsi %add3A_50, %jit3A_51 : i32
    %ne3A_69 = arith.constant 0 : i32
    %ne3A_70 = arith.cmpi ne, %rem3A_68, %ne3A_69 : i32
    %and3A_71 = arith.andi %ne3A_67, %ne3A_70 : i1
    %sub3A_72 = arith.constant 1 : i32
    %sub3A_73 = arith.subi %div3A_52, %sub3A_72 : i32
    %select_n3A_74 = arith.select %and3A_71, %sub3A_73, %div3A_52 : i32
    %jit3A_75 = arith.constant 96 : i32
    %eq3A_76 = arith.constant 0 : i32
    %eq3A_77 = arith.cmpi eq, %jit3A_75, %eq3A_76 : i32
    %jit3A_78 = arith.constant 1 : i32
    %select_n3A_79 = arith.select %eq3A_77, %jit3A_78, %jit3A_75 : i32
    %rem3A_80 = arith.remsi %add3A_50, %select_n3A_79 : i32
    %ne3A_81 = arith.constant 0 : i32
    %ne3A_82 = arith.cmpi ne, %rem3A_80, %ne3A_81 : i32
    %lt3A_83 = arith.constant 0 : i32
    %lt3A_84 = arith.cmpi slt, %rem3A_80, %lt3A_83 : i32
    %lt3A_85 = arith.constant 0 : i32
    %lt3A_86 = arith.cmpi slt, %select_n3A_79, %lt3A_85 : i32
    %ne3A_87 = arith.xori %lt3A_84, %lt3A_86 : i1
    %and3A_88 = arith.andi %ne3A_87, %ne3A_82 : i1
    %add3A_89 = arith.addi %rem3A_80, %select_n3A_79 : i32
    %select_n3A_90 = arith.select %and3A_88, %add3A_89, %rem3A_80 : i32
    %dma_start3A_91 = arith.constant 0 : i32
    %dma_start3A_92 = arith.constant 0 : i32
    %dma_start3A_93 = tpu.memref_slice %arg2[%select_n3A_74, %select_n3A_90, %dma_start3A_91, %dma_start3A_92] : memref<4x96x224x224xf32, #tpu.memory_space<hbm>> -> memref<1x1x224x224xf32, #tpu.memory_space<hbm>>
    %dma_start3A_94 = tpu.memref_squeeze %dma_start3A_93 : memref<1x1x224x224xf32, #tpu.memory_space<hbm>> -> memref<224x224xf32, #tpu.memory_space<hbm>>
    %dma_start3A_95 = arith.constant 0 : i32
    %dma_start3A_96 = arith.constant 0 : i32
    %dma_start3A_97 = tpu.memref_slice %arg2[%select_n3A_74, %select_n3A_90, %dma_start3A_95, %dma_start3A_96] : memref<4x96x224x224xf32, #tpu.memory_space<hbm>> -> memref<1x1x224x224xf32, #tpu.memory_space<hbm>>
    %dma_start3A_98 = tpu.memref_squeeze %dma_start3A_97 : memref<1x1x224x224xf32, #tpu.memory_space<hbm>> -> memref<224x224xf32, #tpu.memory_space<hbm>>
    tpu.enqueue_dma source(%dma_start3A_98 : memref<224x224xf32, #tpu.memory_space<hbm>>) target(%arg5 : memref<224x224xf32, #tpu.memory_space<vmem>>) target_semaphore(%arg12 : memref<!tpu.dma_semaphore, #tpu.memory_space<semaphore_mem>>)
    %scan3A = arith.constant 0 : i32
    %scan3A_99 = arith.constant 0 : i32
    %scan3A_100 = arith.constant 6 : i32
    %scan3A_101 = arith.addi %scan3A_99, %scan3A_100 : i32
    %scan3A_102 = arith.constant 1 : i32
    scf.for %scan3A_104 = %scan3A_99 to %scan3A_101 step %scan3A_102  : i32 {
      %mul3A_105 = arith.constant 2 : i32
      %mul3A_106 = arith.muli %mul3A_105, %scan3A_104 : i32
      %add3A_107 = arith.addi %mul3A_2, %mul3A_106 : i32
      %jit3A_108 = arith.constant 96 : i32
      %div3A_109 = arith.divsi %add3A_107, %jit3A_108 : i32
      %sign3A_110 = arith.constant 0 : i32
      %sign3A_111 = arith.cmpi sgt, %add3A_107, %sign3A_110 : i32
      %sign3A_112 = arith.extui %sign3A_111 : i1 to i32
      %sign3A_113 = arith.constant 0 : i32
      %sign3A_114 = arith.cmpi slt, %add3A_107, %sign3A_113 : i32
      %sign3A_115 = arith.extui %sign3A_114 : i1 to i32
      %sign3A_116 = arith.subi %sign3A_112, %sign3A_115 : i32
      %sign3A_117 = arith.constant 0 : i32
      %sign3A_118 = arith.cmpi sgt, %jit3A_108, %sign3A_117 : i32
      %sign3A_119 = arith.extui %sign3A_118 : i1 to i32
      %sign3A_120 = arith.constant 0 : i32
      %sign3A_121 = arith.cmpi slt, %jit3A_108, %sign3A_120 : i32
      %sign3A_122 = arith.extui %sign3A_121 : i1 to i32
      %sign3A_123 = arith.subi %sign3A_119, %sign3A_122 : i32
      %ne3A_124 = arith.cmpi ne, %sign3A_116, %sign3A_123 : i32
      %rem3A_125 = arith.remsi %add3A_107, %jit3A_108 : i32
      %ne3A_126 = arith.constant 0 : i32
      %ne3A_127 = arith.cmpi ne, %rem3A_125, %ne3A_126 : i32
      %and3A_128 = arith.andi %ne3A_124, %ne3A_127 : i1
      %sub3A_129 = arith.constant 1 : i32
      %sub3A_130 = arith.subi %div3A_109, %sub3A_129 : i32
      %select_n3A_131 = arith.select %and3A_128, %sub3A_130, %div3A_109 : i32
      %jit3A_132 = arith.constant 96 : i32
      %eq3A_133 = arith.constant 0 : i32
      %eq3A_134 = arith.cmpi eq, %jit3A_132, %eq3A_133 : i32
      %jit3A_135 = arith.constant 1 : i32
      %select_n3A_136 = arith.select %eq3A_134, %jit3A_135, %jit3A_132 : i32
      %rem3A_137 = arith.remsi %add3A_107, %select_n3A_136 : i32
      %ne3A_138 = arith.constant 0 : i32
      %ne3A_139 = arith.cmpi ne, %rem3A_137, %ne3A_138 : i32
      %lt3A_140 = arith.constant 0 : i32
      %lt3A_141 = arith.cmpi slt, %rem3A_137, %lt3A_140 : i32
      %lt3A_142 = arith.constant 0 : i32
      %lt3A_143 = arith.cmpi slt, %select_n3A_136, %lt3A_142 : i32
      %ne3A_144 = arith.xori %lt3A_141, %lt3A_143 : i1
      %and3A_145 = arith.andi %ne3A_144, %ne3A_139 : i1
      %add3A_146 = arith.addi %rem3A_137, %select_n3A_136 : i32
      %select_n3A_147 = arith.select %and3A_145, %add3A_146, %rem3A_137 : i32
      %dma_wait3A = arith.constant 0 : i32
      %dma_wait3A_148 = arith.constant 0 : i32
      %dma_wait3A_149 = tpu.memref_slice %arg2[%select_n3A_131, %select_n3A_147, %dma_wait3A, %dma_wait3A_148] : memref<4x96x224x224xf32, #tpu.memory_space<hbm>> -> memref<1x1x224x224xf32, #tpu.memory_space<hbm>>
      %dma_wait3A_150 = tpu.memref_squeeze %dma_wait3A_149 : memref<1x1x224x224xf32, #tpu.memory_space<hbm>> -> memref<224x224xf32, #tpu.memory_space<hbm>>
      %dma_wait3A_151 = arith.constant 0 : i32
      %dma_wait3A_152 = arith.constant 0 : i32
      %dma_wait3A_153 = tpu.memref_slice %arg2[%select_n3A_131, %select_n3A_147, %dma_wait3A_151, %dma_wait3A_152] : memref<4x96x224x224xf32, #tpu.memory_space<hbm>> -> memref<1x1x224x224xf32, #tpu.memory_space<hbm>>
      %dma_wait3A_154 = tpu.memref_squeeze %dma_wait3A_153 : memref<1x1x224x224xf32, #tpu.memory_space<hbm>> -> memref<224x224xf32, #tpu.memory_space<hbm>>
      tpu.wait_dma2 semaphore(%arg11 : memref<!tpu.dma_semaphore, #tpu.memory_space<semaphore_mem>>) src(%dma_wait3A_154 : memref<224x224xf32, #tpu.memory_space<hbm>>) dst(%arg4 : memref<224x224xf32, #tpu.memory_space<vmem>>)
      %scan3A_155 = arith.constant 0 : i32
      %scan3A_156 = arith.constant 0 : i32
      %scan3A_157 = arith.constant 272 : i32
      %scan3A_158 = arith.addi %scan3A_156, %scan3A_157 : i32
      %scan3A_159 = arith.constant 1 : i32
      scf.for %scan3A_260 = %scan3A_156 to %scan3A_158 step %scan3A_159  : i32 {
        %mul3A_261 = arith.constant 16 : i32
        %mul3A_262 = arith.muli %scan3A_260, %mul3A_261 : i32
        %swap3A = arith.index_cast %mul3A_262 : i32 to index
        %swap3A_263 = tpu.vector_load %arg6[%swap3A] {strides = array<i32>} : memref<4352xf32, #tpu.memory_space<vmem>>, vector<16xf32>,
        tpu.vector_store %arg6[%swap3A], %broadcast_in_dim3A_11 {strides = array<i32>} : memref<4352xf32, #tpu.memory_space<vmem>>, vector<16xf32>,
        %mul3A_264 = arith.constant 16 : i32
        %mul3A_265 = arith.muli %scan3A_260, %mul3A_264 : i32
        %swap3A_266 = arith.index_cast %mul3A_265 : i32 to index
        %swap3A_267 = tpu.vector_load %arg7[%swap3A_266] {strides = array<i32>} : memref<4352xf32, #tpu.memory_space<vmem>>, vector<16xf32>,
        tpu.vector_store %arg7[%swap3A_266], %broadcast_in_dim3A_11 {strides = array<i32>} : memref<4352xf32, #tpu.memory_space<vmem>>, vector<16xf32>,
      }
      %scan3A_160 = arith.constant 272 : i32
      %parallel_loop3A = arith.constant 0 : i32
      %parallel_loop3A_161 = arith.constant 224 : i32
      %parallel_loop3A_162 = arith.constant 1 : i32
      scf.for %parallel_loop3A_260 = %parallel_loop3A to %parallel_loop3A_161 step %parallel_loop3A_162  : i32 {
        %parallel_loop3A_261 = arith.index_cast %parallel_loop3A_260 : i32 to index
        %parallel_loop3A_262 = arith.constant 0 : index
        %parallel_loop3A_263 = tpu.vector_load %arg4[%parallel_loop3A_261, %parallel_loop3A_262] {strides = array<i32>} : memref<224x224xf32, #tpu.memory_space<vmem>>, vector<16xf32>,
        %parallel_loop3A_264 = arith.fptosi %parallel_loop3A_263 : vector<16xf32> to vector<16xi32>
        %parallel_loop3A_265 = arith.sitofp %parallel_loop3A_264 : vector<16xi32> to vector<16xf32>
        %parallel_loop3A_266 = arith.subf %parallel_loop3A_263, %parallel_loop3A_265 : vector<16xf32>
        %parallel_loop3A_267 = arith.addi %parallel_loop3A_264, %add3A_8 : vector<16xi32>
        tpu.vector_store_idx %arg6[%parallel_loop3A_267], %broadcast_in_dim3A_9 {add = true} : memref<4352xf32, #tpu.memory_space<vmem>>[vector<16xi32>], vector<16xf32>,
        tpu.vector_store_idx %arg7[%parallel_loop3A_267], %parallel_loop3A_266 {add = true} : memref<4352xf32, #tpu.memory_space<vmem>>[vector<16xi32>], vector<16xf32>,
        %parallel_loop3A_268 = arith.index_cast %parallel_loop3A_260 : i32 to index
        %parallel_loop3A_269 = arith.constant 16 : index
        %parallel_loop3A_270 = tpu.vector_load %arg4[%parallel_loop3A_268, %parallel_loop3A_269] {strides = array<i32>} : memref<224x224xf32, #tpu.memory_space<vmem>>, vector<16xf32>,
        %parallel_loop3A_271 = arith.fptosi %parallel_loop3A_270 : vector<16xf32> to vector<16xi32>
        %parallel_loop3A_272 = arith.sitofp %parallel_loop3A_271 : vector<16xi32> to vector<16xf32>
        %parallel_loop3A_273 = arith.subf %parallel_loop3A_270, %parallel_loop3A_272 : vector<16xf32>
        %parallel_loop3A_274 = arith.addi %parallel_loop3A_271, %add3A_8 : vector<16xi32>
        tpu.vector_store_idx %arg6[%parallel_loop3A_274], %broadcast_in_dim3A_9 {add = true} : memref<4352xf32, #tpu.memory_space<vmem>>[vector<16xi32>], vector<16xf32>,
        tpu.vector_store_idx %arg7[%parallel_loop3A_274], %parallel_loop3A_273 {add = true} : memref<4352xf32, #tpu.memory_space<vmem>>[vector<16xi32>], vector<16xf32>,
        %parallel_loop3A_275 = arith.index_cast %parallel_loop3A_260 : i32 to index
        %parallel_loop3A_276 = arith.constant 32 : index
        %parallel_loop3A_277 = tpu.vector_load %arg4[%parallel_loop3A_275, %parallel_loop3A_276] {strides = array<i32>} : memref<224x224xf32, #tpu.memory_space<vmem>>, vector<16xf32>,
        %parallel_loop3A_278 = arith.fptosi %parallel_loop3A_277 : vector<16xf32> to vector<16xi32>
        %parallel_loop3A_279 = arith.sitofp %parallel_loop3A_278 : vector<16xi32> to vector<16xf32>
        %parallel_loop3A_280 = arith.subf %parallel_loop3A_277, %parallel_loop3A_279 : vector<16xf32>
        %parallel_loop3A_281 = arith.addi %parallel_loop3A_278, %add3A_8 : vector<16xi32>
        tpu.vector_store_idx %arg6[%parallel_loop3A_281], %broadcast_in_dim3A_9 {add = true} : memref<4352xf32, #tpu.memory_space<vmem>>[vector<16xi32>], vector<16xf32>,
        tpu.vector_store_idx %arg7[%parallel_loop3A_281], %parallel_loop3A_280 {add = true} : memref<4352xf32, #tpu.memory_space<vmem>>[vector<16xi32>], vector<16xf32>,
        %parallel_loop3A_282 = arith.index_cast %parallel_loop3A_260 : i32 to index
        %parallel_loop3A_283 = arith.constant 48 : index
        %parallel_loop3A_284 = tpu.vector_load %arg4[%parallel_loop3A_282, %parallel_loop3A_283] {strides = array<i32>} : memref<224x224xf32, #tpu.memory_space<vmem>>, vector<16xf32>,
        %parallel_loop3A_285 = arith.fptosi %parallel_loop3A_284 : vector<16xf32> to vector<16xi32>
        %parallel_loop3A_286 = arith.sitofp %parallel_loop3A_285 : vector<16xi32> to vector<16xf32>
        %parallel_loop3A_287 = arith.subf %parallel_loop3A_284, %parallel_loop3A_286 : vector<16xf32>
        %parallel_loop3A_288 = arith.addi %parallel_loop3A_285, %add3A_8 : vector<16xi32>
        tpu.vector_store_idx %arg6[%parallel_loop3A_288], %broadcast_in_dim3A_9 {add = true} : memref<4352xf32, #tpu.memory_space<vmem>>[vector<16xi32>], vector<16xf32>,
        tpu.vector_store_idx %arg7[%parallel_loop3A_288], %parallel_loop3A_287 {add = true} : memref<4352xf32, #tpu.memory_space<vmem>>[vector<16xi32>], vector<16xf32>,
        %parallel_loop3A_289 = arith.index_cast %parallel_loop3A_260 : i32 to index
        %parallel_loop3A_290 = arith.constant 64 : index
        %parallel_loop3A_291 = tpu.vector_load %arg4[%parallel_loop3A_289, %parallel_loop3A_290] {strides = array<i32>} : memref<224x224xf32, #tpu.memory_space<vmem>>, vector<16xf32>,
        %parallel_loop3A_292 = arith.fptosi %parallel_loop3A_291 : vector<16xf32> to vector<16xi32>
        %parallel_loop3A_293 = arith.sitofp %parallel_loop3A_292 : vector<16xi32> to vector<16xf32>
        %parallel_loop3A_294 = arith.subf %parallel_loop3A_291, %parallel_loop3A_293 : vector<16xf32>
        %parallel_loop3A_295 = arith.addi %parallel_loop3A_292, %add3A_8 : vector<16xi32>
        tpu.vector_store_idx %arg6[%parallel_loop3A_295], %broadcast_in_dim3A_9 {add = true} : memref<4352xf32, #tpu.memory_space<vmem>>[vector<16xi32>], vector<16xf32>,
        tpu.vector_store_idx %arg7[%parallel_loop3A_295], %parallel_loop3A_294 {add = true} : memref<4352xf32, #tpu.memory_space<vmem>>[vector<16xi32>], vector<16xf32>,
        %parallel_loop3A_296 = arith.index_cast %parallel_loop3A_260 : i32 to index
        %parallel_loop3A_297 = arith.constant 80 : index
        %parallel_loop3A_298 = tpu.vector_load %arg4[%parallel_loop3A_296, %parallel_loop3A_297] {strides = array<i32>} : memref<224x224xf32, #tpu.memory_space<vmem>>, vector<16xf32>,
        %parallel_loop3A_299 = arith.fptosi %parallel_loop3A_298 : vector<16xf32> to vector<16xi32>
        %parallel_loop3A_300 = arith.sitofp %parallel_loop3A_299 : vector<16xi32> to vector<16xf32>
        %parallel_loop3A_301 = arith.subf %parallel_loop3A_298, %parallel_loop3A_300 : vector<16xf32>
        %parallel_loop3A_302 = arith.addi %parallel_loop3A_299, %add3A_8 : vector<16xi32>
        tpu.vector_store_idx %arg6[%parallel_loop3A_302], %broadcast_in_dim3A_9 {add = true} : memref<4352xf32, #tpu.memory_space<vmem>>[vector<16xi32>], vector<16xf32>,
        tpu.vector_store_idx %arg7[%parallel_loop3A_302], %parallel_loop3A_301 {add = true} : memref<4352xf32, #tpu.memory_space<vmem>>[vector<16xi32>], vector<16xf32>,
        %parallel_loop3A_303 = arith.index_cast %parallel_loop3A_260 : i32 to index
        %parallel_loop3A_304 = arith.constant 96 : index
        %parallel_loop3A_305 = tpu.vector_load %arg4[%parallel_loop3A_303, %parallel_loop3A_304] {strides = array<i32>} : memref<224x224xf32, #tpu.memory_space<vmem>>, vector<16xf32>,
        %parallel_loop3A_306 = arith.fptosi %parallel_loop3A_305 : vector<16xf32> to vector<16xi32>
        %parallel_loop3A_307 = arith.sitofp %parallel_loop3A_306 : vector<16xi32> to vector<16xf32>
        %parallel_loop3A_308 = arith.subf %parallel_loop3A_305, %parallel_loop3A_307 : vector<16xf32>
        %parallel_loop3A_309 = arith.addi %parallel_loop3A_306, %add3A_8 : vector<16xi32>
        tpu.vector_store_idx %arg6[%parallel_loop3A_309], %broadcast_in_dim3A_9 {add = true} : memref<4352xf32, #tpu.memory_space<vmem>>[vector<16xi32>], vector<16xf32>,
        tpu.vector_store_idx %arg7[%parallel_loop3A_309], %parallel_loop3A_308 {add = true} : memref<4352xf32, #tpu.memory_space<vmem>>[vector<16xi32>], vector<16xf32>,
        %parallel_loop3A_310 = arith.index_cast %parallel_loop3A_260 : i32 to index
        %parallel_loop3A_311 = arith.constant 112 : index
        %parallel_loop3A_312 = tpu.vector_load %arg4[%parallel_loop3A_310, %parallel_loop3A_311] {strides = array<i32>} : memref<224x224xf32, #tpu.memory_space<vmem>>, vector<16xf32>,
        %parallel_loop3A_313 = arith.fptosi %parallel_loop3A_312 : vector<16xf32> to vector<16xi32>
        %parallel_loop3A_314 = arith.sitofp %parallel_loop3A_313 : vector<16xi32> to vector<16xf32>
        %parallel_loop3A_315 = arith.subf %parallel_loop3A_312, %parallel_loop3A_314 : vector<16xf32>
        %parallel_loop3A_316 = arith.addi %parallel_loop3A_313, %add3A_8 : vector<16xi32>
        tpu.vector_store_idx %arg6[%parallel_loop3A_316], %broadcast_in_dim3A_9 {add = true} : memref<4352xf32, #tpu.memory_space<vmem>>[vector<16xi32>], vector<16xf32>,
        tpu.vector_store_idx %arg7[%parallel_loop3A_316], %parallel_loop3A_315 {add = true} : memref<4352xf32, #tpu.memory_space<vmem>>[vector<16xi32>], vector<16xf32>,
        %parallel_loop3A_317 = arith.index_cast %parallel_loop3A_260 : i32 to index
        %parallel_loop3A_318 = arith.constant 128 : index
        %parallel_loop3A_319 = tpu.vector_load %arg4[%parallel_loop3A_317, %parallel_loop3A_318] {strides = array<i32>} : memref<224x224xf32, #tpu.memory_space<vmem>>, vector<16xf32>,
        %parallel_loop3A_320 = arith.fptosi %parallel_loop3A_319 : vector<16xf32> to vector<16xi32>
        %parallel_loop3A_321 = arith.sitofp %parallel_loop3A_320 : vector<16xi32> to vector<16xf32>
        %parallel_loop3A_322 = arith.subf %parallel_loop3A_319, %parallel_loop3A_321 : vector<16xf32>
        %parallel_loop3A_323 = arith.addi %parallel_loop3A_320, %add3A_8 : vector<16xi32>
        tpu.vector_store_idx %arg6[%parallel_loop3A_323], %broadcast_in_dim3A_9 {add = true} : memref<4352xf32, #tpu.memory_space<vmem>>[vector<16xi32>], vector<16xf32>,
        tpu.vector_store_idx %arg7[%parallel_loop3A_323], %parallel_loop3A_322 {add = true} : memref<4352xf32, #tpu.memory_space<vmem>>[vector<16xi32>], vector<16xf32>,
        %parallel_loop3A_324 = arith.index_cast %parallel_loop3A_260 : i32 to index
        %parallel_loop3A_325 = arith.constant 144 : index
        %parallel_loop3A_326 = tpu.vector_load %arg4[%parallel_loop3A_324, %parallel_loop3A_325] {strides = array<i32>} : memref<224x224xf32, #tpu.memory_space<vmem>>, vector<16xf32>,
        %parallel_loop3A_327 = arith.fptosi %parallel_loop3A_326 : vector<16xf32> to vector<16xi32>
        %parallel_loop3A_328 = arith.sitofp %parallel_loop3A_327 : vector<16xi32> to vector<16xf32>
        %parallel_loop3A_329 = arith.subf %parallel_loop3A_326, %parallel_loop3A_328 : vector<16xf32>
        %parallel_loop3A_330 = arith.addi %parallel_loop3A_327, %add3A_8 : vector<16xi32>
        tpu.vector_store_idx %arg6[%parallel_loop3A_330], %broadcast_in_dim3A_9 {add = true} : memref<4352xf32, #tpu.memory_space<vmem>>[vector<16xi32>], vector<16xf32>,
        tpu.vector_store_idx %arg7[%parallel_loop3A_330], %parallel_loop3A_329 {add = true} : memref<4352xf32, #tpu.memory_space<vmem>>[vector<16xi32>], vector<16xf32>,
        %parallel_loop3A_331 = arith.index_cast %parallel_loop3A_260 : i32 to index
        %parallel_loop3A_332 = arith.constant 160 : index
        %parallel_loop3A_333 = tpu.vector_load %arg4[%parallel_loop3A_331, %parallel_loop3A_332] {strides = array<i32>} : memref<224x224xf32, #tpu.memory_space<vmem>>, vector<16xf32>,
        %parallel_loop3A_334 = arith.fptosi %parallel_loop3A_333 : vector<16xf32> to vector<16xi32>
        %parallel_loop3A_335 = arith.sitofp %parallel_loop3A_334 : vector<16xi32> to vector<16xf32>
        %parallel_loop3A_336 = arith.subf %parallel_loop3A_333, %parallel_loop3A_335 : vector<16xf32>
        %parallel_loop3A_337 = arith.addi %parallel_loop3A_334, %add3A_8 : vector<16xi32>
        tpu.vector_store_idx %arg6[%parallel_loop3A_337], %broadcast_in_dim3A_9 {add = true} : memref<4352xf32, #tpu.memory_space<vmem>>[vector<16xi32>], vector<16xf32>,
        tpu.vector_store_idx %arg7[%parallel_loop3A_337], %parallel_loop3A_336 {add = true} : memref<4352xf32, #tpu.memory_space<vmem>>[vector<16xi32>], vector<16xf32>,
        %parallel_loop3A_338 = arith.index_cast %parallel_loop3A_260 : i32 to index
        %parallel_loop3A_339 = arith.constant 176 : index
        %parallel_loop3A_340 = tpu.vector_load %arg4[%parallel_loop3A_338, %parallel_loop3A_339] {strides = array<i32>} : memref<224x224xf32, #tpu.memory_space<vmem>>, vector<16xf32>,
        %parallel_loop3A_341 = arith.fptosi %parallel_loop3A_340 : vector<16xf32> to vector<16xi32>
        %parallel_loop3A_342 = arith.sitofp %parallel_loop3A_341 : vector<16xi32> to vector<16xf32>
        %parallel_loop3A_343 = arith.subf %parallel_loop3A_340, %parallel_loop3A_342 : vector<16xf32>
        %parallel_loop3A_344 = arith.addi %parallel_loop3A_341, %add3A_8 : vector<16xi32>
        tpu.vector_store_idx %arg6[%parallel_loop3A_344], %broadcast_in_dim3A_9 {add = true} : memref<4352xf32, #tpu.memory_space<vmem>>[vector<16xi32>], vector<16xf32>,
        tpu.vector_store_idx %arg7[%parallel_loop3A_344], %parallel_loop3A_343 {add = true} : memref<4352xf32, #tpu.memory_space<vmem>>[vector<16xi32>], vector<16xf32>,
        %parallel_loop3A_345 = arith.index_cast %parallel_loop3A_260 : i32 to index
        %parallel_loop3A_346 = arith.constant 192 : index
        %parallel_loop3A_347 = tpu.vector_load %arg4[%parallel_loop3A_345, %parallel_loop3A_346] {strides = array<i32>} : memref<224x224xf32, #tpu.memory_space<vmem>>, vector<16xf32>,
        %parallel_loop3A_348 = arith.fptosi %parallel_loop3A_347 : vector<16xf32> to vector<16xi32>
        %parallel_loop3A_349 = arith.sitofp %parallel_loop3A_348 : vector<16xi32> to vector<16xf32>
        %parallel_loop3A_350 = arith.subf %parallel_loop3A_347, %parallel_loop3A_349 : vector<16xf32>
        %parallel_loop3A_351 = arith.addi %parallel_loop3A_348, %add3A_8 : vector<16xi32>
        tpu.vector_store_idx %arg6[%parallel_loop3A_351], %broadcast_in_dim3A_9 {add = true} : memref<4352xf32, #tpu.memory_space<vmem>>[vector<16xi32>], vector<16xf32>,
        tpu.vector_store_idx %arg7[%parallel_loop3A_351], %parallel_loop3A_350 {add = true} : memref<4352xf32, #tpu.memory_space<vmem>>[vector<16xi32>], vector<16xf32>,
        %parallel_loop3A_352 = arith.index_cast %parallel_loop3A_260 : i32 to index
        %parallel_loop3A_353 = arith.constant 208 : index
        %parallel_loop3A_354 = tpu.vector_load %arg4[%parallel_loop3A_352, %parallel_loop3A_353] {strides = array<i32>} : memref<224x224xf32, #tpu.memory_space<vmem>>, vector<16xf32>,
        %parallel_loop3A_355 = arith.fptosi %parallel_loop3A_354 : vector<16xf32> to vector<16xi32>
        %parallel_loop3A_356 = arith.sitofp %parallel_loop3A_355 : vector<16xi32> to vector<16xf32>
        %parallel_loop3A_357 = arith.subf %parallel_loop3A_354, %parallel_loop3A_356 : vector<16xf32>
        %parallel_loop3A_358 = arith.addi %parallel_loop3A_355, %add3A_8 : vector<16xi32>
        tpu.vector_store_idx %arg6[%parallel_loop3A_358], %broadcast_in_dim3A_9 {add = true} : memref<4352xf32, #tpu.memory_space<vmem>>[vector<16xi32>], vector<16xf32>,
        tpu.vector_store_idx %arg7[%parallel_loop3A_358], %parallel_loop3A_357 {add = true} : memref<4352xf32, #tpu.memory_space<vmem>>[vector<16xi32>], vector<16xf32>,
      } {sc.loop_unroll_factor = 2 : i64, sc.parallel_access}
      %add3A_163 = arith.constant 2 : i32
      %add3A_164 = arith.addi %add3A_107, %add3A_163 : i32
      %add3A_165 = arith.constant 12 : i32
      %add3A_166 = arith.addi %mul3A_2, %add3A_165 : i32
      %lt3A_167 = arith.cmpi slt, %add3A_164, %add3A_166 : i32
      %convert_element_type3A = arith.extui %lt3A_167 : i1 to i32
      %cond3A = arith.constant 0 : i32
      %cond3A_168 = arith.cmpi ne, %convert_element_type3A, %cond3A : i32
      scf.if %cond3A_168 {
        %add3A_260 = arith.constant 2 : i32
        %add3A_261 = arith.addi %add3A_107, %add3A_260 : i32
        %jit3A_262 = arith.constant 96 : i32
        %div3A_263 = arith.divsi %add3A_261, %jit3A_262 : i32
        %sign3A_264 = arith.constant 0 : i32
        %sign3A_265 = arith.cmpi sgt, %add3A_261, %sign3A_264 : i32
        %sign3A_266 = arith.extui %sign3A_265 : i1 to i32
        %sign3A_267 = arith.constant 0 : i32
        %sign3A_268 = arith.cmpi slt, %add3A_261, %sign3A_267 : i32
        %sign3A_269 = arith.extui %sign3A_268 : i1 to i32
        %sign3A_270 = arith.subi %sign3A_266, %sign3A_269 : i32
        %sign3A_271 = arith.constant 0 : i32
        %sign3A_272 = arith.cmpi sgt, %jit3A_262, %sign3A_271 : i32
        %sign3A_273 = arith.extui %sign3A_272 : i1 to i32
        %sign3A_274 = arith.constant 0 : i32
        %sign3A_275 = arith.cmpi slt, %jit3A_262, %sign3A_274 : i32
        %sign3A_276 = arith.extui %sign3A_275 : i1 to i32
        %sign3A_277 = arith.subi %sign3A_273, %sign3A_276 : i32
        %ne3A_278 = arith.cmpi ne, %sign3A_270, %sign3A_277 : i32
        %rem3A_279 = arith.remsi %add3A_261, %jit3A_262 : i32
        %ne3A_280 = arith.constant 0 : i32
        %ne3A_281 = arith.cmpi ne, %rem3A_279, %ne3A_280 : i32
        %and3A_282 = arith.andi %ne3A_278, %ne3A_281 : i1
        %sub3A_283 = arith.constant 1 : i32
        %sub3A_284 = arith.subi %div3A_263, %sub3A_283 : i32
        %select_n3A_285 = arith.select %and3A_282, %sub3A_284, %div3A_263 : i32
        %jit3A_286 = arith.constant 96 : i32
        %eq3A_287 = arith.constant 0 : i32
        %eq3A_288 = arith.cmpi eq, %jit3A_286, %eq3A_287 : i32
        %jit3A_289 = arith.constant 1 : i32
        %select_n3A_290 = arith.select %eq3A_288, %jit3A_289, %jit3A_286 : i32
        %rem3A_291 = arith.remsi %add3A_261, %select_n3A_290 : i32
        %ne3A_292 = arith.constant 0 : i32
        %ne3A_293 = arith.cmpi ne, %rem3A_291, %ne3A_292 : i32
        %lt3A_294 = arith.constant 0 : i32
        %lt3A_295 = arith.cmpi slt, %rem3A_291, %lt3A_294 : i32
        %lt3A_296 = arith.constant 0 : i32
        %lt3A_297 = arith.cmpi slt, %select_n3A_290, %lt3A_296 : i32
        %ne3A_298 = arith.xori %lt3A_295, %lt3A_297 : i1
        %and3A_299 = arith.andi %ne3A_298, %ne3A_293 : i1
        %add3A_300 = arith.addi %rem3A_291, %select_n3A_290 : i32
        %select_n3A_301 = arith.select %and3A_299, %add3A_300, %rem3A_291 : i32
        %dma_start3A_302 = arith.constant 0 : i32
        %dma_start3A_303 = arith.constant 0 : i32
        %dma_start3A_304 = tpu.memref_slice %arg2[%select_n3A_285, %select_n3A_301, %dma_start3A_302, %dma_start3A_303] : memref<4x96x224x224xf32, #tpu.memory_space<hbm>> -> memref<1x1x224x224xf32, #tpu.memory_space<hbm>>
        %dma_start3A_305 = tpu.memref_squeeze %dma_start3A_304 : memref<1x1x224x224xf32, #tpu.memory_space<hbm>> -> memref<224x224xf32, #tpu.memory_space<hbm>>
        %dma_start3A_306 = arith.constant 0 : i32
        %dma_start3A_307 = arith.constant 0 : i32
        %dma_start3A_308 = tpu.memref_slice %arg2[%select_n3A_285, %select_n3A_301, %dma_start3A_306, %dma_start3A_307] : memref<4x96x224x224xf32, #tpu.memory_space<hbm>> -> memref<1x1x224x224xf32, #tpu.memory_space<hbm>>
        %dma_start3A_309 = tpu.memref_squeeze %dma_start3A_308 : memref<1x1x224x224xf32, #tpu.memory_space<hbm>> -> memref<224x224xf32, #tpu.memory_space<hbm>>
        tpu.enqueue_dma source(%dma_start3A_309 : memref<224x224xf32, #tpu.memory_space<hbm>>) target(%arg4 : memref<224x224xf32, #tpu.memory_space<vmem>>) target_semaphore(%arg11 : memref<!tpu.dma_semaphore, #tpu.memory_space<semaphore_mem>>)
      } else {
      }
      %scan3A_169 = arith.constant 0 : i32
      %scan3A_170 = arith.constant 0 : i32
      %scan3A_171 = arith.constant 17 : i32
      %scan3A_172 = arith.addi %scan3A_170, %scan3A_171 : i32
      %scan3A_173 = arith.constant 1 : i32
      scf.for %scan3A_260 = %scan3A_170 to %scan3A_172 step %scan3A_173  : i32 {
        %mul3A_261 = arith.constant 16 : i32
        %mul3A_262 = arith.muli %scan3A_260, %mul3A_261 : i32
        %get3A = arith.index_cast %mul3A_262 : i32 to index
        %get3A_263 = tpu.vector_load %arg6[%get3A] {strides = array<i32>} : memref<4352xf32, #tpu.memory_space<vmem>>, vector<16xf32>,
        %get3A_264 = arith.index_cast %mul3A_262 : i32 to index
        %get3A_265 = tpu.vector_load %arg7[%get3A_264] {strides = array<i32>} : memref<4352xf32, #tpu.memory_space<vmem>>, vector<16xf32>,
        %add3A_266 = arith.constant 272 : i32
        %add3A_267 = arith.addi %add3A_266, %mul3A_262 : i32
        %get3A_268 = arith.index_cast %add3A_267 : i32 to index
        %get3A_269 = tpu.vector_load %arg6[%get3A_268] {strides = array<i32>} : memref<4352xf32, #tpu.memory_space<vmem>>, vector<16xf32>,
        %add3A_270 = arith.addf %get3A_263, %get3A_269 : vector<16xf32>
        %add3A_271 = arith.constant 272 : i32
        %add3A_272 = arith.addi %add3A_271, %mul3A_262 : i32
        %get3A_273 = arith.index_cast %add3A_272 : i32 to index
        %get3A_274 = tpu.vector_load %arg7[%get3A_273] {strides = array<i32>} : memref<4352xf32, #tpu.memory_space<vmem>>, vector<16xf32>,
        %add3A_275 = arith.addf %get3A_265, %get3A_274 : vector<16xf32>
        %add3A_276 = arith.constant 544 : i32
        %add3A_277 = arith.addi %add3A_276, %mul3A_262 : i32
        %get3A_278 = arith.index_cast %add3A_277 : i32 to index
        %get3A_279 = tpu.vector_load %arg6[%get3A_278] {strides = array<i32>} : memref<4352xf32, #tpu.memory_space<vmem>>, vector<16xf32>,
        %add3A_280 = arith.addf %add3A_270, %get3A_279 : vector<16xf32>
        %add3A_281 = arith.constant 544 : i32
        %add3A_282 = arith.addi %add3A_281, %mul3A_262 : i32
        %get3A_283 = arith.index_cast %add3A_282 : i32 to index
        %get3A_284 = tpu.vector_load %arg7[%get3A_283] {strides = array<i32>} : memref<4352xf32, #tpu.memory_space<vmem>>, vector<16xf32>,
        %add3A_285 = arith.addf %add3A_275, %get3A_284 : vector<16xf32>
        %add3A_286 = arith.constant 816 : i32
        %add3A_287 = arith.addi %add3A_286, %mul3A_262 : i32
        %get3A_288 = arith.index_cast %add3A_287 : i32 to index
        %get3A_289 = tpu.vector_load %arg6[%get3A_288] {strides = array<i32>} : memref<4352xf32, #tpu.memory_space<vmem>>, vector<16xf32>,
        %add3A_290 = arith.addf %add3A_280, %get3A_289 : vector<16xf32>
        %add3A_291 = arith.constant 816 : i32
        %add3A_292 = arith.addi %add3A_291, %mul3A_262 : i32
        %get3A_293 = arith.index_cast %add3A_292 : i32 to index
        %get3A_294 = tpu.vector_load %arg7[%get3A_293] {strides = array<i32>} : memref<4352xf32, #tpu.memory_space<vmem>>, vector<16xf32>,
        %add3A_295 = arith.addf %add3A_285, %get3A_294 : vector<16xf32>
        %add3A_296 = arith.constant 1088 : i32
        %add3A_297 = arith.addi %add3A_296, %mul3A_262 : i32
        %get3A_298 = arith.index_cast %add3A_297 : i32 to index
        %get3A_299 = tpu.vector_load %arg6[%get3A_298] {strides = array<i32>} : memref<4352xf32, #tpu.memory_space<vmem>>, vector<16xf32>,
        %add3A_300 = arith.addf %add3A_290, %get3A_299 : vector<16xf32>
        %add3A_301 = arith.constant 1088 : i32
        %add3A_302 = arith.addi %add3A_301, %mul3A_262 : i32
        %get3A_303 = arith.index_cast %add3A_302 : i32 to index
        %get3A_304 = tpu.vector_load %arg7[%get3A_303] {strides = array<i32>} : memref<4352xf32, #tpu.memory_space<vmem>>, vector<16xf32>,
        %add3A_305 = arith.addf %add3A_295, %get3A_304 : vector<16xf32>
        %add3A_306 = arith.constant 1360 : i32
        %add3A_307 = arith.addi %add3A_306, %mul3A_262 : i32
        %get3A_308 = arith.index_cast %add3A_307 : i32 to index
        %get3A_309 = tpu.vector_load %arg6[%get3A_308] {strides = array<i32>} : memref<4352xf32, #tpu.memory_space<vmem>>, vector<16xf32>,
        %add3A_310 = arith.addf %add3A_300, %get3A_309 : vector<16xf32>
        %add3A_311 = arith.constant 1360 : i32
        %add3A_312 = arith.addi %add3A_311, %mul3A_262 : i32
        %get3A_313 = arith.index_cast %add3A_312 : i32 to index
        %get3A_314 = tpu.vector_load %arg7[%get3A_313] {strides = array<i32>} : memref<4352xf32, #tpu.memory_space<vmem>>, vector<16xf32>,
        %add3A_315 = arith.addf %add3A_305, %get3A_314 : vector<16xf32>
        %add3A_316 = arith.constant 1632 : i32
        %add3A_317 = arith.addi %add3A_316, %mul3A_262 : i32
        %get3A_318 = arith.index_cast %add3A_317 : i32 to index
        %get3A_319 = tpu.vector_load %arg6[%get3A_318] {strides = array<i32>} : memref<4352xf32, #tpu.memory_space<vmem>>, vector<16xf32>,
        %add3A_320 = arith.addf %add3A_310, %get3A_319 : vector<16xf32>
        %add3A_321 = arith.constant 1632 : i32
        %add3A_322 = arith.addi %add3A_321, %mul3A_262 : i32
        %get3A_323 = arith.index_cast %add3A_322 : i32 to index
        %get3A_324 = tpu.vector_load %arg7[%get3A_323] {strides = array<i32>} : memref<4352xf32, #tpu.memory_space<vmem>>, vector<16xf32>,
        %add3A_325 = arith.addf %add3A_315, %get3A_324 : vector<16xf32>
        %add3A_326 = arith.constant 1904 : i32
        %add3A_327 = arith.addi %add3A_326, %mul3A_262 : i32
        %get3A_328 = arith.index_cast %add3A_327 : i32 to index
        %get3A_329 = tpu.vector_load %arg6[%get3A_328] {strides = array<i32>} : memref<4352xf32, #tpu.memory_space<vmem>>, vector<16xf32>,
        %add3A_330 = arith.addf %add3A_320, %get3A_329 : vector<16xf32>
        %add3A_331 = arith.constant 1904 : i32
        %add3A_332 = arith.addi %add3A_331, %mul3A_262 : i32
        %get3A_333 = arith.index_cast %add3A_332 : i32 to index
        %get3A_334 = tpu.vector_load %arg7[%get3A_333] {strides = array<i32>} : memref<4352xf32, #tpu.memory_space<vmem>>, vector<16xf32>,
        %add3A_335 = arith.addf %add3A_325, %get3A_334 : vector<16xf32>
        %add3A_336 = arith.constant 2176 : i32
        %add3A_337 = arith.addi %add3A_336, %mul3A_262 : i32
        %get3A_338 = arith.index_cast %add3A_337 : i32 to index
        %get3A_339 = tpu.vector_load %arg6[%get3A_338] {strides = array<i32>} : memref<4352xf32, #tpu.memory_space<vmem>>, vector<16xf32>,
        %add3A_340 = arith.addf %add3A_330, %get3A_339 : vector<16xf32>
        %add3A_341 = arith.constant 2176 : i32
        %add3A_342 = arith.addi %add3A_341, %mul3A_262 : i32
        %get3A_343 = arith.index_cast %add3A_342 : i32 to index
        %get3A_344 = tpu.vector_load %arg7[%get3A_343] {strides = array<i32>} : memref<4352xf32, #tpu.memory_space<vmem>>, vector<16xf32>,
        %add3A_345 = arith.addf %add3A_335, %get3A_344 : vector<16xf32>
        %add3A_346 = arith.constant 2448 : i32
        %add3A_347 = arith.addi %add3A_346, %mul3A_262 : i32
        %get3A_348 = arith.index_cast %add3A_347 : i32 to index
        %get3A_349 = tpu.vector_load %arg6[%get3A_348] {strides = array<i32>} : memref<4352xf32, #tpu.memory_space<vmem>>, vector<16xf32>,
        %add3A_350 = arith.addf %add3A_340, %get3A_349 : vector<16xf32>
        %add3A_351 = arith.constant 2448 : i32
        %add3A_352 = arith.addi %add3A_351, %mul3A_262 : i32
        %get3A_353 = arith.index_cast %add3A_352 : i32 to index
        %get3A_354 = tpu.vector_load %arg7[%get3A_353] {strides = array<i32>} : memref<4352xf32, #tpu.memory_space<vmem>>, vector<16xf32>,
        %add3A_355 = arith.addf %add3A_345, %get3A_354 : vector<16xf32>
        %add3A_356 = arith.constant 2720 : i32
        %add3A_357 = arith.addi %add3A_356, %mul3A_262 : i32
        %get3A_358 = arith.index_cast %add3A_357 : i32 to index
        %get3A_359 = tpu.vector_load %arg6[%get3A_358] {strides = array<i32>} : memref<4352xf32, #tpu.memory_space<vmem>>, vector<16xf32>,
        %add3A_360 = arith.addf %add3A_350, %get3A_359 : vector<16xf32>
        %add3A_361 = arith.constant 2720 : i32
        %add3A_362 = arith.addi %add3A_361, %mul3A_262 : i32
        %get3A_363 = arith.index_cast %add3A_362 : i32 to index
        %get3A_364 = tpu.vector_load %arg7[%get3A_363] {strides = array<i32>} : memref<4352xf32, #tpu.memory_space<vmem>>, vector<16xf32>,
        %add3A_365 = arith.addf %add3A_355, %get3A_364 : vector<16xf32>
        %add3A_366 = arith.constant 2992 : i32
        %add3A_367 = arith.addi %add3A_366, %mul3A_262 : i32
        %get3A_368 = arith.index_cast %add3A_367 : i32 to index
        %get3A_369 = tpu.vector_load %arg6[%get3A_368] {strides = array<i32>} : memref<4352xf32, #tpu.memory_space<vmem>>, vector<16xf32>,
        %add3A_370 = arith.addf %add3A_360, %get3A_369 : vector<16xf32>
        %add3A_371 = arith.constant 2992 : i32
        %add3A_372 = arith.addi %add3A_371, %mul3A_262 : i32
        %get3A_373 = arith.index_cast %add3A_372 : i32 to index
        %get3A_374 = tpu.vector_load %arg7[%get3A_373] {strides = array<i32>} : memref<4352xf32, #tpu.memory_space<vmem>>, vector<16xf32>,
        %add3A_375 = arith.addf %add3A_365, %get3A_374 : vector<16xf32>
        %add3A_376 = arith.constant 3264 : i32
        %add3A_377 = arith.addi %add3A_376, %mul3A_262 : i32
        %get3A_378 = arith.index_cast %add3A_377 : i32 to index
        %get3A_379 = tpu.vector_load %arg6[%get3A_378] {strides = array<i32>} : memref<4352xf32, #tpu.memory_space<vmem>>, vector<16xf32>,
        %add3A_380 = arith.addf %add3A_370, %get3A_379 : vector<16xf32>
        %add3A_381 = arith.constant 3264 : i32
        %add3A_382 = arith.addi %add3A_381, %mul3A_262 : i32
        %get3A_383 = arith.index_cast %add3A_382 : i32 to index
        %get3A_384 = tpu.vector_load %arg7[%get3A_383] {strides = array<i32>} : memref<4352xf32, #tpu.memory_space<vmem>>, vector<16xf32>,
        %add3A_385 = arith.addf %add3A_375, %get3A_384 : vector<16xf32>
        %add3A_386 = arith.constant 3536 : i32
        %add3A_387 = arith.addi %add3A_386, %mul3A_262 : i32
        %get3A_388 = arith.index_cast %add3A_387 : i32 to index
        %get3A_389 = tpu.vector_load %arg6[%get3A_388] {strides = array<i32>} : memref<4352xf32, #tpu.memory_space<vmem>>, vector<16xf32>,
        %add3A_390 = arith.addf %add3A_380, %get3A_389 : vector<16xf32>
        %add3A_391 = arith.constant 3536 : i32
        %add3A_392 = arith.addi %add3A_391, %mul3A_262 : i32
        %get3A_393 = arith.index_cast %add3A_392 : i32 to index
        %get3A_394 = tpu.vector_load %arg7[%get3A_393] {strides = array<i32>} : memref<4352xf32, #tpu.memory_space<vmem>>, vector<16xf32>,
        %add3A_395 = arith.addf %add3A_385, %get3A_394 : vector<16xf32>
        %add3A_396 = arith.constant 3808 : i32
        %add3A_397 = arith.addi %add3A_396, %mul3A_262 : i32
        %get3A_398 = arith.index_cast %add3A_397 : i32 to index
        %get3A_399 = tpu.vector_load %arg6[%get3A_398] {strides = array<i32>} : memref<4352xf32, #tpu.memory_space<vmem>>, vector<16xf32>,
        %add3A_400 = arith.addf %add3A_390, %get3A_399 : vector<16xf32>
        %add3A_401 = arith.constant 3808 : i32
        %add3A_402 = arith.addi %add3A_401, %mul3A_262 : i32
        %get3A_403 = arith.index_cast %add3A_402 : i32 to index
        %get3A_404 = tpu.vector_load %arg7[%get3A_403] {strides = array<i32>} : memref<4352xf32, #tpu.memory_space<vmem>>, vector<16xf32>,
        %add3A_405 = arith.addf %add3A_395, %get3A_404 : vector<16xf32>
        %add3A_406 = arith.constant 4080 : i32
        %add3A_407 = arith.addi %add3A_406, %mul3A_262 : i32
        %get3A_408 = arith.index_cast %add3A_407 : i32 to index
        %get3A_409 = tpu.vector_load %arg6[%get3A_408] {strides = array<i32>} : memref<4352xf32, #tpu.memory_space<vmem>>, vector<16xf32>,
        %add3A_410 = arith.addf %add3A_400, %get3A_409 : vector<16xf32>
        %add3A_411 = arith.constant 4080 : i32
        %add3A_412 = arith.addi %add3A_411, %mul3A_262 : i32
        %get3A_413 = arith.index_cast %add3A_412 : i32 to index
        %get3A_414 = tpu.vector_load %arg7[%get3A_413] {strides = array<i32>} : memref<4352xf32, #tpu.memory_space<vmem>>, vector<16xf32>,
        %add3A_415 = arith.addf %add3A_405, %get3A_414 : vector<16xf32>
        %swap3A = arith.index_cast %mul3A_262 : i32 to index
        %swap3A_416 = tpu.vector_load %arg8[%swap3A] {strides = array<i32>} : memref<272xf32, #tpu.memory_space<vmem>>, vector<16xf32>,
        tpu.vector_store %arg8[%swap3A], %add3A_410 {strides = array<i32>} : memref<272xf32, #tpu.memory_space<vmem>>, vector<16xf32>,
        %swap3A_417 = arith.index_cast %mul3A_262 : i32 to index
        %swap3A_418 = tpu.vector_load %arg9[%swap3A_417] {strides = array<i32>} : memref<272xf32, #tpu.memory_space<vmem>>, vector<16xf32>,
        tpu.vector_store %arg9[%swap3A_417], %add3A_415 {strides = array<i32>} : memref<272xf32, #tpu.memory_space<vmem>>, vector<16xf32>,
      }
      %scan3A_174 = arith.constant 17 : i32
      %scan3A_175 = arith.constant 0 : i32
      %scan3A_176 = arith.constant 0 : i32
      %scan3A_177 = arith.constant 16 : i32
      %scan3A_178 = arith.addi %scan3A_176, %scan3A_177 : i32
      %scan3A_179 = arith.constant 1 : i32
      scf.for %scan3A_260 = %scan3A_176 to %scan3A_178 step %scan3A_179  : i32 {
        %mul3A_261 = arith.constant 16 : i32
        %mul3A_262 = arith.muli %scan3A_260, %mul3A_261 : i32
        %add3A_263 = vector.broadcast %mul3A_262 : i32 to vector<16xi32>
        %add3A_264 = arith.addi %iota3A, %add3A_263 : vector<16xi32>
        %add3A_265 = arith.constant 3 : i32
        %add3A_266 = vector.broadcast %add3A_265 : i32 to vector<16xi32>
        %add3A_267 = arith.addi %add3A_264, %add3A_266 : vector<16xi32>
        %gather3A = tpu.vector_load_idx %arg8[%add3A_267] : memref<272xf32, #tpu.memory_space<vmem>>[vector<16xi32>], vector<16xf32>,
        %add3A_268 = arith.constant 2 : i32
        %add3A_269 = vector.broadcast %add3A_268 : i32 to vector<16xi32>
        %add3A_270 = arith.addi %add3A_264, %add3A_269 : vector<16xi32>
        %gather3A_271 = tpu.vector_load_idx %arg8[%add3A_270] : memref<272xf32, #tpu.memory_space<vmem>>[vector<16xi32>], vector<16xf32>,
        %add3A_272 = arith.constant 1 : i32
        %add3A_273 = vector.broadcast %add3A_272 : i32 to vector<16xi32>
        %add3A_274 = arith.addi %add3A_264, %add3A_273 : vector<16xi32>
        %gather3A_275 = tpu.vector_load_idx %arg8[%add3A_274] : memref<272xf32, #tpu.memory_space<vmem>>[vector<16xi32>], vector<16xf32>,
        %add3A_276 = arith.constant 3 : i32
        %add3A_277 = vector.broadcast %add3A_276 : i32 to vector<16xi32>
        %add3A_278 = arith.addi %add3A_264, %add3A_277 : vector<16xi32>
        %gather3A_279 = tpu.vector_load_idx %arg9[%add3A_278] : memref<272xf32, #tpu.memory_space<vmem>>[vector<16xi32>], vector<16xf32>,
        %add3A_280 = arith.constant 2 : i32
        %add3A_281 = vector.broadcast %add3A_280 : i32 to vector<16xi32>
        %add3A_282 = arith.addi %add3A_264, %add3A_281 : vector<16xi32>
        %gather3A_283 = tpu.vector_load_idx %arg9[%add3A_282] : memref<272xf32, #tpu.memory_space<vmem>>[vector<16xi32>], vector<16xf32>,
        %add3A_284 = arith.constant 1 : i32
        %add3A_285 = vector.broadcast %add3A_284 : i32 to vector<16xi32>
        %add3A_286 = arith.addi %add3A_264, %add3A_285 : vector<16xi32>
        %gather3A_287 = tpu.vector_load_idx %arg9[%add3A_286] : memref<272xf32, #tpu.memory_space<vmem>>[vector<16xi32>], vector<16xf32>,
        %gather3A_288 = tpu.vector_load_idx %arg9[%add3A_264] : memref<272xf32, #tpu.memory_space<vmem>>[vector<16xi32>], vector<16xf32>,
        %add3A_289 = arith.addf %gather3A, %gather3A_275 : vector<16xf32>
        %mul3A_290 = arith.constant 5.000000e-01 : f32
        %mul3A_291 = vector.broadcast %mul3A_290 : f32 to vector<16xf32>
        %mul3A_292 = arith.mulf %mul3A_291, %add3A_289 : vector<16xf32>
        %add3A_293 = arith.addf %gather3A_271, %mul3A_292 : vector<16xf32>
        %add3A_294 = arith.addf %gather3A_287, %gather3A_288 : vector<16xf32>
        %add3A_295 = arith.addf %gather3A_279, %gather3A_283 : vector<16xf32>
        %sub3A_296 = arith.subf %add3A_294, %add3A_295 : vector<16xf32>
        %mul3A_297 = arith.constant 5.000000e-01 : f32
        %mul3A_298 = vector.broadcast %mul3A_297 : f32 to vector<16xf32>
        %mul3A_299 = arith.mulf %mul3A_298, %sub3A_296 : vector<16xf32>
        %add3A_300 = arith.addf %add3A_293, %mul3A_299 : vector<16xf32>
        %swap3A = arith.index_cast %mul3A_262 : i32 to index
        %swap3A_301 = tpu.vector_load %arg10[%swap3A] {strides = array<i32>} : memref<256xf32, #tpu.memory_space<vmem>>, vector<16xf32>,
        tpu.vector_store %arg10[%swap3A], %add3A_300 {strides = array<i32>} : memref<256xf32, #tpu.memory_space<vmem>>, vector<16xf32>,
      }
      %scan3A_180 = arith.constant 16 : i32
      "tpu.region"() ({
        %run_scoped3A = tpu.sem_alloc : memref<!tpu.dma_semaphore, #tpu.memory_space<semaphore_mem>>
        %dma_start3A_260 = arith.constant 0 : i32
        %dma_start3A_261 = tpu.memref_slice %arg3[%add3A_107, %dma_start3A_260] : memref<384x256xf32, #tpu.memory_space<hbm>> -> memref<1x256xf32, #tpu.memory_space<hbm>>
        %dma_start3A_262 = tpu.memref_squeeze %dma_start3A_261 : memref<1x256xf32, #tpu.memory_space<hbm>> -> memref<256xf32, #tpu.memory_space<hbm>>
        %dma_start3A_263 = arith.constant 0 : i32
        %dma_start3A_264 = tpu.memref_slice %arg3[%add3A_107, %dma_start3A_263] : memref<384x256xf32, #tpu.memory_space<hbm>> -> memref<1x256xf32, #tpu.memory_space<hbm>>
        %dma_start3A_265 = tpu.memref_squeeze %dma_start3A_264 : memref<1x256xf32, #tpu.memory_space<hbm>> -> memref<256xf32, #tpu.memory_space<hbm>>
        tpu.enqueue_dma source(%arg10 : memref<256xf32, #tpu.memory_space<vmem>>) target(%dma_start3A_265 : memref<256xf32, #tpu.memory_space<hbm>>) target_semaphore(%run_scoped3A : memref<!tpu.dma_semaphore, #tpu.memory_space<semaphore_mem>>)
        %dma_wait3A_266 = arith.constant 0 : i32
        %dma_wait3A_267 = tpu.memref_slice %arg3[%add3A_107, %dma_wait3A_266] : memref<384x256xf32, #tpu.memory_space<hbm>> -> memref<1x256xf32, #tpu.memory_space<hbm>>
        %dma_wait3A_268 = tpu.memref_squeeze %dma_wait3A_267 : memref<1x256xf32, #tpu.memory_space<hbm>> -> memref<256xf32, #tpu.memory_space<hbm>>
        %dma_wait3A_269 = arith.constant 0 : i32
        %dma_wait3A_270 = tpu.memref_slice %arg3[%add3A_107, %dma_wait3A_269] : memref<384x256xf32, #tpu.memory_space<hbm>> -> memref<1x256xf32, #tpu.memory_space<hbm>>
        %dma_wait3A_271 = tpu.memref_squeeze %dma_wait3A_270 : memref<1x256xf32, #tpu.memory_space<hbm>> -> memref<256xf32, #tpu.memory_space<hbm>>
        tpu.wait_dma2 semaphore(%run_scoped3A : memref<!tpu.dma_semaphore, #tpu.memory_space<semaphore_mem>>) src(%arg10 : memref<256xf32, #tpu.memory_space<vmem>>) dst(%dma_wait3A_271 : memref<256xf32, #tpu.memory_space<hbm>>)
        tpu.yield
      }) : () -> ()
      %add3A_181 = arith.constant 1 : i32
      %add3A_182 = arith.addi %add3A_107, %add3A_181 : i32
      %jit3A_183 = arith.constant 96 : i32
      %div3A_184 = arith.divsi %add3A_182, %jit3A_183 : i32
      %sign3A_185 = arith.constant 0 : i32
      %sign3A_186 = arith.cmpi sgt, %add3A_182, %sign3A_185 : i32
      %sign3A_187 = arith.extui %sign3A_186 : i1 to i32
      %sign3A_188 = arith.constant 0 : i32
      %sign3A_189 = arith.cmpi slt, %add3A_182, %sign3A_188 : i32
      %sign3A_190 = arith.extui %sign3A_189 : i1 to i32
      %sign3A_191 = arith.subi %sign3A_187, %sign3A_190 : i32
      %sign3A_192 = arith.constant 0 : i32
      %sign3A_193 = arith.cmpi sgt, %jit3A_183, %sign3A_192 : i32
      %sign3A_194 = arith.extui %sign3A_193 : i1 to i32
      %sign3A_195 = arith.constant 0 : i32
      %sign3A_196 = arith.cmpi slt, %jit3A_183, %sign3A_195 : i32
      %sign3A_197 = arith.extui %sign3A_196 : i1 to i32
      %sign3A_198 = arith.subi %sign3A_194, %sign3A_197 : i32
      %ne3A_199 = arith.cmpi ne, %sign3A_191, %sign3A_198 : i32
      %rem3A_200 = arith.remsi %add3A_182, %jit3A_183 : i32
      %ne3A_201 = arith.constant 0 : i32
      %ne3A_202 = arith.cmpi ne, %rem3A_200, %ne3A_201 : i32
      %and3A_203 = arith.andi %ne3A_199, %ne3A_202 : i1
      %sub3A_204 = arith.constant 1 : i32
      %sub3A_205 = arith.subi %div3A_184, %sub3A_204 : i32
      %select_n3A_206 = arith.select %and3A_203, %sub3A_205, %div3A_184 : i32
      %jit3A_207 = arith.constant 96 : i32
      %eq3A_208 = arith.constant 0 : i32
      %eq3A_209 = arith.cmpi eq, %jit3A_207, %eq3A_208 : i32
      %jit3A_210 = arith.constant 1 : i32
      %select_n3A_211 = arith.select %eq3A_209, %jit3A_210, %jit3A_207 : i32
      %rem3A_212 = arith.remsi %add3A_182, %select_n3A_211 : i32
      %ne3A_213 = arith.constant 0 : i32
      %ne3A_214 = arith.cmpi ne, %rem3A_212, %ne3A_213 : i32
      %lt3A_215 = arith.constant 0 : i32
      %lt3A_216 = arith.cmpi slt, %rem3A_212, %lt3A_215 : i32
      %lt3A_217 = arith.constant 0 : i32
      %lt3A_218 = arith.cmpi slt, %select_n3A_211, %lt3A_217 : i32
      %ne3A_219 = arith.xori %lt3A_216, %lt3A_218 : i1
      %and3A_220 = arith.andi %ne3A_219, %ne3A_214 : i1
      %add3A_221 = arith.addi %rem3A_212, %select_n3A_211 : i32
      %select_n3A_222 = arith.select %and3A_220, %add3A_221, %rem3A_212 : i32
      %dma_wait3A_223 = arith.constant 0 : i32
      %dma_wait3A_224 = arith.constant 0 : i32
      %dma_wait3A_225 = tpu.memref_slice %arg2[%select_n3A_206, %select_n3A_222, %dma_wait3A_223, %dma_wait3A_224] : memref<4x96x224x224xf32, #tpu.memory_space<hbm>> -> memref<1x1x224x224xf32, #tpu.memory_space<hbm>>
      %dma_wait3A_226 = tpu.memref_squeeze %dma_wait3A_225 : memref<1x1x224x224xf32, #tpu.memory_space<hbm>> -> memref<224x224xf32, #tpu.memory_space<hbm>>
      %dma_wait3A_227 = arith.constant 0 : i32
      %dma_wait3A_228 = arith.constant 0 : i32
      %dma_wait3A_229 = tpu.memref_slice %arg2[%select_n3A_206, %select_n3A_222, %dma_wait3A_227, %dma_wait3A_228] : memref<4x96x224x224xf32, #tpu.memory_space<hbm>> -> memref<1x1x224x224xf32, #tpu.memory_space<hbm>>
      %dma_wait3A_230 = tpu.memref_squeeze %dma_wait3A_229 : memref<1x1x224x224xf32, #tpu.memory_space<hbm>> -> memref<224x224xf32, #tpu.memory_space<hbm>>
      tpu.wait_dma2 semaphore(%arg12 : memref<!tpu.dma_semaphore, #tpu.memory_space<semaphore_mem>>) src(%dma_wait3A_230 : memref<224x224xf32, #tpu.memory_space<hbm>>) dst(%arg5 : memref<224x224xf32, #tpu.memory_space<vmem>>)
      %scan3A_231 = arith.constant 0 : i32
      %scan3A_232 = arith.constant 0 : i32
      %scan3A_233 = arith.constant 272 : i32
      %scan3A_234 = arith.addi %scan3A_232, %scan3A_233 : i32
      %scan3A_235 = arith.constant 1 : i32
      scf.for %scan3A_260 = %scan3A_232 to %scan3A_234 step %scan3A_235  : i32 {
        %mul3A_261 = arith.constant 16 : i32
        %mul3A_262 = arith.muli %scan3A_260, %mul3A_261 : i32
        %swap3A = arith.index_cast %mul3A_262 : i32 to index
        %swap3A_263 = tpu.vector_load %arg6[%swap3A] {strides = array<i32>} : memref<4352xf32, #tpu.memory_space<vmem>>, vector<16xf32>,
        tpu.vector_store %arg6[%swap3A], %broadcast_in_dim3A_11 {strides = array<i32>} : memref<4352xf32, #tpu.memory_space<vmem>>, vector<16xf32>,
        %mul3A_264 = arith.constant 16 : i32
        %mul3A_265 = arith.muli %scan3A_260, %mul3A_264 : i32
        %swap3A_266 = arith.index_cast %mul3A_265 : i32 to index
        %swap3A_267 = tpu.vector_load %arg7[%swap3A_266] {strides = array<i32>} : memref<4352xf32, #tpu.memory_space<vmem>>, vector<16xf32>,
        tpu.vector_store %arg7[%swap3A_266], %broadcast_in_dim3A_11 {strides = array<i32>} : memref<4352xf32, #tpu.memory_space<vmem>>, vector<16xf32>,
      }
      %scan3A_236 = arith.constant 272 : i32
      %parallel_loop3A_237 = arith.constant 0 : i32
      %parallel_loop3A_238 = arith.constant 224 : i32
      %parallel_loop3A_239 = arith.constant 1 : i32
      scf.for %parallel_loop3A_260 = %parallel_loop3A_237 to %parallel_loop3A_238 step %parallel_loop3A_239  : i32 {
        %parallel_loop3A_261 = arith.index_cast %parallel_loop3A_260 : i32 to index
        %parallel_loop3A_262 = arith.constant 0 : index
        %parallel_loop3A_263 = tpu.vector_load %arg5[%parallel_loop3A_261, %parallel_loop3A_262] {strides = array<i32>} : memref<224x224xf32, #tpu.memory_space<vmem>>, vector<16xf32>,
        %parallel_loop3A_264 = arith.fptosi %parallel_loop3A_263 : vector<16xf32> to vector<16xi32>
        %parallel_loop3A_265 = arith.sitofp %parallel_loop3A_264 : vector<16xi32> to vector<16xf32>
        %parallel_loop3A_266 = arith.subf %parallel_loop3A_263, %parallel_loop3A_265 : vector<16xf32>
        %parallel_loop3A_267 = arith.addi %parallel_loop3A_264, %add3A_8 : vector<16xi32>
        tpu.vector_store_idx %arg6[%parallel_loop3A_267], %broadcast_in_dim3A_9 {add = true} : memref<4352xf32, #tpu.memory_space<vmem>>[vector<16xi32>], vector<16xf32>,
        tpu.vector_store_idx %arg7[%parallel_loop3A_267], %parallel_loop3A_266 {add = true} : memref<4352xf32, #tpu.memory_space<vmem>>[vector<16xi32>], vector<16xf32>,
        %parallel_loop3A_268 = arith.index_cast %parallel_loop3A_260 : i32 to index
        %parallel_loop3A_269 = arith.constant 16 : index
        %parallel_loop3A_270 = tpu.vector_load %arg5[%parallel_loop3A_268, %parallel_loop3A_269] {strides = array<i32>} : memref<224x224xf32, #tpu.memory_space<vmem>>, vector<16xf32>,
        %parallel_loop3A_271 = arith.fptosi %parallel_loop3A_270 : vector<16xf32> to vector<16xi32>
        %parallel_loop3A_272 = arith.sitofp %parallel_loop3A_271 : vector<16xi32> to vector<16xf32>
        %parallel_loop3A_273 = arith.subf %parallel_loop3A_270, %parallel_loop3A_272 : vector<16xf32>
        %parallel_loop3A_274 = arith.addi %parallel_loop3A_271, %add3A_8 : vector<16xi32>
        tpu.vector_store_idx %arg6[%parallel_loop3A_274], %broadcast_in_dim3A_9 {add = true} : memref<4352xf32, #tpu.memory_space<vmem>>[vector<16xi32>], vector<16xf32>,
        tpu.vector_store_idx %arg7[%parallel_loop3A_274], %parallel_loop3A_273 {add = true} : memref<4352xf32, #tpu.memory_space<vmem>>[vector<16xi32>], vector<16xf32>,
        %parallel_loop3A_275 = arith.index_cast %parallel_loop3A_260 : i32 to index
        %parallel_loop3A_276 = arith.constant 32 : index
        %parallel_loop3A_277 = tpu.vector_load %arg5[%parallel_loop3A_275, %parallel_loop3A_276] {strides = array<i32>} : memref<224x224xf32, #tpu.memory_space<vmem>>, vector<16xf32>,
        %parallel_loop3A_278 = arith.fptosi %parallel_loop3A_277 : vector<16xf32> to vector<16xi32>
        %parallel_loop3A_279 = arith.sitofp %parallel_loop3A_278 : vector<16xi32> to vector<16xf32>
        %parallel_loop3A_280 = arith.subf %parallel_loop3A_277, %parallel_loop3A_279 : vector<16xf32>
        %parallel_loop3A_281 = arith.addi %parallel_loop3A_278, %add3A_8 : vector<16xi32>
        tpu.vector_store_idx %arg6[%parallel_loop3A_281], %broadcast_in_dim3A_9 {add = true} : memref<4352xf32, #tpu.memory_space<vmem>>[vector<16xi32>], vector<16xf32>,
        tpu.vector_store_idx %arg7[%parallel_loop3A_281], %parallel_loop3A_280 {add = true} : memref<4352xf32, #tpu.memory_space<vmem>>[vector<16xi32>], vector<16xf32>,
        %parallel_loop3A_282 = arith.index_cast %parallel_loop3A_260 : i32 to index
        %parallel_loop3A_283 = arith.constant 48 : index
        %parallel_loop3A_284 = tpu.vector_load %arg5[%parallel_loop3A_282, %parallel_loop3A_283] {strides = array<i32>} : memref<224x224xf32, #tpu.memory_space<vmem>>, vector<16xf32>,
        %parallel_loop3A_285 = arith.fptosi %parallel_loop3A_284 : vector<16xf32> to vector<16xi32>
        %parallel_loop3A_286 = arith.sitofp %parallel_loop3A_285 : vector<16xi32> to vector<16xf32>
        %parallel_loop3A_287 = arith.subf %parallel_loop3A_284, %parallel_loop3A_286 : vector<16xf32>
        %parallel_loop3A_288 = arith.addi %parallel_loop3A_285, %add3A_8 : vector<16xi32>
        tpu.vector_store_idx %arg6[%parallel_loop3A_288], %broadcast_in_dim3A_9 {add = true} : memref<4352xf32, #tpu.memory_space<vmem>>[vector<16xi32>], vector<16xf32>,
        tpu.vector_store_idx %arg7[%parallel_loop3A_288], %parallel_loop3A_287 {add = true} : memref<4352xf32, #tpu.memory_space<vmem>>[vector<16xi32>], vector<16xf32>,
        %parallel_loop3A_289 = arith.index_cast %parallel_loop3A_260 : i32 to index
        %parallel_loop3A_290 = arith.constant 64 : index
        %parallel_loop3A_291 = tpu.vector_load %arg5[%parallel_loop3A_289, %parallel_loop3A_290] {strides = array<i32>} : memref<224x224xf32, #tpu.memory_space<vmem>>, vector<16xf32>,
        %parallel_loop3A_292 = arith.fptosi %parallel_loop3A_291 : vector<16xf32> to vector<16xi32>
        %parallel_loop3A_293 = arith.sitofp %parallel_loop3A_292 : vector<16xi32> to vector<16xf32>
        %parallel_loop3A_294 = arith.subf %parallel_loop3A_291, %parallel_loop3A_293 : vector<16xf32>
        %parallel_loop3A_295 = arith.addi %parallel_loop3A_292, %add3A_8 : vector<16xi32>
        tpu.vector_store_idx %arg6[%parallel_loop3A_295], %broadcast_in_dim3A_9 {add = true} : memref<4352xf32, #tpu.memory_space<vmem>>[vector<16xi32>], vector<16xf32>,
        tpu.vector_store_idx %arg7[%parallel_loop3A_295], %parallel_loop3A_294 {add = true} : memref<4352xf32, #tpu.memory_space<vmem>>[vector<16xi32>], vector<16xf32>,
        %parallel_loop3A_296 = arith.index_cast %parallel_loop3A_260 : i32 to index
        %parallel_loop3A_297 = arith.constant 80 : index
        %parallel_loop3A_298 = tpu.vector_load %arg5[%parallel_loop3A_296, %parallel_loop3A_297] {strides = array<i32>} : memref<224x224xf32, #tpu.memory_space<vmem>>, vector<16xf32>,
        %parallel_loop3A_299 = arith.fptosi %parallel_loop3A_298 : vector<16xf32> to vector<16xi32>
        %parallel_loop3A_300 = arith.sitofp %parallel_loop3A_299 : vector<16xi32> to vector<16xf32>
        %parallel_loop3A_301 = arith.subf %parallel_loop3A_298, %parallel_loop3A_300 : vector<16xf32>
        %parallel_loop3A_302 = arith.addi %parallel_loop3A_299, %add3A_8 : vector<16xi32>
        tpu.vector_store_idx %arg6[%parallel_loop3A_302], %broadcast_in_dim3A_9 {add = true} : memref<4352xf32, #tpu.memory_space<vmem>>[vector<16xi32>], vector<16xf32>,
        tpu.vector_store_idx %arg7[%parallel_loop3A_302], %parallel_loop3A_301 {add = true} : memref<4352xf32, #tpu.memory_space<vmem>>[vector<16xi32>], vector<16xf32>,
        %parallel_loop3A_303 = arith.index_cast %parallel_loop3A_260 : i32 to index
        %parallel_loop3A_304 = arith.constant 96 : index
        %parallel_loop3A_305 = tpu.vector_load %arg5[%parallel_loop3A_303, %parallel_loop3A_304] {strides = array<i32>} : memref<224x224xf32, #tpu.memory_space<vmem>>, vector<16xf32>,
        %parallel_loop3A_306 = arith.fptosi %parallel_loop3A_305 : vector<16xf32> to vector<16xi32>
        %parallel_loop3A_307 = arith.sitofp %parallel_loop3A_306 : vector<16xi32> to vector<16xf32>
        %parallel_loop3A_308 = arith.subf %parallel_loop3A_305, %parallel_loop3A_307 : vector<16xf32>
        %parallel_loop3A_309 = arith.addi %parallel_loop3A_306, %add3A_8 : vector<16xi32>
        tpu.vector_store_idx %arg6[%parallel_loop3A_309], %broadcast_in_dim3A_9 {add = true} : memref<4352xf32, #tpu.memory_space<vmem>>[vector<16xi32>], vector<16xf32>,
        tpu.vector_store_idx %arg7[%parallel_loop3A_309], %parallel_loop3A_308 {add = true} : memref<4352xf32, #tpu.memory_space<vmem>>[vector<16xi32>], vector<16xf32>,
        %parallel_loop3A_310 = arith.index_cast %parallel_loop3A_260 : i32 to index
        %parallel_loop3A_311 = arith.constant 112 : index
        %parallel_loop3A_312 = tpu.vector_load %arg5[%parallel_loop3A_310, %parallel_loop3A_311] {strides = array<i32>} : memref<224x224xf32, #tpu.memory_space<vmem>>, vector<16xf32>,
        %parallel_loop3A_313 = arith.fptosi %parallel_loop3A_312 : vector<16xf32> to vector<16xi32>
        %parallel_loop3A_314 = arith.sitofp %parallel_loop3A_313 : vector<16xi32> to vector<16xf32>
        %parallel_loop3A_315 = arith.subf %parallel_loop3A_312, %parallel_loop3A_314 : vector<16xf32>
        %parallel_loop3A_316 = arith.addi %parallel_loop3A_313, %add3A_8 : vector<16xi32>
        tpu.vector_store_idx %arg6[%parallel_loop3A_316], %broadcast_in_dim3A_9 {add = true} : memref<4352xf32, #tpu.memory_space<vmem>>[vector<16xi32>], vector<16xf32>,
        tpu.vector_store_idx %arg7[%parallel_loop3A_316], %parallel_loop3A_315 {add = true} : memref<4352xf32, #tpu.memory_space<vmem>>[vector<16xi32>], vector<16xf32>,
        %parallel_loop3A_317 = arith.index_cast %parallel_loop3A_260 : i32 to index
        %parallel_loop3A_318 = arith.constant 128 : index
        %parallel_loop3A_319 = tpu.vector_load %arg5[%parallel_loop3A_317, %parallel_loop3A_318] {strides = array<i32>} : memref<224x224xf32, #tpu.memory_space<vmem>>, vector<16xf32>,
        %parallel_loop3A_320 = arith.fptosi %parallel_loop3A_319 : vector<16xf32> to vector<16xi32>
        %parallel_loop3A_321 = arith.sitofp %parallel_loop3A_320 : vector<16xi32> to vector<16xf32>
        %parallel_loop3A_322 = arith.subf %parallel_loop3A_319, %parallel_loop3A_321 : vector<16xf32>
        %parallel_loop3A_323 = arith.addi %parallel_loop3A_320, %add3A_8 : vector<16xi32>
        tpu.vector_store_idx %arg6[%parallel_loop3A_323], %broadcast_in_dim3A_9 {add = true} : memref<4352xf32, #tpu.memory_space<vmem>>[vector<16xi32>], vector<16xf32>,
        tpu.vector_store_idx %arg7[%parallel_loop3A_323], %parallel_loop3A_322 {add = true} : memref<4352xf32, #tpu.memory_space<vmem>>[vector<16xi32>], vector<16xf32>,
        %parallel_loop3A_324 = arith.index_cast %parallel_loop3A_260 : i32 to index
        %parallel_loop3A_325 = arith.constant 144 : index
        %parallel_loop3A_326 = tpu.vector_load %arg5[%parallel_loop3A_324, %parallel_loop3A_325] {strides = array<i32>} : memref<224x224xf32, #tpu.memory_space<vmem>>, vector<16xf32>,
        %parallel_loop3A_327 = arith.fptosi %parallel_loop3A_326 : vector<16xf32> to vector<16xi32>
        %parallel_loop3A_328 = arith.sitofp %parallel_loop3A_327 : vector<16xi32> to vector<16xf32>
        %parallel_loop3A_329 = arith.subf %parallel_loop3A_326, %parallel_loop3A_328 : vector<16xf32>
        %parallel_loop3A_330 = arith.addi %parallel_loop3A_327, %add3A_8 : vector<16xi32>
        tpu.vector_store_idx %arg6[%parallel_loop3A_330], %broadcast_in_dim3A_9 {add = true} : memref<4352xf32, #tpu.memory_space<vmem>>[vector<16xi32>], vector<16xf32>,
        tpu.vector_store_idx %arg7[%parallel_loop3A_330], %parallel_loop3A_329 {add = true} : memref<4352xf32, #tpu.memory_space<vmem>>[vector<16xi32>], vector<16xf32>,
        %parallel_loop3A_331 = arith.index_cast %parallel_loop3A_260 : i32 to index
        %parallel_loop3A_332 = arith.constant 160 : index
        %parallel_loop3A_333 = tpu.vector_load %arg5[%parallel_loop3A_331, %parallel_loop3A_332] {strides = array<i32>} : memref<224x224xf32, #tpu.memory_space<vmem>>, vector<16xf32>,
        %parallel_loop3A_334 = arith.fptosi %parallel_loop3A_333 : vector<16xf32> to vector<16xi32>
        %parallel_loop3A_335 = arith.sitofp %parallel_loop3A_334 : vector<16xi32> to vector<16xf32>
        %parallel_loop3A_336 = arith.subf %parallel_loop3A_333, %parallel_loop3A_335 : vector<16xf32>
        %parallel_loop3A_337 = arith.addi %parallel_loop3A_334, %add3A_8 : vector<16xi32>
        tpu.vector_store_idx %arg6[%parallel_loop3A_337], %broadcast_in_dim3A_9 {add = true} : memref<4352xf32, #tpu.memory_space<vmem>>[vector<16xi32>], vector<16xf32>,
        tpu.vector_store_idx %arg7[%parallel_loop3A_337], %parallel_loop3A_336 {add = true} : memref<4352xf32, #tpu.memory_space<vmem>>[vector<16xi32>], vector<16xf32>,
        %parallel_loop3A_338 = arith.index_cast %parallel_loop3A_260 : i32 to index
        %parallel_loop3A_339 = arith.constant 176 : index
        %parallel_loop3A_340 = tpu.vector_load %arg5[%parallel_loop3A_338, %parallel_loop3A_339] {strides = array<i32>} : memref<224x224xf32, #tpu.memory_space<vmem>>, vector<16xf32>,
        %parallel_loop3A_341 = arith.fptosi %parallel_loop3A_340 : vector<16xf32> to vector<16xi32>
        %parallel_loop3A_342 = arith.sitofp %parallel_loop3A_341 : vector<16xi32> to vector<16xf32>
        %parallel_loop3A_343 = arith.subf %parallel_loop3A_340, %parallel_loop3A_342 : vector<16xf32>
        %parallel_loop3A_344 = arith.addi %parallel_loop3A_341, %add3A_8 : vector<16xi32>
        tpu.vector_store_idx %arg6[%parallel_loop3A_344], %broadcast_in_dim3A_9 {add = true} : memref<4352xf32, #tpu.memory_space<vmem>>[vector<16xi32>], vector<16xf32>,
        tpu.vector_store_idx %arg7[%parallel_loop3A_344], %parallel_loop3A_343 {add = true} : memref<4352xf32, #tpu.memory_space<vmem>>[vector<16xi32>], vector<16xf32>,
        %parallel_loop3A_345 = arith.index_cast %parallel_loop3A_260 : i32 to index
        %parallel_loop3A_346 = arith.constant 192 : index
        %parallel_loop3A_347 = tpu.vector_load %arg5[%parallel_loop3A_345, %parallel_loop3A_346] {strides = array<i32>} : memref<224x224xf32, #tpu.memory_space<vmem>>, vector<16xf32>,
        %parallel_loop3A_348 = arith.fptosi %parallel_loop3A_347 : vector<16xf32> to vector<16xi32>
        %parallel_loop3A_349 = arith.sitofp %parallel_loop3A_348 : vector<16xi32> to vector<16xf32>
        %parallel_loop3A_350 = arith.subf %parallel_loop3A_347, %parallel_loop3A_349 : vector<16xf32>
        %parallel_loop3A_351 = arith.addi %parallel_loop3A_348, %add3A_8 : vector<16xi32>
        tpu.vector_store_idx %arg6[%parallel_loop3A_351], %broadcast_in_dim3A_9 {add = true} : memref<4352xf32, #tpu.memory_space<vmem>>[vector<16xi32>], vector<16xf32>,
        tpu.vector_store_idx %arg7[%parallel_loop3A_351], %parallel_loop3A_350 {add = true} : memref<4352xf32, #tpu.memory_space<vmem>>[vector<16xi32>], vector<16xf32>,
        %parallel_loop3A_352 = arith.index_cast %parallel_loop3A_260 : i32 to index
        %parallel_loop3A_353 = arith.constant 208 : index
        %parallel_loop3A_354 = tpu.vector_load %arg5[%parallel_loop3A_352, %parallel_loop3A_353] {strides = array<i32>} : memref<224x224xf32, #tpu.memory_space<vmem>>, vector<16xf32>,
        %parallel_loop3A_355 = arith.fptosi %parallel_loop3A_354 : vector<16xf32> to vector<16xi32>
        %parallel_loop3A_356 = arith.sitofp %parallel_loop3A_355 : vector<16xi32> to vector<16xf32>
        %parallel_loop3A_357 = arith.subf %parallel_loop3A_354, %parallel_loop3A_356 : vector<16xf32>
        %parallel_loop3A_358 = arith.addi %parallel_loop3A_355, %add3A_8 : vector<16xi32>
        tpu.vector_store_idx %arg6[%parallel_loop3A_358], %broadcast_in_dim3A_9 {add = true} : memref<4352xf32, #tpu.memory_space<vmem>>[vector<16xi32>], vector<16xf32>,
        tpu.vector_store_idx %arg7[%parallel_loop3A_358], %parallel_loop3A_357 {add = true} : memref<4352xf32, #tpu.memory_space<vmem>>[vector<16xi32>], vector<16xf32>,
      } {sc.loop_unroll_factor = 2 : i64, sc.parallel_access}
      %add3A_240 = arith.constant 2 : i32
      %add3A_241 = arith.addi %add3A_182, %add3A_240 : i32
      %add3A_242 = arith.constant 12 : i32
      %add3A_243 = arith.addi %mul3A_2, %add3A_242 : i32
      %lt3A_244 = arith.cmpi slt, %add3A_241, %add3A_243 : i32
      %convert_element_type3A_245 = arith.extui %lt3A_244 : i1 to i32
      %cond3A_246 = arith.constant 0 : i32
      %cond3A_247 = arith.cmpi ne, %convert_element_type3A_245, %cond3A_246 : i32
      scf.if %cond3A_247 {
        %add3A_260 = arith.constant 2 : i32
        %add3A_261 = arith.addi %add3A_182, %add3A_260 : i32
        %jit3A_262 = arith.constant 96 : i32
        %div3A_263 = arith.divsi %add3A_261, %jit3A_262 : i32
        %sign3A_264 = arith.constant 0 : i32
        %sign3A_265 = arith.cmpi sgt, %add3A_261, %sign3A_264 : i32
        %sign3A_266 = arith.extui %sign3A_265 : i1 to i32
        %sign3A_267 = arith.constant 0 : i32
        %sign3A_268 = arith.cmpi slt, %add3A_261, %sign3A_267 : i32
        %sign3A_269 = arith.extui %sign3A_268 : i1 to i32
        %sign3A_270 = arith.subi %sign3A_266, %sign3A_269 : i32
        %sign3A_271 = arith.constant 0 : i32
        %sign3A_272 = arith.cmpi sgt, %jit3A_262, %sign3A_271 : i32
        %sign3A_273 = arith.extui %sign3A_272 : i1 to i32
        %sign3A_274 = arith.constant 0 : i32
        %sign3A_275 = arith.cmpi slt, %jit3A_262, %sign3A_274 : i32
        %sign3A_276 = arith.extui %sign3A_275 : i1 to i32
        %sign3A_277 = arith.subi %sign3A_273, %sign3A_276 : i32
        %ne3A_278 = arith.cmpi ne, %sign3A_270, %sign3A_277 : i32
        %rem3A_279 = arith.remsi %add3A_261, %jit3A_262 : i32
        %ne3A_280 = arith.constant 0 : i32
        %ne3A_281 = arith.cmpi ne, %rem3A_279, %ne3A_280 : i32
        %and3A_282 = arith.andi %ne3A_278, %ne3A_281 : i1
        %sub3A_283 = arith.constant 1 : i32
        %sub3A_284 = arith.subi %div3A_263, %sub3A_283 : i32
        %select_n3A_285 = arith.select %and3A_282, %sub3A_284, %div3A_263 : i32
        %jit3A_286 = arith.constant 96 : i32
        %eq3A_287 = arith.constant 0 : i32
        %eq3A_288 = arith.cmpi eq, %jit3A_286, %eq3A_287 : i32
        %jit3A_289 = arith.constant 1 : i32
        %select_n3A_290 = arith.select %eq3A_288, %jit3A_289, %jit3A_286 : i32
        %rem3A_291 = arith.remsi %add3A_261, %select_n3A_290 : i32
        %ne3A_292 = arith.constant 0 : i32
        %ne3A_293 = arith.cmpi ne, %rem3A_291, %ne3A_292 : i32
        %lt3A_294 = arith.constant 0 : i32
        %lt3A_295 = arith.cmpi slt, %rem3A_291, %lt3A_294 : i32
        %lt3A_296 = arith.constant 0 : i32
        %lt3A_297 = arith.cmpi slt, %select_n3A_290, %lt3A_296 : i32
        %ne3A_298 = arith.xori %lt3A_295, %lt3A_297 : i1
        %and3A_299 = arith.andi %ne3A_298, %ne3A_293 : i1
        %add3A_300 = arith.addi %rem3A_291, %select_n3A_290 : i32
        %select_n3A_301 = arith.select %and3A_299, %add3A_300, %rem3A_291 : i32
        %dma_start3A_302 = arith.constant 0 : i32
        %dma_start3A_303 = arith.constant 0 : i32
        %dma_start3A_304 = tpu.memref_slice %arg2[%select_n3A_285, %select_n3A_301, %dma_start3A_302, %dma_start3A_303] : memref<4x96x224x224xf32, #tpu.memory_space<hbm>> -> memref<1x1x224x224xf32, #tpu.memory_space<hbm>>
        %dma_start3A_305 = tpu.memref_squeeze %dma_start3A_304 : memref<1x1x224x224xf32, #tpu.memory_space<hbm>> -> memref<224x224xf32, #tpu.memory_space<hbm>>
        %dma_start3A_306 = arith.constant 0 : i32
        %dma_start3A_307 = arith.constant 0 : i32
        %dma_start3A_308 = tpu.memref_slice %arg2[%select_n3A_285, %select_n3A_301, %dma_start3A_306, %dma_start3A_307] : memref<4x96x224x224xf32, #tpu.memory_space<hbm>> -> memref<1x1x224x224xf32, #tpu.memory_space<hbm>>
        %dma_start3A_309 = tpu.memref_squeeze %dma_start3A_308 : memref<1x1x224x224xf32, #tpu.memory_space<hbm>> -> memref<224x224xf32, #tpu.memory_space<hbm>>
        tpu.enqueue_dma source(%dma_start3A_309 : memref<224x224xf32, #tpu.memory_space<hbm>>) target(%arg5 : memref<224x224xf32, #tpu.memory_space<vmem>>) target_semaphore(%arg12 : memref<!tpu.dma_semaphore, #tpu.memory_space<semaphore_mem>>)
      } else {
      }
      %scan3A_248 = arith.constant 0 : i32
      %scan3A_249 = arith.constant 0 : i32
      %scan3A_250 = arith.constant 17 : i32
      %scan3A_251 = arith.addi %scan3A_249, %scan3A_250 : i32
      %scan3A_252 = arith.constant 1 : i32
      scf.for %scan3A_260 = %scan3A_249 to %scan3A_251 step %scan3A_252  : i32 {
        %mul3A_261 = arith.constant 16 : i32
        %mul3A_262 = arith.muli %scan3A_260, %mul3A_261 : i32
        %get3A = arith.index_cast %mul3A_262 : i32 to index
        %get3A_263 = tpu.vector_load %arg6[%get3A] {strides = array<i32>} : memref<4352xf32, #tpu.memory_space<vmem>>, vector<16xf32>,
        %get3A_264 = arith.index_cast %mul3A_262 : i32 to index
        %get3A_265 = tpu.vector_load %arg7[%get3A_264] {strides = array<i32>} : memref<4352xf32, #tpu.memory_space<vmem>>, vector<16xf32>,
        %add3A_266 = arith.constant 272 : i32
        %add3A_267 = arith.addi %add3A_266, %mul3A_262 : i32
        %get3A_268 = arith.index_cast %add3A_267 : i32 to index
        %get3A_269 = tpu.vector_load %arg6[%get3A_268] {strides = array<i32>} : memref<4352xf32, #tpu.memory_space<vmem>>, vector<16xf32>,
        %add3A_270 = arith.addf %get3A_263, %get3A_269 : vector<16xf32>
        %add3A_271 = arith.constant 272 : i32
        %add3A_272 = arith.addi %add3A_271, %mul3A_262 : i32
        %get3A_273 = arith.index_cast %add3A_272 : i32 to index
        %get3A_274 = tpu.vector_load %arg7[%get3A_273] {strides = array<i32>} : memref<4352xf32, #tpu.memory_space<vmem>>, vector<16xf32>,
        %add3A_275 = arith.addf %get3A_265, %get3A_274 : vector<16xf32>
        %add3A_276 = arith.constant 544 : i32
        %add3A_277 = arith.addi %add3A_276, %mul3A_262 : i32
        %get3A_278 = arith.index_cast %add3A_277 : i32 to index
        %get3A_279 = tpu.vector_load %arg6[%get3A_278] {strides = array<i32>} : memref<4352xf32, #tpu.memory_space<vmem>>, vector<16xf32>,
        %add3A_280 = arith.addf %add3A_270, %get3A_279 : vector<16xf32>
        %add3A_281 = arith.constant 544 : i32
        %add3A_282 = arith.addi %add3A_281, %mul3A_262 : i32
        %get3A_283 = arith.index_cast %add3A_282 : i32 to index
        %get3A_284 = tpu.vector_load %arg7[%get3A_283] {strides = array<i32>} : memref<4352xf32, #tpu.memory_space<vmem>>, vector<16xf32>,
        %add3A_285 = arith.addf %add3A_275, %get3A_284 : vector<16xf32>
        %add3A_286 = arith.constant 816 : i32
        %add3A_287 = arith.addi %add3A_286, %mul3A_262 : i32
        %get3A_288 = arith.index_cast %add3A_287 : i32 to index
        %get3A_289 = tpu.vector_load %arg6[%get3A_288] {strides = array<i32>} : memref<4352xf32, #tpu.memory_space<vmem>>, vector<16xf32>,
        %add3A_290 = arith.addf %add3A_280, %get3A_289 : vector<16xf32>
        %add3A_291 = arith.constant 816 : i32
        %add3A_292 = arith.addi %add3A_291, %mul3A_262 : i32
        %get3A_293 = arith.index_cast %add3A_292 : i32 to index
        %get3A_294 = tpu.vector_load %arg7[%get3A_293] {strides = array<i32>} : memref<4352xf32, #tpu.memory_space<vmem>>, vector<16xf32>,
        %add3A_295 = arith.addf %add3A_285, %get3A_294 : vector<16xf32>
        %add3A_296 = arith.constant 1088 : i32
        %add3A_297 = arith.addi %add3A_296, %mul3A_262 : i32
        %get3A_298 = arith.index_cast %add3A_297 : i32 to index
        %get3A_299 = tpu.vector_load %arg6[%get3A_298] {strides = array<i32>} : memref<4352xf32, #tpu.memory_space<vmem>>, vector<16xf32>,
        %add3A_300 = arith.addf %add3A_290, %get3A_299 : vector<16xf32>
        %add3A_301 = arith.constant 1088 : i32
        %add3A_302 = arith.addi %add3A_301, %mul3A_262 : i32
        %get3A_303 = arith.index_cast %add3A_302 : i32 to index
        %get3A_304 = tpu.vector_load %arg7[%get3A_303] {strides = array<i32>} : memref<4352xf32, #tpu.memory_space<vmem>>, vector<16xf32>,
        %add3A_305 = arith.addf %add3A_295, %get3A_304 : vector<16xf32>
        %add3A_306 = arith.constant 1360 : i32
        %add3A_307 = arith.addi %add3A_306, %mul3A_262 : i32
        %get3A_308 = arith.index_cast %add3A_307 : i32 to index
        %get3A_309 = tpu.vector_load %arg6[%get3A_308] {strides = array<i32>} : memref<4352xf32, #tpu.memory_space<vmem>>, vector<16xf32>,
        %add3A_310 = arith.addf %add3A_300, %get3A_309 : vector<16xf32>
        %add3A_311 = arith.constant 1360 : i32
        %add3A_312 = arith.addi %add3A_311, %mul3A_262 : i32
        %get3A_313 = arith.index_cast %add3A_312 : i32 to index
        %get3A_314 = tpu.vector_load %arg7[%get3A_313] {strides = array<i32>} : memref<4352xf32, #tpu.memory_space<vmem>>, vector<16xf32>,
        %add3A_315 = arith.addf %add3A_305, %get3A_314 : vector<16xf32>
        %add3A_316 = arith.constant 1632 : i32
        %add3A_317 = arith.addi %add3A_316, %mul3A_262 : i32
        %get3A_318 = arith.index_cast %add3A_317 : i32 to index
        %get3A_319 = tpu.vector_load %arg6[%get3A_318] {strides = array<i32>} : memref<4352xf32, #tpu.memory_space<vmem>>, vector<16xf32>,
        %add3A_320 = arith.addf %add3A_310, %get3A_319 : vector<16xf32>
        %add3A_321 = arith.constant 1632 : i32
        %add3A_322 = arith.addi %add3A_321, %mul3A_262 : i32
        %get3A_323 = arith.index_cast %add3A_322 : i32 to index
        %get3A_324 = tpu.vector_load %arg7[%get3A_323] {strides = array<i32>} : memref<4352xf32, #tpu.memory_space<vmem>>, vector<16xf32>,
        %add3A_325 = arith.addf %add3A_315, %get3A_324 : vector<16xf32>
        %add3A_326 = arith.constant 1904 : i32
        %add3A_327 = arith.addi %add3A_326, %mul3A_262 : i32
        %get3A_328 = arith.index_cast %add3A_327 : i32 to index
        %get3A_329 = tpu.vector_load %arg6[%get3A_328] {strides = array<i32>} : memref<4352xf32, #tpu.memory_space<vmem>>, vector<16xf32>,
        %add3A_330 = arith.addf %add3A_320, %get3A_329 : vector<16xf32>
        %add3A_331 = arith.constant 1904 : i32
        %add3A_332 = arith.addi %add3A_331, %mul3A_262 : i32
        %get3A_333 = arith.index_cast %add3A_332 : i32 to index
        %get3A_334 = tpu.vector_load %arg7[%get3A_333] {strides = array<i32>} : memref<4352xf32, #tpu.memory_space<vmem>>, vector<16xf32>,
        %add3A_335 = arith.addf %add3A_325, %get3A_334 : vector<16xf32>
        %add3A_336 = arith.constant 2176 : i32
        %add3A_337 = arith.addi %add3A_336, %mul3A_262 : i32
        %get3A_338 = arith.index_cast %add3A_337 : i32 to index
        %get3A_339 = tpu.vector_load %arg6[%get3A_338] {strides = array<i32>} : memref<4352xf32, #tpu.memory_space<vmem>>, vector<16xf32>,
        %add3A_340 = arith.addf %add3A_330, %get3A_339 : vector<16xf32>
        %add3A_341 = arith.constant 2176 : i32
        %add3A_342 = arith.addi %add3A_341, %mul3A_262 : i32
        %get3A_343 = arith.index_cast %add3A_342 : i32 to index
        %get3A_344 = tpu.vector_load %arg7[%get3A_343] {strides = array<i32>} : memref<4352xf32, #tpu.memory_space<vmem>>, vector<16xf32>,
        %add3A_345 = arith.addf %add3A_335, %get3A_344 : vector<16xf32>
        %add3A_346 = arith.constant 2448 : i32
        %add3A_347 = arith.addi %add3A_346, %mul3A_262 : i32
        %get3A_348 = arith.index_cast %add3A_347 : i32 to index
        %get3A_349 = tpu.vector_load %arg6[%get3A_348] {strides = array<i32>} : memref<4352xf32, #tpu.memory_space<vmem>>, vector<16xf32>,
        %add3A_350 = arith.addf %add3A_340, %get3A_349 : vector<16xf32>
        %add3A_351 = arith.constant 2448 : i32
        %add3A_352 = arith.addi %add3A_351, %mul3A_262 : i32
        %get3A_353 = arith.index_cast %add3A_352 : i32 to index
        %get3A_354 = tpu.vector_load %arg7[%get3A_353] {strides = array<i32>} : memref<4352xf32, #tpu.memory_space<vmem>>, vector<16xf32>,
        %add3A_355 = arith.addf %add3A_345, %get3A_354 : vector<16xf32>
        %add3A_356 = arith.constant 2720 : i32
        %add3A_357 = arith.addi %add3A_356, %mul3A_262 : i32
        %get3A_358 = arith.index_cast %add3A_357 : i32 to index
        %get3A_359 = tpu.vector_load %arg6[%get3A_358] {strides = array<i32>} : memref<4352xf32, #tpu.memory_space<vmem>>, vector<16xf32>,
        %add3A_360 = arith.addf %add3A_350, %get3A_359 : vector<16xf32>
        %add3A_361 = arith.constant 2720 : i32
        %add3A_362 = arith.addi %add3A_361, %mul3A_262 : i32
        %get3A_363 = arith.index_cast %add3A_362 : i32 to index
        %get3A_364 = tpu.vector_load %arg7[%get3A_363] {strides = array<i32>} : memref<4352xf32, #tpu.memory_space<vmem>>, vector<16xf32>,
        %add3A_365 = arith.addf %add3A_355, %get3A_364 : vector<16xf32>
        %add3A_366 = arith.constant 2992 : i32
        %add3A_367 = arith.addi %add3A_366, %mul3A_262 : i32
        %get3A_368 = arith.index_cast %add3A_367 : i32 to index
        %get3A_369 = tpu.vector_load %arg6[%get3A_368] {strides = array<i32>} : memref<4352xf32, #tpu.memory_space<vmem>>, vector<16xf32>,
        %add3A_370 = arith.addf %add3A_360, %get3A_369 : vector<16xf32>
        %add3A_371 = arith.constant 2992 : i32
        %add3A_372 = arith.addi %add3A_371, %mul3A_262 : i32
        %get3A_373 = arith.index_cast %add3A_372 : i32 to index
        %get3A_374 = tpu.vector_load %arg7[%get3A_373] {strides = array<i32>} : memref<4352xf32, #tpu.memory_space<vmem>>, vector<16xf32>,
        %add3A_375 = arith.addf %add3A_365, %get3A_374 : vector<16xf32>
        %add3A_376 = arith.constant 3264 : i32
        %add3A_377 = arith.addi %add3A_376, %mul3A_262 : i32
        %get3A_378 = arith.index_cast %add3A_377 : i32 to index
        %get3A_379 = tpu.vector_load %arg6[%get3A_378] {strides = array<i32>} : memref<4352xf32, #tpu.memory_space<vmem>>, vector<16xf32>,
        %add3A_380 = arith.addf %add3A_370, %get3A_379 : vector<16xf32>
        %add3A_381 = arith.constant 3264 : i32
        %add3A_382 = arith.addi %add3A_381, %mul3A_262 : i32
        %get3A_383 = arith.index_cast %add3A_382 : i32 to index
        %get3A_384 = tpu.vector_load %arg7[%get3A_383] {strides = array<i32>} : memref<4352xf32, #tpu.memory_space<vmem>>, vector<16xf32>,
        %add3A_385 = arith.addf %add3A_375, %get3A_384 : vector<16xf32>
        %add3A_386 = arith.constant 3536 : i32
        %add3A_387 = arith.addi %add3A_386, %mul3A_262 : i32
        %get3A_388 = arith.index_cast %add3A_387 : i32 to index
        %get3A_389 = tpu.vector_load %arg6[%get3A_388] {strides = array<i32>} : memref<4352xf32, #tpu.memory_space<vmem>>, vector<16xf32>,
        %add3A_390 = arith.addf %add3A_380, %get3A_389 : vector<16xf32>
        %add3A_391 = arith.constant 3536 : i32
        %add3A_392 = arith.addi %add3A_391, %mul3A_262 : i32
        %get3A_393 = arith.index_cast %add3A_392 : i32 to index
        %get3A_394 = tpu.vector_load %arg7[%get3A_393] {strides = array<i32>} : memref<4352xf32, #tpu.memory_space<vmem>>, vector<16xf32>,
        %add3A_395 = arith.addf %add3A_385, %get3A_394 : vector<16xf32>
        %add3A_396 = arith.constant 3808 : i32
        %add3A_397 = arith.addi %add3A_396, %mul3A_262 : i32
        %get3A_398 = arith.index_cast %add3A_397 : i32 to index
        %get3A_399 = tpu.vector_load %arg6[%get3A_398] {strides = array<i32>} : memref<4352xf32, #tpu.memory_space<vmem>>, vector<16xf32>,
        %add3A_400 = arith.addf %add3A_390, %get3A_399 : vector<16xf32>
        %add3A_401 = arith.constant 3808 : i32
        %add3A_402 = arith.addi %add3A_401, %mul3A_262 : i32
        %get3A_403 = arith.index_cast %add3A_402 : i32 to index
        %get3A_404 = tpu.vector_load %arg7[%get3A_403] {strides = array<i32>} : memref<4352xf32, #tpu.memory_space<vmem>>, vector<16xf32>,
        %add3A_405 = arith.addf %add3A_395, %get3A_404 : vector<16xf32>
        %add3A_406 = arith.constant 4080 : i32
        %add3A_407 = arith.addi %add3A_406, %mul3A_262 : i32
        %get3A_408 = arith.index_cast %add3A_407 : i32 to index
        %get3A_409 = tpu.vector_load %arg6[%get3A_408] {strides = array<i32>} : memref<4352xf32, #tpu.memory_space<vmem>>, vector<16xf32>,
        %add3A_410 = arith.addf %add3A_400, %get3A_409 : vector<16xf32>
        %add3A_411 = arith.constant 4080 : i32
        %add3A_412 = arith.addi %add3A_411, %mul3A_262 : i32
        %get3A_413 = arith.index_cast %add3A_412 : i32 to index
        %get3A_414 = tpu.vector_load %arg7[%get3A_413] {strides = array<i32>} : memref<4352xf32, #tpu.memory_space<vmem>>, vector<16xf32>,
        %add3A_415 = arith.addf %add3A_405, %get3A_414 : vector<16xf32>
        %swap3A = arith.index_cast %mul3A_262 : i32 to index
        %swap3A_416 = tpu.vector_load %arg8[%swap3A] {strides = array<i32>} : memref<272xf32, #tpu.memory_space<vmem>>, vector<16xf32>,
        tpu.vector_store %arg8[%swap3A], %add3A_410 {strides = array<i32>} : memref<272xf32, #tpu.memory_space<vmem>>, vector<16xf32>,
        %swap3A_417 = arith.index_cast %mul3A_262 : i32 to index
        %swap3A_418 = tpu.vector_load %arg9[%swap3A_417] {strides = array<i32>} : memref<272xf32, #tpu.memory_space<vmem>>, vector<16xf32>,
        tpu.vector_store %arg9[%swap3A_417], %add3A_415 {strides = array<i32>} : memref<272xf32, #tpu.memory_space<vmem>>, vector<16xf32>,
      }
      %scan3A_253 = arith.constant 17 : i32
      %scan3A_254 = arith.constant 0 : i32
      %scan3A_255 = arith.constant 0 : i32
      %scan3A_256 = arith.constant 16 : i32
      %scan3A_257 = arith.addi %scan3A_255, %scan3A_256 : i32
      %scan3A_258 = arith.constant 1 : i32
      scf.for %scan3A_260 = %scan3A_255 to %scan3A_257 step %scan3A_258  : i32 {
        %mul3A_261 = arith.constant 16 : i32
        %mul3A_262 = arith.muli %scan3A_260, %mul3A_261 : i32
        %add3A_263 = vector.broadcast %mul3A_262 : i32 to vector<16xi32>
        %add3A_264 = arith.addi %iota3A, %add3A_263 : vector<16xi32>
        %add3A_265 = arith.constant 3 : i32
        %add3A_266 = vector.broadcast %add3A_265 : i32 to vector<16xi32>
        %add3A_267 = arith.addi %add3A_264, %add3A_266 : vector<16xi32>
        %gather3A = tpu.vector_load_idx %arg8[%add3A_267] : memref<272xf32, #tpu.memory_space<vmem>>[vector<16xi32>], vector<16xf32>,
        %add3A_268 = arith.constant 2 : i32
        %add3A_269 = vector.broadcast %add3A_268 : i32 to vector<16xi32>
        %add3A_270 = arith.addi %add3A_264, %add3A_269 : vector<16xi32>
        %gather3A_271 = tpu.vector_load_idx %arg8[%add3A_270] : memref<272xf32, #tpu.memory_space<vmem>>[vector<16xi32>], vector<16xf32>,
        %add3A_272 = arith.constant 1 : i32
        %add3A_273 = vector.broadcast %add3A_272 : i32 to vector<16xi32>
        %add3A_274 = arith.addi %add3A_264, %add3A_273 : vector<16xi32>
        %gather3A_275 = tpu.vector_load_idx %arg8[%add3A_274] : memref<272xf32, #tpu.memory_space<vmem>>[vector<16xi32>], vector<16xf32>,
        %add3A_276 = arith.constant 3 : i32
        %add3A_277 = vector.broadcast %add3A_276 : i32 to vector<16xi32>
        %add3A_278 = arith.addi %add3A_264, %add3A_277 : vector<16xi32>
        %gather3A_279 = tpu.vector_load_idx %arg9[%add3A_278] : memref<272xf32, #tpu.memory_space<vmem>>[vector<16xi32>], vector<16xf32>,
        %add3A_280 = arith.constant 2 : i32
        %add3A_281 = vector.broadcast %add3A_280 : i32 to vector<16xi32>
        %add3A_282 = arith.addi %add3A_264, %add3A_281 : vector<16xi32>
        %gather3A_283 = tpu.vector_load_idx %arg9[%add3A_282] : memref<272xf32, #tpu.memory_space<vmem>>[vector<16xi32>], vector<16xf32>,
        %add3A_284 = arith.constant 1 : i32
        %add3A_285 = vector.broadcast %add3A_284 : i32 to vector<16xi32>
        %add3A_286 = arith.addi %add3A_264, %add3A_285 : vector<16xi32>
        %gather3A_287 = tpu.vector_load_idx %arg9[%add3A_286] : memref<272xf32, #tpu.memory_space<vmem>>[vector<16xi32>], vector<16xf32>,
        %gather3A_288 = tpu.vector_load_idx %arg9[%add3A_264] : memref<272xf32, #tpu.memory_space<vmem>>[vector<16xi32>], vector<16xf32>,
        %add3A_289 = arith.addf %gather3A, %gather3A_275 : vector<16xf32>
        %mul3A_290 = arith.constant 5.000000e-01 : f32
        %mul3A_291 = vector.broadcast %mul3A_290 : f32 to vector<16xf32>
        %mul3A_292 = arith.mulf %mul3A_291, %add3A_289 : vector<16xf32>
        %add3A_293 = arith.addf %gather3A_271, %mul3A_292 : vector<16xf32>
        %add3A_294 = arith.addf %gather3A_287, %gather3A_288 : vector<16xf32>
        %add3A_295 = arith.addf %gather3A_279, %gather3A_283 : vector<16xf32>
        %sub3A_296 = arith.subf %add3A_294, %add3A_295 : vector<16xf32>
        %mul3A_297 = arith.constant 5.000000e-01 : f32
        %mul3A_298 = vector.broadcast %mul3A_297 : f32 to vector<16xf32>
        %mul3A_299 = arith.mulf %mul3A_298, %sub3A_296 : vector<16xf32>
        %add3A_300 = arith.addf %add3A_293, %mul3A_299 : vector<16xf32>
        %swap3A = arith.index_cast %mul3A_262 : i32 to index
        %swap3A_301 = tpu.vector_load %arg10[%swap3A] {strides = array<i32>} : memref<256xf32, #tpu.memory_space<vmem>>, vector<16xf32>,
        tpu.vector_store %arg10[%swap3A], %add3A_300 {strides = array<i32>} : memref<256xf32, #tpu.memory_space<vmem>>, vector<16xf32>,
      }
      %scan3A_259 = arith.constant 16 : i32
      "tpu.region"() ({
        %run_scoped3A = tpu.sem_alloc : memref<!tpu.dma_semaphore, #tpu.memory_space<semaphore_mem>>
        %dma_start3A_260 = arith.constant 0 : i32
        %dma_start3A_261 = tpu.memref_slice %arg3[%add3A_182, %dma_start3A_260] : memref<384x256xf32, #tpu.memory_space<hbm>> -> memref<1x256xf32, #tpu.memory_space<hbm>>
        %dma_start3A_262 = tpu.memref_squeeze %dma_start3A_261 : memref<1x256xf32, #tpu.memory_space<hbm>> -> memref<256xf32, #tpu.memory_space<hbm>>
        %dma_start3A_263 = arith.constant 0 : i32
        %dma_start3A_264 = tpu.memref_slice %arg3[%add3A_182, %dma_start3A_263] : memref<384x256xf32, #tpu.memory_space<hbm>> -> memref<1x256xf32, #tpu.memory_space<hbm>>
        %dma_start3A_265 = tpu.memref_squeeze %dma_start3A_264 : memref<1x256xf32, #tpu.memory_space<hbm>> -> memref<256xf32, #tpu.memory_space<hbm>>
        tpu.enqueue_dma source(%arg10 : memref<256xf32, #tpu.memory_space<vmem>>) target(%dma_start3A_265 : memref<256xf32, #tpu.memory_space<hbm>>) target_semaphore(%run_scoped3A : memref<!tpu.dma_semaphore, #tpu.memory_space<semaphore_mem>>)
        %dma_wait3A_266 = arith.constant 0 : i32
        %dma_wait3A_267 = tpu.memref_slice %arg3[%add3A_182, %dma_wait3A_266] : memref<384x256xf32, #tpu.memory_space<hbm>> -> memref<1x256xf32, #tpu.memory_space<hbm>>
        %dma_wait3A_268 = tpu.memref_squeeze %dma_wait3A_267 : memref<1x256xf32, #tpu.memory_space<hbm>> -> memref<256xf32, #tpu.memory_space<hbm>>
        %dma_wait3A_269 = arith.constant 0 : i32
        %dma_wait3A_270 = tpu.memref_slice %arg3[%add3A_182, %dma_wait3A_269] : memref<384x256xf32, #tpu.memory_space<hbm>> -> memref<1x256xf32, #tpu.memory_space<hbm>>
        %dma_wait3A_271 = tpu.memref_squeeze %dma_wait3A_270 : memref<1x256xf32, #tpu.memory_space<hbm>> -> memref<256xf32, #tpu.memory_space<hbm>>
        tpu.wait_dma2 semaphore(%run_scoped3A : memref<!tpu.dma_semaphore, #tpu.memory_space<semaphore_mem>>) src(%arg10 : memref<256xf32, #tpu.memory_space<vmem>>) dst(%dma_wait3A_271 : memref<256xf32, #tpu.memory_space<hbm>>)
        tpu.yield
      }) : () -> ()
    }
    %scan3A_103 = arith.constant 6 : i32
    return
  }
}

</mosaic_0001>

<sc_bundles>
// kernel: kernel.3.cloned.1.call-start
scs
__scs_entry_jumppad:
0x0: {  	(pc) =	sbr.rel $0x88, $3  }
0x1: {  	(tag) =	ssettag $0x0;
	lr =	simm.s32 $0x1  }
0x2: {  	[smem:$0x3FA0] =	sst lr;
	_ =	strace $0xD0000000  }
0x3: {  	_ = 	snop  }
0x4: {  	_ = 	snop  }
0x5: {  	_ = 	snop  }
0x6: {  	_ = 	snop  }
0x7: {  	_ = 	snop  }
__scs_overlays_trampoline_lowered:
0x8: {  	[smem:$0x3FAF] =	sst s0  }
0x9: {  	[smem:$0x3FB0] =	sst s1  }
0xa: {  	[smem:$0x3FB1] =	sst s2  }
0xb: {  	[smem:$0x3FB2] =	sst s3  }
0xc: {  	[smem:$0x3FB3] =	sst s4  }
0xd: {  	[smem:$0x3FB4] =	sst s5  }
0xe: {  	[smem:$0x3FB5] =	sst s6  }
0xf: {  	[smem:$0x3FB6] =	sst s7  }
0x10: {  	[smem:$0x3FB7] =	sst s8  }
0x11: {  	[smem:$0x3FB8] =	sst s9;
	s0 =	simm.s32 @!p0 $0x0  }
0x12: {  	s1 =	sld [smem:$0x3F9E];
	s0 =	simm.s32 @p0 $0x1  }
0x13: {  	[smem:$0x3FB9] =	sst s0;
	s0 =	simm.s32 @!p1 $0x0  }
0x14: {  	s2 =	sld [smem:$0x3F9D];
	s0 =	simm.s32 @p1 $0x1  }
0x15: {  	[smem:$0x3FBA] =	sst s0;
	s0 =	simm.s32 @!p2 $0x0  }
0x16: {  	s3 =	sld [smem:$0x3FDB];
	s0 =	simm.s32 @p2 $0x1  }
0x17: {  	s4 =	simm.s32 $0x1BF5;
	[smem:$0x3FBC] =	sst s0  }
0x18: {  	s0 =	sld [smem:$0x3F9F];
	_ =	swait.ge [sflag:s4], $0x0  }
0x19: {  	s7 =	sld [smem:$0x3FA0]  }
0x1a: {  	s8 =	sadd.s32 $0xFFFFE003, lr  }
0x1b: {  	s9 =	sadd.s32 $0xFFFFFEF7, lr;
	s5 =	simm.s32 $0xFFFFFFFF;
	p2 =	slt.u32 s8, $0xFFFFF086  }
0x1c: {  	p1 =	slt.u32 s9, $0xF7A;
	s5 =	simm.s32 @!p2 $0x0  }
0x1d: {  	s5 =	simm.s32 @p1 $0x1;
	p0 =	seq.s32 s7, s2  }
0x1e: {  	s7 =	smul.u32 @!p0 $0xF7A, s2;
	p2 =	seq.s32 @!p0 s5, $0x0  }
0x1f: {  	s9 =	smul.u32 $0xF7A, s1;
	s8 =	simm.s32 @!p0 $0x1BF5;
	p2 =	por !p2, p0  }
0x20: {  	[sflag:s8] =	ssyncset.s32 @!p0 $0xFFFFF086;
	s6 =	sadd.s32 @!p0 s3, s7;
	s7 =	simm.s32 @!p0 $0x108  }
0x21: {  	s3 =	sadd.s32 s3, s9;
	s6 =	sadd.s32 @!p0 $0x88, s6;
	s7 =	simm.s32 @p2 $0x1082  }
0x22: {  	[simem:s7], [sflag:s8] =	dma.local @!p0 [hbm:s6], $0xF7A  }
0x23: {  	s9 =	sor.u32 $0xD0000000, s2;
	s6 =	simm.s32 $0x108;
	_ =	swait.ge @!p0 [sflag:s8], $0x0  }
0x24: {  	s3 =	sadd.s32 $0x88, s3;
	s6 =	simm.s32 @!p1 $0x1082;
	[sflag:s4] =	ssyncset.s32 $0xFFFFF086  }
0x25: {  	[simem:s6], [sflag:s4] =	dma.local [hbm:s3], $0xF7A  }
0x26: {  	[smem:$0x3FA0] =	sst s1;
	(tag) =	ssettag s2;
	_ =	strace s9  }
0x27: {  	s1 =	sld [smem:$0x3FB0]  }
0x28: {  	s2 =	sld [smem:$0x3FB1]  }
0x29: {  	s4 =	sld [smem:$0x3FB3]  }
0x2a: {  	p0 =	seq.s32 s5, $0x0;
	s5 =	sld [smem:$0x3FB4]  }
0x2b: {  	s6 =	sld [smem:$0x3FB5]  }
0x2c: {  	s7 =	sld [smem:$0x3FB6]  }
0x2d: {  	s3 =	simm.s32 $0x108;
	s8 =	sld [smem:$0x3FB7]  }
0x2e: {  	s3 =	simm.s32 @!p0 $0x1082;
	s9 =	sld [smem:$0x3FB8]  }
0x2f: {  	lr =	sadd.s32 s0, s3;
	s0 =	sld [smem:$0x3FAF]  }
0x30: {  	s3 =	sld [smem:$0x3FB2]  }
0x31: {  	[smem:$0x3FBB] =	sst s10  }
0x32: {  	s10 =	sld [smem:$0x3FB9];
	_ =	sdelay $0x3  }
0x33: {  	p0 =	seq.s32 s10, $0x1;
	s10 =	sld [smem:$0x3FBB];
	_ =	sdelay $0x3  }
0x34: {  	[smem:$0x3FBB] =	sst s10  }
0x35: {  	s10 =	sld [smem:$0x3FBA];
	_ =	sdelay $0x3  }
0x36: {  	p1 =	seq.s32 s10, $0x1;
	s10 =	sld [smem:$0x3FBB];
	_ =	sdelay $0x3  }
0x37: {  	[smem:$0x3FBB] =	sst s10  }
0x38: {  	s10 =	sld [smem:$0x3FBC]  }
0x39: {  	_ = 	snop;
	(pc) =	sbr.ind lr, $3  }
0x3a: {  	_ = 	snop  }
0x3b: {  	_ = 	snop  }
0x3c: {  	p2 =	seq.s32 s10, $0x1;
	s10 =	sld [smem:$0x3FBB]  }
0x3d: {  	_ =	shalt  }
0x3e: {  	_ =	shalt  }
0x3f: {  	_ =	shalt  }
0x40: {  	_ =	shalt  }
0x41: {  	_ =	shalt  }
0x42: {  	_ =	shalt  }
0x43: {  	_ =	shalt  }
0x44: {  	_ =	shalt  }
0x45: {  	_ =	shalt  }
0x46: {  	_ =	shalt  }
0x47: {  	_ =	shalt  }
0x48: {  	_ =	shalt  }
0x49: {  	_ =	shalt  }
0x4a: {  	_ =	shalt  }
0x4b: {  	_ =	shalt  }
0x4c: {  	_ =	shalt  }
0x4d: {  	_ =	shalt  }
0x4e: {  	_ =	shalt  }
0x4f: {  	_ =	shalt  }
0x50: {  	_ =	shalt  }
0x51: {  	_ =	shalt  }
0x52: {  	_ =	shalt  }
0x53: {  	_ =	shalt  }
0x54: {  	_ =	shalt  }
0x55: {  	_ =	shalt  }
0x56: {  	_ =	shalt  }
0x57: {  	_ =	shalt  }
0x58: {  	_ =	shalt  }
0x59: {  	_ =	shalt  }
0x5a: {  	_ =	shalt  }
0x5b: {  	_ =	shalt  }
0x5c: {  	_ =	shalt  }
0x5d: {  	_ =	shalt  }
0x5e: {  	_ =	shalt  }
0x5f: {  	_ =	shalt  }
0x60: {  	_ =	shalt  }
0x61: {  	_ =	shalt  }
0x62: {  	_ =	shalt  }
0x63: {  	_ =	shalt  }
0x64: {  	_ =	shalt  }
0x65: {  	_ =	shalt  }
0x66: {  	_ =	shalt  }
0x67: {  	_ =	shalt  }
0x68: {  	_ =	shalt  }
0x69: {  	_ =	shalt  }
0x6a: {  	_ =	shalt  }
0x6b: {  	_ =	shalt  }
0x6c: {  	_ =	shalt  }
0x6d: {  	_ =	shalt  }
0x6e: {  	_ =	shalt  }
0x6f: {  	_ =	shalt  }
0x70: {  	_ =	shalt  }
0x71: {  	_ =	shalt  }
0x72: {  	_ =	shalt  }
0x73: {  	_ =	shalt  }
0x74: {  	_ =	shalt  }
0x75: {  	_ =	shalt  }
0x76: {  	_ =	shalt  }
0x77: {  	_ =	shalt  }
0x78: {  	_ =	shalt  }
0x79: {  	_ =	shalt  }
0x7a: {  	_ =	shalt  }
0x7b: {  	_ =	shalt  }
0x7c: {  	_ =	shalt  }
0x7d: {  	_ =	shalt  }
0x7e: {  	_ =	shalt  }
0x7f: {  	_ =	shalt  }
0x80: {  	_ =	shalt  }
0x81: {  	_ =	shalt  }
0x82: {  	_ =	shalt  }
0x83: {  	_ =	shalt  }
0x84: {  	_ =	shalt  }
0x85: {  	_ =	shalt  }
0x86: {  	_ =	shalt  }
0x87: {  	_ =	shalt  }
.Lfunc_end0:
.L_simem_size_0:
called_computation_lowered:
.L_overlay_start_0:
0x88: {  	s2 =	sld [smem:$0x3FD9]  }
0x89: {  	s3 =	sld [smem:$0x3FFE];
	_ =	sdelay $0x1  }
0x8a: {  	s1 =	srdreg.scid  }
0x8b: {  	s0 =	sand.u32 $0x1, s1  }
0x8c: {  	s18 =	sshll.u32 s0, $0xA;
	s2 =	sadd.s32 s3, s2  }
0x8d: {  	s2 =	sadd.s32 s2, s18  }
0x8e: {  	[smem:$0x3FC7] =	sst s2  }
0x8f: {  	_ = 	snop  }
0x90: {  	s2 =	sld [smem:$0x3FC9]  }
0x91: {  	s19 =	sld [smem:$0x3FD0];
	(tm) =	ssettm $0x1  }
0x92: {  	s4 =	sld [smem:$0x3FFB];
	_ =	sdelay $0x3  }
0x93: {  	_ =	strace s4  }
0x94: {  	s4 =	sld [smem:$0x3FFC];
	_ =	sdelay $0x3  }
0x95: {  	_ =	strace s4  }
0x96: {  	s4 =	sld [smem:$0x3FFD];
	_ =	sdelay $0x3  }
0x97: {  	_ =	strace s4  }
0x98: {  	_ =	strace $0x8FFFFFFF  }
0x99: {  	s20 =	sld [smem:$0x3FDB];
	_ =	sdelay $0x1  }
0x9a: {  	s5 =	simm.s32 $_scs_section_size  }
0x9b: {  	s6 =	simm.s32 $_size__tile_overlayer_lowered;
	s7 =	simm.s32 $_tile_overlayer_lowered  }
0x9c: {  	s23 =	simm.s32 $0x1BFF;
	s22 =	sshll.u32 s7, $0x1;
	s4 =	sadd.s32 s5, s20  }
0x9d: {  	s8 =	simm.s32 $0x0;
	s21 =	sshll.u32 s6, $0x1;
	s6 =	sadd.s32 s22, s4  }
0x9e: {  	[timem:s8], [sflag:s23] =	dma.local [hbm:s6], s21  }
0x9f: {  	_ =	swait.ge [sflag:s23], s21  }
0xa0: {  	s5 =	ssub.s32 $0x0, s21;
	[sflag:s23] =	ssyncset.done $0x0  }
0xa1: {  	[sflag:s23] =	ssyncadd.s32 s5;
	_ =	sdelay $0x1  }
0xa2: {  	s24 =	simm.s32 $0x1B8B  }
0xa3: {  	_ =	swait.ge [sflag:s24], $0x1  }
0xa4: {  	[sflag:s24] =	ssyncset.done $0x0  }
0xa5: {  	s25 =	simm.s32 $0x1B8E;
	[sflag:s24] =	ssyncadd.s32 $0xFFFFFFFF  }
0xa6: {  	s26 =	simm.s32 $execute0_lowered;
	[smem:$0x3FD2] =	sst s25  }
0xa7: {  	s5 =	sshll.u32 s26, $0x1;
	_ =	strace $0x80000046;
	[dreg:$0x1] =	wrdreg $0xFFFFFFFF  }
0xa8: {  	s28 =	simm.s32 $_size_execute0_lowered;
	s4 =	sadd.s32 s4, s5;
	[dreg:$0x0] =	wrdreg $0x0  }
0xa9: {  	s5 =	sshll.u32 s28, $0x1;
	[dreg:$0x2] =	wrdreg s4  }
0xaa: {  	[dreg:$0x3] =	wrdreg s5  }
0xab: {  	[dreg:$0x4] =	wrdreg $0xC0  }
0xac: {  	_ =	task [dreg:s8], $0x5FFFF  }
0xad: {  	[dreg:$0x1] =	wrdreg $0xFFFFFFFF  }
0xae: {  	[dreg:$0x0] =	wrdreg $0x60  }
0xaf: {  	[dreg:$0x2] =	wrdreg s2  }
0xb0: {  	[dreg:$0x3] =	wrdreg s19  }
0xb1: {  	[dreg:$0x4] =	wrdreg $0x9  }
0xb2: {  	_ =	task.clear_ibuf [dreg:s8], $0x5FFFF;
	_ =	strace $0x90000046  }
0xb3: {  	s29 =	simm.s32 $0x9;
	_ =	strace $0x80000048  }
0xb4: {  	_ =	swait.ge [sflag:s29], $0x1  }
0xb5: {  	[sflag:s29] =	ssyncadd.s32 $0xFFFFFFFF  }
0xb6: {  	_ =	strace $0x90000048  }
0xb7: {  	_ =	sfence  }
0xb8: {  	s30 =	sld [smem:$0x0];
	_ =	sdelay $0x2  }
0xb9: {  	s31 =	sshll.u32 s1, $0xD;
	s1 =	sshrl.u32 s1, $0x2  }
0xba: {  	s3 =	sand.u32 $0x4000, s31;
	s1 =	sadd.s32 s1, s30  }
0xbb: {  	s0 =	sor.u32 s3, s0;
	s1 =	sshll.u32 s1, $0x11  }
0xbc: {  	s0 =	sor.u32 s1, s0  }
0xbd: {  	s0 =	sadd.s32 $0x8F2B, s0  }
0xbe: {  	[sflag:s0] =	ssyncadd.remote.s32 $0x1  }
0xbf: {  	_ =	sfence.sel $0xFFFF  }
0xc0: {  	[dreg:$0x0] =	wrdreg $0xFFFFFFFF;
	(pc) =	sbr.abs _section_cstart, $3  }
0xc1: {  	[dreg:$0x1] =	wrdreg $0xFFFFFFFF  }
0xc2: {  	_ =	task.clear_ibuf [dreg:s8], $0x2FFFF;
	_ =	strace $0x9FFFFFFF  }
0xc3: {  	(tm) =	ssettm $0x7FFFFFFF  }
tec
execute0_lowered:
.L_overlay_start_1:
0x0: {  	(tag) =	ssettag $0x1  }
0x1: {  	s1 =	srdreg.scid;
	s0 =	stileid.u32  }
0x2: {  	s2 =	sand.u32 $0x1, s1;
	s31 =	sshll.u32 s0, $0x1  }
0x3: {  	s3 =	sor.u32 s2, s31  }
0x4: {  	s10 =	simm.s32 $0xE000;
	s1 =	smul.u32 $0xC, s3  }
0x5: {  	s11 =	simm.s32 $0x1;
	s12 =	simm.s32 $0x1C000;
	s13 =	simm.s32 $0x1D100  }
0x6: {  	s14 =	simm.s32 $0x1E200;
	s3 =	smul.u32 $0x2004, s3;
	s5 =	sor.u32 $0x1, s1  }
0x7: {  	s15 =	simm.s32 $0x1E380;
	s16 =	simm.s32 $0x80;
	s4 =	smul.u32 $0x2AB, s5  }
0x8: {  	s17 =	simm.s32 $0x400;
	s18 =	simm.s32 $0x1E500;
	s6 =	sshrl.u32 s3, $0x10  }
0x9: {  	s19 =	simm.s32 $0x3;
	s6 =	smul.u32 $0x60, s6;
	s7 =	sshrl.u32 s4, $0x10  }
0xa: {  	s20 =	simm.s32 $0x2;
	s8 =	sshrl.u32 s0, $0x2;
	s7 =	smul.u32 $0x60, s7  }
0xb: {  	s21 =	simm.s32 $0x0;
	s8 =	smul.u32 $0x540000, s8;
	s6 =	ssub.s32 s1, s6  }
0xc: {  	s2 =	ssub.s32 $0x2, s2;
	s6 =	sand.u32 $0xFFFC, s6;
	s7 =	ssub.s32 s5, s7  }
0xd: {  	s9 =	sshrl.u32 s2, $0x1;
	s6 =	smul.u32 $0xE000, s6;
	s7 =	sand.u32 $0xFFFD, s7  }
0xe: {  	s2 =	ssub.s32 s2, s9;
	s3 =	rddreg [dreg:$0x0];
	s7 =	smul.u32 $0xE000, s7  }
0xf: {  	v0 =	vlaneseq.u32;
	s9 =	smax.u32 s2, $0x1;
	s4 =	rddreg [dreg:$0x1];
	s5 =	simm.s32 $0x0  }
0x10: {  	v2 =	vmul.u32 $0x110, v0;
	[smem:$0x7FF] =	sst s5;
	s6 =	sadd.s32 s8, s6;
	s7 =	sadd.s32 s8, s7  }
0x11: {  	_ =	strace $0x80000047;
	s6 =	sshrl.u32 s6, $0x3;
	s7 =	sshrl.u32 s7, $0x3  }
0x12: {  	v1 =	vimm.f32 $0.0e+00;
	v3 =	vimm.f32 $1.000000000e+00;
	v2 =	vor.u32 $0x2, v2;
	s6 =	sadd.s32 s3, s6;
	s8 =	sadd.s32 $0xC, s1;
	s7 =	sadd.s32 s3, s7  }
.LBB2_1:
0x13: {  	[tilespmem:s5], [sflag:$0x1] =	stream.linear.gather [hbm4b:s6+s5], $0xE000, $0x38;
	[tilespmem:$0x1E600] =	vst v63  }
0x14: {  	s22 =	simm.s32 $0x0  }
0x15: {  	[tilespmem:s10], [sflag:$0x2] =	stream.linear.gather [hbm4b:s7+s5], $0xE000, $0x38;
	[tilespmem:$0x1E600] =	vst v63  }
.LBB2_2:
0x16: {  	_ =	swait.ge [sflag:s11], $0xE000  }
0x17: {  	[sflag:s11] =	ssyncset.done $0x0  }
0x18: {  	s2 =	simm.s32 $0x0;
	s23 =	simm.s32 $0x0;
	[sflag:s11] =	ssyncadd.s32 $0xFFFF2000  }
.LBB2_3:
0x19: {  	p0 =	sne.s32 s23, $0x43C0  }
.Ltmp0:
0x1a: {  	_ = 	snop;
	(pc) =	sbr.rel @p0 .LBB2_3-.Ltmp0, $4  }
0x1b: {  	_ = 	snop  }
0x1c: {  	s24 =	sshra.s32 s23, $0x2  }
0x1d: {  	[tilespmem:s24+$0x1C000] =	vst v1  }
0x1e: {  	s23 =	sadd.s32 $0x40, s23;
	[tilespmem:s24+$0x1D100] =	vst v1  }
0x1f: {  	s23 =	sand.u32 $0xF800, s2;
	s26 =	sand.u32 $0x300, s2  }
0x20: {  	s25 =	sor.u32 s26, s23  }
0x21: {  	v4 =	vld [tilespmem:s25+$0x80];
	_ =	sdelay $0x4  }
0x22: {  	v5 =	vtrunc.f32 v4  }
0x23: {  	v6 =	vld [tilespmem:s25+$0x0];
	v5 =	vcvt.f32.s32 v5;
	_ =	sdelay $0x1  }
0x24: {  	v7 =	vadd.s32 v2, v5;
	_ =	sdelay $0x1  }
0x25: {  	v5 =	vcvt.s32.f32 v5  }
0x26: {  	v8 =	vtrunc.f32 v6  }
0x27: {  	v8 =	vcvt.f32.s32 v8;
	v4 =	vsub.f32 v4, v5  }
0x28: {  	[tilespmem:v7+s12+$0x0] =	vst.idx.add.f32.msk $0xffff, v3  }
0x29: {  	v5 =	vadd.s32 v2, v8;
	[tilespmem:v7+s13+$0x0] =	vst.idx.add.f32.msk $0xffff, v4  }
0x2a: {  	v4 =	vld [tilespmem:s25+$0x90]  }
0x2b: {  	v7 =	vcvt.s32.f32 v8;
	_ =	sdelay $0x1  }
0x2c: {  	v6 =	vsub.f32 v6, v7  }
0x2d: {  	[tilespmem:v5+s12+$0x0] =	vst.idx.add.f32.msk $0xffff, v3  }
0x2e: {  	[tilespmem:v5+s13+$0x0] =	vst.idx.add.f32.msk $0xffff, v6;
	v5 =	vtrunc.f32 v4  }
0x2f: {  	v6 =	vld [tilespmem:s25+$0x10];
	v5 =	vcvt.f32.s32 v5;
	_ =	sdelay $0x1  }
0x30: {  	v7 =	vadd.s32 v2, v5;
	_ =	sdelay $0x1  }
0x31: {  	v5 =	vcvt.s32.f32 v5  }
0x32: {  	v8 =	vtrunc.f32 v6  }
0x33: {  	v8 =	vcvt.f32.s32 v8;
	v4 =	vsub.f32 v4, v5  }
0x34: {  	[tilespmem:v7+s12+$0x0] =	vst.idx.add.f32.msk $0xffff, v3  }
0x35: {  	v5 =	vadd.s32 v2, v8;
	[tilespmem:v7+s13+$0x0] =	vst.idx.add.f32.msk $0xffff, v4  }
0x36: {  	v4 =	vld [tilespmem:s25+$0xA0]  }
0x37: {  	v7 =	vcvt.s32.f32 v8;
	_ =	sdelay $0x1  }
0x38: {  	v6 =	vsub.f32 v6, v7  }
0x39: {  	[tilespmem:v5+s12+$0x0] =	vst.idx.add.f32.msk $0xffff, v3  }
0x3a: {  	[tilespmem:v5+s13+$0x0] =	vst.idx.add.f32.msk $0xffff, v6;
	v5 =	vtrunc.f32 v4  }
0x3b: {  	v6 =	vld [tilespmem:s25+$0x20];
	v5 =	vcvt.f32.s32 v5;
	_ =	sdelay $0x1  }
0x3c: {  	v7 =	vadd.s32 v2, v5;
	_ =	sdelay $0x1  }
0x3d: {  	v5 =	vcvt.s32.f32 v5  }
0x3e: {  	v8 =	vtrunc.f32 v6  }
0x3f: {  	v8 =	vcvt.f32.s32 v8;
	v4 =	vsub.f32 v4, v5  }
0x40: {  	[tilespmem:v7+s12+$0x0] =	vst.idx.add.f32.msk $0xffff, v3  }
0x41: {  	v5 =	vadd.s32 v2, v8;
	[tilespmem:v7+s13+$0x0] =	vst.idx.add.f32.msk $0xffff, v4  }
0x42: {  	v4 =	vld [tilespmem:s25+$0xB0]  }
0x43: {  	v7 =	vcvt.s32.f32 v8;
	_ =	sdelay $0x1  }
0x44: {  	v6 =	vsub.f32 v6, v7  }
0x45: {  	[tilespmem:v5+s12+$0x0] =	vst.idx.add.f32.msk $0xffff, v3  }
0x46: {  	[tilespmem:v5+s13+$0x0] =	vst.idx.add.f32.msk $0xffff, v6;
	v5 =	vtrunc.f32 v4  }
0x47: {  	v6 =	vld [tilespmem:s25+$0x30];
	v5 =	vcvt.f32.s32 v5;
	_ =	sdelay $0x1  }
0x48: {  	v7 =	vadd.s32 v2, v5;
	_ =	sdelay $0x1  }
0x49: {  	v5 =	vcvt.s32.f32 v5  }
0x4a: {  	v8 =	vtrunc.f32 v6  }
0x4b: {  	v8 =	vcvt.f32.s32 v8;
	v4 =	vsub.f32 v4, v5  }
0x4c: {  	[tilespmem:v7+s12+$0x0] =	vst.idx.add.f32.msk $0xffff, v3  }
0x4d: {  	v5 =	vadd.s32 v2, v8;
	[tilespmem:v7+s13+$0x0] =	vst.idx.add.f32.msk $0xffff, v4  }
0x4e: {  	v4 =	vld [tilespmem:s25+$0xC0]  }
0x4f: {  	v7 =	vcvt.s32.f32 v8;
	_ =	sdelay $0x1  }
0x50: {  	v6 =	vsub.f32 v6, v7  }
0x51: {  	[tilespmem:v5+s12+$0x0] =	vst.idx.add.f32.msk $0xffff, v3  }
0x52: {  	[tilespmem:v5+s13+$0x0] =	vst.idx.add.f32.msk $0xffff, v6;
	v5 =	vtrunc.f32 v4  }
0x53: {  	v6 =	vld [tilespmem:s25+$0x40];
	v5 =	vcvt.f32.s32 v5;
	_ =	sdelay $0x1  }
0x54: {  	v7 =	vadd.s32 v2, v5;
	_ =	sdelay $0x1  }
0x55: {  	v5 =	vcvt.s32.f32 v5  }
0x56: {  	v8 =	vtrunc.f32 v6  }
0x57: {  	v8 =	vcvt.f32.s32 v8;
	v4 =	vsub.f32 v4, v5  }
0x58: {  	[tilespmem:v7+s12+$0x0] =	vst.idx.add.f32.msk $0xffff, v3  }
0x59: {  	v5 =	vadd.s32 v2, v8;
	[tilespmem:v7+s13+$0x0] =	vst.idx.add.f32.msk $0xffff, v4  }
0x5a: {  	v4 =	vld [tilespmem:s25+$0xD0]  }
0x5b: {  	v7 =	vcvt.s32.f32 v8;
	_ =	sdelay $0x1  }
0x5c: {  	v6 =	vsub.f32 v6, v7  }
0x5d: {  	[tilespmem:v5+s12+$0x0] =	vst.idx.add.f32.msk $0xffff, v3  }
0x5e: {  	[tilespmem:v5+s13+$0x0] =	vst.idx.add.f32.msk $0xffff, v6;
	v5 =	vtrunc.f32 v4  }
0x5f: {  	s29 =	simm.s32 $0x100;
	s30 =	simm.s32 $0x200;
	v6 =	vld [tilespmem:s25+$0x50];
	v5 =	vcvt.f32.s32 v5  }
0x60: {  	s23 =	sand.u32 $0xF800, s30;
	s2 =	sand.u32 $0x300, s29  }
0x61: {  	s23 =	sor.u32 s2, s23;
	v7 =	vadd.s32 v2, v5  }
0x62: {  	v8 =	vld [tilespmem:s23+$0x80]  }
0x63: {  	v5 =	vcvt.s32.f32 v5  }
0x64: {  	v9 =	vtrunc.f32 v6  }
0x65: {  	v10 =	vld [tilespmem:s23+$0x0];
	v9 =	vcvt.f32.s32 v9;
	v4 =	vsub.f32 v4, v5  }
0x66: {  	[tilespmem:v7+s12+$0x0] =	vst.idx.add.f32.msk $0xffff, v3  }
0x67: {  	v11 =	vtrunc.f32 v8;
	v5 =	vadd.s32 v2, v9;
	[tilespmem:v7+s13+$0x0] =	vst.idx.add.f32.msk $0xffff, v4  }
0x68: {  	v4 =	vcvt.f32.s32 v11;
	v7 =	vld [tilespmem:s25+$0xE0]  }
0x69: {  	v9 =	vcvt.s32.f32 v9  }
0x6a: {  	v11 =	vtrunc.f32 v10;
	v12 =	vadd.s32 v2, v4  }
0x6b: {  	v6 =	vsub.f32 v6, v9;
	v9 =	vcvt.f32.s32 v11  }
0x6c: {  	v4 =	vcvt.s32.f32 v4;
	[tilespmem:v5+s12+$0x0] =	vst.idx.add.f32.msk $0xffff, v3  }
0x6d: {  	[tilespmem:v5+s13+$0x0] =	vst.idx.add.f32.msk $0xffff, v6;
	v5 =	vadd.s32 v2, v9;
	v6 =	vtrunc.f32 v7  }
0x6e: {  	v4 =	vsub.f32 v8, v4;
	v11 =	vld [tilespmem:s25+$0x60];
	v6 =	vcvt.f32.s32 v6  }
0x6f: {  	v8 =	vcvt.s32.f32 v9;
	[tilespmem:v12+s12+$0x0] =	vst.idx.add.f32.msk $0xffff, v3  }
0x70: {  	[tilespmem:v12+s13+$0x0] =	vst.idx.add.f32.msk $0xffff, v4;
	v4 =	vadd.s32 v2, v6  }
0x71: {  	v8 =	vsub.f32 v10, v8;
	v9 =	vld [tilespmem:s23+$0x90]  }
0x72: {  	[tilespmem:v5+s12+$0x0] =	vst.idx.add.f32.msk $0xffff, v3;
	v6 =	vcvt.s32.f32 v6  }
0x73: {  	v10 =	vtrunc.f32 v11;
	[tilespmem:v5+s13+$0x0] =	vst.idx.add.f32.msk $0xffff, v8  }
0x74: {  	v5 =	vcvt.f32.s32 v10;
	v8 =	vld [tilespmem:s23+$0x10];
	v6 =	vsub.f32 v7, v6  }
0x75: {  	[tilespmem:v4+s12+$0x0] =	vst.idx.add.f32.msk $0xffff, v3  }
0x76: {  	v7 =	vadd.s32 v2, v5;
	v10 =	vtrunc.f32 v9;
	[tilespmem:v4+s13+$0x0] =	vst.idx.add.f32.msk $0xffff, v6  }
0x77: {  	v4 =	vcvt.f32.s32 v10;
	v6 =	vld [tilespmem:s25+$0xF0]  }
0x78: {  	v5 =	vcvt.s32.f32 v5  }
0x79: {  	v10 =	vtrunc.f32 v8;
	v12 =	vadd.s32 v2, v4  }
0x7a: {  	v5 =	vsub.f32 v11, v5;
	v10 =	vcvt.f32.s32 v10  }
0x7b: {  	v4 =	vcvt.s32.f32 v4;
	[tilespmem:v7+s12+$0x0] =	vst.idx.add.f32.msk $0xffff, v3  }
0x7c: {  	[tilespmem:v7+s13+$0x0] =	vst.idx.add.f32.msk $0xffff, v5;
	v5 =	vadd.s32 v2, v10;
	v7 =	vtrunc.f32 v6  }
0x7d: {  	v4 =	vsub.f32 v9, v4;
	v11 =	vld [tilespmem:s25+$0x70];
	v7 =	vcvt.f32.s32 v7  }
0x7e: {  	v9 =	vcvt.s32.f32 v10;
	[tilespmem:v12+s12+$0x0] =	vst.idx.add.f32.msk $0xffff, v3  }
0x7f: {  	[tilespmem:v12+s13+$0x0] =	vst.idx.add.f32.msk $0xffff, v4;
	v4 =	vadd.s32 v2, v7  }
0x80: {  	v8 =	vsub.f32 v8, v9;
	v9 =	vld [tilespmem:s23+$0xA0]  }
0x81: {  	[tilespmem:v5+s12+$0x0] =	vst.idx.add.f32.msk $0xffff, v3;
	v7 =	vcvt.s32.f32 v7  }
0x82: {  	v10 =	vtrunc.f32 v11;
	[tilespmem:v5+s13+$0x0] =	vst.idx.add.f32.msk $0xffff, v8  }
0x83: {  	v5 =	vcvt.f32.s32 v10;
	v8 =	vld [tilespmem:s23+$0x20];
	v6 =	vsub.f32 v6, v7  }
0x84: {  	[tilespmem:v4+s12+$0x0] =	vst.idx.add.f32.msk $0xffff, v3  }
0x85: {  	v7 =	vadd.s32 v2, v5;
	v10 =	vtrunc.f32 v9;
	[tilespmem:v4+s13+$0x0] =	vst.idx.add.f32.msk $0xffff, v6  }
0x86: {  	v4 =	vcvt.f32.s32 v10;
	v6 =	vld [tilespmem:s25+$0x480]  }
0x87: {  	v5 =	vcvt.s32.f32 v5  }
0x88: {  	v10 =	vtrunc.f32 v8;
	v12 =	vadd.s32 v2, v4  }
0x89: {  	v5 =	vsub.f32 v11, v5;
	v10 =	vcvt.f32.s32 v10  }
0x8a: {  	v4 =	vcvt.s32.f32 v4;
	[tilespmem:v7+s12+$0x0] =	vst.idx.add.f32.msk $0xffff, v3  }
0x8b: {  	[tilespmem:v7+s13+$0x0] =	vst.idx.add.f32.msk $0xffff, v5;
	v5 =	vadd.s32 v2, v10;
	v7 =	vtrunc.f32 v6  }
0x8c: {  	v4 =	vsub.f32 v9, v4;
	v11 =	vld [tilespmem:s25+$0x400];
	v7 =	vcvt.f32.s32 v7  }
0x8d: {  	v9 =	vcvt.s32.f32 v10;
	[tilespmem:v12+s12+$0x0] =	vst.idx.add.f32.msk $0xffff, v3  }
0x8e: {  	[tilespmem:v12+s13+$0x0] =	vst.idx.add.f32.msk $0xffff, v4;
	v4 =	vadd.s32 v2, v7  }
0x8f: {  	v8 =	vsub.f32 v8, v9;
	v9 =	vld [tilespmem:s23+$0xB0]  }
0x90: {  	[tilespmem:v5+s12+$0x0] =	vst.idx.add.f32.msk $0xffff, v3;
	v7 =	vcvt.s32.f32 v7  }
0x91: {  	v10 =	vtrunc.f32 v11;
	[tilespmem:v5+s13+$0x0] =	vst.idx.add.f32.msk $0xffff, v8  }
0x92: {  	v5 =	vcvt.f32.s32 v10;
	v8 =	vld [tilespmem:s23+$0x30];
	v6 =	vsub.f32 v6, v7  }
0x93: {  	[tilespmem:v4+s12+$0x0] =	vst.idx.add.f32.msk $0xffff, v3  }
0x94: {  	v7 =	vadd.s32 v2, v5;
	v10 =	vtrunc.f32 v9;
	[tilespmem:v4+s13+$0x0] =	vst.idx.add.f32.msk $0xffff, v6  }
0x95: {  	v4 =	vcvt.f32.s32 v10;
	v6 =	vld [tilespmem:s25+$0x490]  }
0x96: {  	v5 =	vcvt.s32.f32 v5  }
0x97: {  	v10 =	vtrunc.f32 v8;
	v12 =	vadd.s32 v2, v4  }
0x98: {  	v5 =	vsub.f32 v11, v5;
	v10 =	vcvt.f32.s32 v10  }
0x99: {  	v4 =	vcvt.s32.f32 v4;
	[tilespmem:v7+s12+$0x0] =	vst.idx.add.f32.msk $0xffff, v3  }
0x9a: {  	[tilespmem:v7+s13+$0x0] =	vst.idx.add.f32.msk $0xffff, v5;
	v5 =	vadd.s32 v2, v10;
	v7 =	vtrunc.f32 v6  }
0x9b: {  	v4 =	vsub.f32 v9, v4;
	v11 =	vld [tilespmem:s25+$0x410];
	v7 =	vcvt.f32.s32 v7  }
0x9c: {  	v9 =	vcvt.s32.f32 v10;
	[tilespmem:v12+s12+$0x0] =	vst.idx.add.f32.msk $0xffff, v3  }
0x9d: {  	[tilespmem:v12+s13+$0x0] =	vst.idx.add.f32.msk $0xffff, v4;
	v4 =	vadd.s32 v2, v7  }
0x9e: {  	v8 =	vsub.f32 v8, v9;
	v9 =	vld [tilespmem:s23+$0xC0]  }
0x9f: {  	[tilespmem:v5+s12+$0x0] =	vst.idx.add.f32.msk $0xffff, v3;
	v7 =	vcvt.s32.f32 v7  }
0xa0: {  	v10 =	vtrunc.f32 v11;
	[tilespmem:v5+s13+$0x0] =	vst.idx.add.f32.msk $0xffff, v8  }
0xa1: {  	v5 =	vcvt.f32.s32 v10;
	v8 =	vld [tilespmem:s23+$0x40];
	v6 =	vsub.f32 v6, v7  }
0xa2: {  	[tilespmem:v4+s12+$0x0] =	vst.idx.add.f32.msk $0xffff, v3  }
0xa3: {  	v7 =	vadd.s32 v2, v5;
	v10 =	vtrunc.f32 v9;
	[tilespmem:v4+s13+$0x0] =	vst.idx.add.f32.msk $0xffff, v6  }
0xa4: {  	v4 =	vcvt.f32.s32 v10;
	v6 =	vld [tilespmem:s25+$0x4A0]  }
0xa5: {  	v5 =	vcvt.s32.f32 v5  }
0xa6: {  	v10 =	vtrunc.f32 v8;
	v12 =	vadd.s32 v2, v4  }
0xa7: {  	v5 =	vsub.f32 v11, v5;
	v10 =	vcvt.f32.s32 v10  }
0xa8: {  	v4 =	vcvt.s32.f32 v4;
	[tilespmem:v7+s12+$0x0] =	vst.idx.add.f32.msk $0xffff, v3  }
0xa9: {  	[tilespmem:v7+s13+$0x0] =	vst.idx.add.f32.msk $0xffff, v5;
	v5 =	vadd.s32 v2, v10;
	v7 =	vtrunc.f32 v6  }
0xaa: {  	v4 =	vsub.f32 v9, v4;
	v11 =	vld [tilespmem:s25+$0x420];
	v7 =	vcvt.f32.s32 v7  }
0xab: {  	v9 =	vcvt.s32.f32 v10;
	[tilespmem:v12+s12+$0x0] =	vst.idx.add.f32.msk $0xffff, v3  }
0xac: {  	[tilespmem:v12+s13+$0x0] =	vst.idx.add.f32.msk $0xffff, v4;
	v4 =	vadd.s32 v2, v7  }
0xad: {  	v8 =	vsub.f32 v8, v9;
	v9 =	vld [tilespmem:s23+$0xD0]  }
0xae: {  	[tilespmem:v5+s12+$0x0] =	vst.idx.add.f32.msk $0xffff, v3;
	v7 =	vcvt.s32.f32 v7  }
0xaf: {  	v10 =	vtrunc.f32 v11;
	[tilespmem:v5+s13+$0x0] =	vst.idx.add.f32.msk $0xffff, v8  }
0xb0: {  	v5 =	vcvt.f32.s32 v10;
	v8 =	vld [tilespmem:s23+$0x50];
	v6 =	vsub.f32 v6, v7  }
0xb1: {  	[tilespmem:v4+s12+$0x0] =	vst.idx.add.f32.msk $0xffff, v3  }
0xb2: {  	v7 =	vadd.s32 v2, v5;
	v10 =	vtrunc.f32 v9;
	[tilespmem:v4+s13+$0x0] =	vst.idx.add.f32.msk $0xffff, v6  }
0xb3: {  	s31 =	simm.s32 $0x200;
	s24 =	simm.s32 $0x400;
	v4 =	vcvt.f32.s32 v10;
	v6 =	vld [tilespmem:s25+$0x4B0]  }
0xb4: {  	s24 =	sand.u32 $0xF800, s24;
	s2 =	sand.u32 $0x300, s31;
	v5 =	vcvt.s32.f32 v5  }
0xb5: {  	s24 =	sor.u32 s2, s24;
	v10 =	vtrunc.f32 v8;
	v12 =	vadd.s32 v2, v4  }
0xb6: {  	v5 =	vsub.f32 v11, v5;
	v11 =	vld [tilespmem:s24+$0x80];
	v10 =	vcvt.f32.s32 v10  }
0xb7: {  	v4 =	vcvt.s32.f32 v4;
	[tilespmem:v7+s12+$0x0] =	vst.idx.add.f32.msk $0xffff, v3  }
0xb8: {  	[tilespmem:v7+s13+$0x0] =	vst.idx.add.f32.msk $0xffff, v5;
	v5 =	vadd.s32 v2, v10;
	v7 =	vtrunc.f32 v6  }
0xb9: {  	v13 =	vld [tilespmem:s24+$0x0];
	v4 =	vsub.f32 v9, v4;
	v7 =	vcvt.f32.s32 v7  }
0xba: {  	v9 =	vcvt.s32.f32 v10;
	[tilespmem:v12+s12+$0x0] =	vst.idx.add.f32.msk $0xffff, v3  }
0xbb: {  	v10 =	vtrunc.f32 v11;
	[tilespmem:v12+s13+$0x0] =	vst.idx.add.f32.msk $0xffff, v4;
	v4 =	vadd.s32 v2, v7  }
0xbc: {  	v8 =	vsub.f32 v8, v9;
	v9 =	vcvt.f32.s32 v10;
	v10 =	vld [tilespmem:s23+$0xE0]  }
0xbd: {  	[tilespmem:v5+s12+$0x0] =	vst.idx.add.f32.msk $0xffff, v3;
	v7 =	vcvt.s32.f32 v7  }
0xbe: {  	v12 =	vtrunc.f32 v13;
	v14 =	vadd.s32 v2, v9;
	[tilespmem:v5+s13+$0x0] =	vst.idx.add.f32.msk $0xffff, v8  }
0xbf: {  	v5 =	vcvt.f32.s32 v12;
	v8 =	vld [tilespmem:s23+$0x60];
	v6 =	vsub.f32 v6, v7  }
0xc0: {  	v7 =	vcvt.s32.f32 v9;
	[tilespmem:v4+s12+$0x0] =	vst.idx.add.f32.msk $0xffff, v3  }
0xc1: {  	v9 =	vadd.s32 v2, v5;
	v12 =	vtrunc.f32 v10;
	[tilespmem:v4+s13+$0x0] =	vst.idx.add.f32.msk $0xffff, v6  }
0xc2: {  	v4 =	vsub.f32 v11, v7;
	v6 =	vcvt.f32.s32 v12;
	v7 =	vld [tilespmem:s25+$0x4C0]  }
0xc3: {  	v5 =	vcvt.s32.f32 v5;
	[tilespmem:v14+s12+$0x0] =	vst.idx.add.f32.msk $0xffff, v3  }
0xc4: {  	[tilespmem:v14+s13+$0x0] =	vst.idx.add.f32.msk $0xffff, v4;
	v4 =	vtrunc.f32 v8;
	v11 =	vadd.s32 v2, v6  }
0xc5: {  	v5 =	vsub.f32 v13, v5;
	v12 =	vld [tilespmem:s24+$0x90];
	v4 =	vcvt.f32.s32 v4  }
0xc6: {  	[tilespmem:v9+s12+$0x0] =	vst.idx.add.f32.msk $0xffff, v3;
	v6 =	vcvt.s32.f32 v6  }
0xc7: {  	[tilespmem:v9+s13+$0x0] =	vst.idx.add.f32.msk $0xffff, v5;
	v5 =	vadd.s32 v2, v4;
	v9 =	vtrunc.f32 v7  }
0xc8: {  	v13 =	vld [tilespmem:s24+$0x10];
	v6 =	vsub.f32 v10, v6;
	v9 =	vcvt.f32.s32 v9  }
0xc9: {  	v4 =	vcvt.s32.f32 v4;
	[tilespmem:v11+s12+$0x0] =	vst.idx.add.f32.msk $0xffff, v3  }
0xca: {  	v10 =	vtrunc.f32 v12;
	[tilespmem:v11+s13+$0x0] =	vst.idx.add.f32.msk $0xffff, v6;
	v6 =	vadd.s32 v2, v9  }
0xcb: {  	v4 =	vsub.f32 v8, v4;
	v8 =	vcvt.f32.s32 v10;
	v10 =	vld [tilespmem:s23+$0xF0]  }
0xcc: {  	v9 =	vcvt.s32.f32 v9;
	[tilespmem:v5+s12+$0x0] =	vst.idx.add.f32.msk $0xffff, v3  }
0xcd: {  	v11 =	vtrunc.f32 v13;
	v14 =	vadd.s32 v2, v8;
	[tilespmem:v5+s13+$0x0] =	vst.idx.add.f32.msk $0xffff, v4  }
0xce: {  	v4 =	vcvt.f32.s32 v11;
	v7 =	vsub.f32 v7, v9;
	v5 =	vld [tilespmem:s23+$0x70]  }
0xcf: {  	v8 =	vcvt.s32.f32 v8;
	[tilespmem:v6+s12+$0x0] =	vst.idx.add.f32.msk $0xffff, v3  }
0xd0: {  	v9 =	vadd.s32 v2, v4;
	v11 =	vtrunc.f32 v10;
	[tilespmem:v6+s13+$0x0] =	vst.idx.add.f32.msk $0xffff, v7  }
0xd1: {  	v6 =	vsub.f32 v12, v8;
	v7 =	vcvt.f32.s32 v11;
	v8 =	vld [tilespmem:s25+$0x4D0]  }
0xd2: {  	v4 =	vcvt.s32.f32 v4;
	[tilespmem:v14+s12+$0x0] =	vst.idx.add.f32.msk $0xffff, v3  }
0xd3: {  	[tilespmem:v14+s13+$0x0] =	vst.idx.add.f32.msk $0xffff, v6;
	v6 =	vtrunc.f32 v5;
	v11 =	vadd.s32 v2, v7  }
0xd4: {  	v4 =	vsub.f32 v13, v4;
	v12 =	vld [tilespmem:s24+$0xA0];
	v6 =	vcvt.f32.s32 v6  }
0xd5: {  	v7 =	vcvt.s32.f32 v7;
	[tilespmem:v9+s12+$0x0] =	vst.idx.add.f32.msk $0xffff, v3  }
0xd6: {  	[tilespmem:v9+s13+$0x0] =	vst.idx.add.f32.msk $0xffff, v4;
	v4 =	vadd.s32 v2, v6  }
0xd7: {  	v7 =	vsub.f32 v10, v7;
	v13 =	vld [tilespmem:s24+$0x20];
	v9 =	vtrunc.f32 v8  }
0xd8: {  	v6 =	vcvt.s32.f32 v6;
	v9 =	vcvt.f32.s32 v9;
	[tilespmem:v11+s12+$0x0] =	vst.idx.add.f32.msk $0xffff, v3  }
0xd9: {  	v10 =	vtrunc.f32 v12;
	[tilespmem:v11+s13+$0x0] =	vst.idx.add.f32.msk $0xffff, v7  }
0xda: {  	v5 =	vsub.f32 v5, v6;
	v6 =	vadd.s32 v2, v9;
	v7 =	vcvt.f32.s32 v10;
	v10 =	vld [tilespmem:s23+$0x480]  }
0xdb: {  	[tilespmem:v4+s12+$0x0] =	vst.idx.add.f32.msk $0xffff, v3  }
0xdc: {  	v9 =	vcvt.s32.f32 v9;
	v11 =	vtrunc.f32 v13;
	v14 =	vadd.s32 v2, v7;
	[tilespmem:v4+s13+$0x0] =	vst.idx.add.f32.msk $0xffff, v5  }
0xdd: {  	v4 =	vcvt.f32.s32 v11;
	v5 =	vld [tilespmem:s23+$0x400]  }
0xde: {  	v11 =	vld [tilespmem:s25+$0x430];
	v8 =	vsub.f32 v8, v9;
	v7 =	vcvt.s32.f32 v7  }
0xdf: {  	v9 =	vadd.s32 v2, v4;
	[tilespmem:v6+s12+$0x0] =	vst.idx.add.f32.msk $0xffff, v3;
	v15 =	vtrunc.f32 v10  }
0xe0: {  	[tilespmem:v6+s13+$0x0] =	vst.idx.add.f32.msk $0xffff, v8;
	v6 =	vsub.f32 v12, v7;
	v7 =	vcvt.f32.s32 v15  }
0xe1: {  	v4 =	vcvt.s32.f32 v4;
	[tilespmem:v14+s12+$0x0] =	vst.idx.add.f32.msk $0xffff, v3  }
0xe2: {  	[tilespmem:v14+s13+$0x0] =	vst.idx.add.f32.msk $0xffff, v6;
	v6 =	vtrunc.f32 v5;
	v8 =	vadd.s32 v2, v7  }
0xe3: {  	v4 =	vsub.f32 v13, v4;
	v12 =	vld [tilespmem:s24+$0xB0];
	v6 =	vcvt.f32.s32 v6  }
0xe4: {  	v7 =	vcvt.s32.f32 v7;
	[tilespmem:v9+s12+$0x0] =	vst.idx.add.f32.msk $0xffff, v3  }
0xe5: {  	v13 =	vtrunc.f32 v11;
	[tilespmem:v9+s13+$0x0] =	vst.idx.add.f32.msk $0xffff, v4;
	v4 =	vadd.s32 v2, v6  }
0xe6: {  	v9 =	vcvt.f32.s32 v13;
	v7 =	vsub.f32 v10, v7;
	v13 =	vld [tilespmem:s24+$0x30]  }
0xe7: {  	v6 =	vcvt.s32.f32 v6;
	[tilespmem:v8+s12+$0x0] =	vst.idx.add.f32.msk $0xffff, v3  }
0xe8: {  	v10 =	vadd.s32 v2, v9;
	v14 =	vtrunc.f32 v12;
	[tilespmem:v8+s13+$0x0] =	vst.idx.add.f32.msk $0xffff, v7  }
0xe9: {  	v5 =	vsub.f32 v5, v6;
	v6 =	vcvt.f32.s32 v14;
	v7 =	vld [tilespmem:s23+$0x490]  }
0xea: {  	v8 =	vcvt.s32.f32 v9;
	[tilespmem:v4+s12+$0x0] =	vst.idx.add.f32.msk $0xffff, v3  }
0xeb: {  	v9 =	vtrunc.f32 v13;
	v14 =	vadd.s32 v2, v6;
	[tilespmem:v4+s13+$0x0] =	vst.idx.add.f32.msk $0xffff, v5  }
0xec: {  	v4 =	vsub.f32 v11, v8;
	v5 =	vcvt.f32.s32 v9;
	v8 =	vld [tilespmem:s23+$0x410]  }
0xed: {  	[tilespmem:v10+s12+$0x0] =	vst.idx.add.f32.msk $0xffff, v3;
	v6 =	vcvt.s32.f32 v6  }
0xee: {  	[tilespmem:v10+s13+$0x0] =	vst.idx.add.f32.msk $0xffff, v4;
	v4 =	vadd.s32 v2, v5;
	v9 =	vtrunc.f32 v7  }
0xef: {  	v6 =	vsub.f32 v12, v6;
	v10 =	vld [tilespmem:s25+$0x440];
	v9 =	vcvt.f32.s32 v9  }
0xf0: {  	v5 =	vcvt.s32.f32 v5;
	[tilespmem:v14+s12+$0x0] =	vst.idx.add.f32.msk $0xffff, v3  }
0xf1: {  	[tilespmem:v14+s13+$0x0] =	vst.idx.add.f32.msk $0xffff, v6;
	v6 =	vtrunc.f32 v8;
	v11 =	vadd.s32 v2, v9  }
0xf2: {  	v5 =	vsub.f32 v13, v5;
	v12 =	vld [tilespmem:s24+$0xC0];
	v6 =	vcvt.f32.s32 v6  }
0xf3: {  	v9 =	vcvt.s32.f32 v9;
	[tilespmem:v4+s12+$0x0] =	vst.idx.add.f32.msk $0xffff, v3  }
0xf4: {  	v13 =	vtrunc.f32 v10;
	[tilespmem:v4+s13+$0x0] =	vst.idx.add.f32.msk $0xffff, v5;
	v4 =	vadd.s32 v2, v6  }
0xf5: {  	v7 =	vsub.f32 v7, v9;
	v5 =	vcvt.f32.s32 v13;
	v13 =	vld [tilespmem:s24+$0x40]  }
0xf6: {  	v6 =	vcvt.s32.f32 v6;
	[tilespmem:v11+s12+$0x0] =	vst.idx.add.f32.msk $0xffff, v3  }
0xf7: {  	v9 =	vadd.s32 v2, v5;
	v14 =	vtrunc.f32 v12;
	[tilespmem:v11+s13+$0x0] =	vst.idx.add.f32.msk $0xffff, v7  }
0xf8: {  	v6 =	vsub.f32 v8, v6;
	v7 =	vcvt.f32.s32 v14;
	v8 =	vld [tilespmem:s23+$0x4A0]  }
0xf9: {  	v5 =	vcvt.s32.f32 v5;
	[tilespmem:v4+s12+$0x0] =	vst.idx.add.f32.msk $0xffff, v3  }
0xfa: {  	v11 =	vtrunc.f32 v13;
	v14 =	vadd.s32 v2, v7;
	[tilespmem:v4+s13+$0x0] =	vst.idx.add.f32.msk $0xffff, v6  }
0xfb: {  	v4 =	vsub.f32 v10, v5;
	v6 =	vcvt.f32.s32 v11;
	v15 =	vld [tilespmem:s23+$0x420]  }
0xfc: {  	v5 =	vcvt.s32.f32 v7;
	[tilespmem:v9+s12+$0x0] =	vst.idx.add.f32.msk $0xffff, v3  }
0xfd: {  	v7 =	vadd.s32 v2, v6;
	[tilespmem:v9+s13+$0x0] =	vst.idx.add.f32.msk $0xffff, v4;
	v10 =	vtrunc.f32 v8  }
0xfe: {  	v4 =	vsub.f32 v12, v5;
	v5 =	vld [tilespmem:s25+$0x450];
	v9 =	vcvt.f32.s32 v10  }
0xff: {  	v6 =	vcvt.s32.f32 v6;
	[tilespmem:v14+s12+$0x0] =	vst.idx.add.f32.msk $0xffff, v3  }
0x100: {  	[tilespmem:v14+s13+$0x0] =	vst.idx.add.f32.msk $0xffff, v4;
	v4 =	vadd.s32 v2, v9;
	v11 =	vtrunc.f32 v15  }
0x101: {  	v6 =	vsub.f32 v13, v6;
	v9 =	vcvt.s32.f32 v9;
	v10 =	vld [tilespmem:s24+$0xD0];
	v12 =	vcvt.f32.s32 v11  }
0x102: {  	[tilespmem:v7+s12+$0x0] =	vst.idx.add.f32.msk $0xffff, v3  }
0x103: {  	[tilespmem:v7+s13+$0x0] =	vst.idx.add.f32.msk $0xffff, v6;
	v7 =	vtrunc.f32 v5;
	v13 =	vsub.f32 v8, v9;
	v8 =	vadd.s32 v2, v12  }
0x104: {  	v6 =	vcvt.s32.f32 v12;
	v11 =	vld [tilespmem:s24+$0x50];
	v7 =	vcvt.f32.s32 v7  }
0x105: {  	[tilespmem:v4+s12+$0x0] =	vst.idx.add.f32.msk $0xffff, v3  }
0x106: {  	v9 =	vsub.f32 v15, v6;
	v6 =	vcvt.s32.f32 v7;
	v12 =	vtrunc.f32 v10;
	[tilespmem:v4+s13+$0x0] =	vst.idx.add.f32.msk $0xffff, v13  }
0x107: {  	s28 =	simm.s32 $0x600;
	s26 =	simm.s32 $0x300;
	s25 =	simm.s32 $0x4;
	v4 =	vadd.s32 v2, v7;
	v12 =	vcvt.f32.s32 v12;
	v7 =	vld [tilespmem:s23+$0x4B0]  }
.LBB2_5:
0x108: {  	s2 =	sand.u32 $0xF800, s28;
	s29 =	sand.u32 $0x300, s26;
	[tilespmem:v8+s12+$0x0] =	vst.idx.add.f32.msk $0xffff, v3;
	v5 =	vsub.f32 v5, v6  }
0x109: {  	s29 =	sor.u32 s29, s2;
	v6 =	vtrunc.f32 v11;
	v13 =	vadd.s32 v2, v12;
	[tilespmem:v8+s13+$0x0] =	vst.idx.add.f32.msk $0xffff, v9  }
0x10a: {  	v8 =	vld [tilespmem:s29+$0x80];
	v6 =	vcvt.f32.s32 v6  }
0x10b: {  	v12 =	vcvt.s32.f32 v12;
	v9 =	vld [tilespmem:s29+$0x0]  }
0x10c: {  	v14 =	vcvt.s32.f32 v6;
	v6 =	vadd.s32 v2, v6;
	v15 =	vld [tilespmem:s23+$0x430];
	v16 =	vtrunc.f32 v7  }
0x10d: {  	v10 =	vsub.f32 v10, v12;
	v12 =	vcvt.f32.s32 v16;
	[tilespmem:v4+s12+$0x0] =	vst.idx.add.f32.msk $0xffff, v3  }
0x10e: {  	v11 =	vsub.f32 v11, v14;
	[tilespmem:v13+s12+$0x0] =	vst.idx.add.f32.msk $0xffff, v3  }
0x10f: {  	v14 =	vtrunc.f32 v8;
	[tilespmem:v13+s13+$0x0] =	vst.idx.add.f32.msk $0xffff, v10;
	v10 =	vadd.s32 v2, v12  }
0x110: {  	v13 =	vtrunc.f32 v9;
	v14 =	vcvt.f32.s32 v14;
	v16 =	vld [tilespmem:s24+$0xE0]  }
0x111: {  	v12 =	vcvt.s32.f32 v12;
	v13 =	vcvt.f32.s32 v13;
	[tilespmem:v6+s12+$0x0] =	vst.idx.add.f32.msk $0xffff, v3  }
0x112: {  	v17 =	vadd.s32 v2, v14;
	[tilespmem:v6+s13+$0x0] =	vst.idx.add.f32.msk $0xffff, v11;
	v6 =	vtrunc.f32 v15  }
0x113: {  	v7 =	vsub.f32 v7, v12;
	v11 =	vcvt.s32.f32 v13;
	v13 =	vadd.s32 v2, v13;
	v18 =	vld [tilespmem:s24+$0x60]  }
0x114: {  	v12 =	vcvt.s32.f32 v14;
	v6 =	vcvt.f32.s32 v6;
	[tilespmem:v10+s12+$0x0] =	vst.idx.add.f32.msk $0xffff, v3  }
0x115: {  	v9 =	vsub.f32 v9, v11;
	v11 =	vtrunc.f32 v16;
	[tilespmem:v10+s13+$0x0] =	vst.idx.add.f32.msk $0xffff, v7  }
0x116: {  	s25 =	sadd.s32 $0x2, s25;
	v7 =	vsub.f32 v8, v12;
	v10 =	vcvt.s32.f32 v6;
	v8 =	vcvt.f32.s32 v11;
	v11 =	vld [tilespmem:s23+$0x4C0]  }
0x117: {  	p0 =	slt.u32 s25, $0xDE;
	v6 =	vadd.s32 v2, v6;
	[tilespmem:v17+s12+$0x0] =	vst.idx.add.f32.msk $0xffff, v3  }
0x118: {  	[tilespmem:v17+s13+$0x0] =	vst.idx.add.f32.msk $0xffff, v7;
	v12 =	vtrunc.f32 v18;
	v14 =	vadd.s32 v2, v8;
	v7 =	vsub.f32 v15, v10  }
0x119: {  	v10 =	vld [tilespmem:s29+$0x90];
	v12 =	vcvt.f32.s32 v12  }
0x11a: {  	v8 =	vcvt.s32.f32 v8;
	[tilespmem:v13+s12+$0x0] =	vst.idx.add.f32.msk $0xffff, v3  }
0x11b: {  	[tilespmem:v13+s13+$0x0] =	vst.idx.add.f32.msk $0xffff, v9;
	v9 =	vcvt.s32.f32 v12;
	v12 =	vadd.s32 v2, v12;
	v13 =	vtrunc.f32 v11  }
0x11c: {  	v8 =	vsub.f32 v16, v8;
	v15 =	vld [tilespmem:s29+$0x10];
	v13 =	vcvt.f32.s32 v13  }
0x11d: {  	v9 =	vsub.f32 v18, v9;
	[tilespmem:v14+s12+$0x0] =	vst.idx.add.f32.msk $0xffff, v3  }
0x11e: {  	v16 =	vtrunc.f32 v10;
	[tilespmem:v14+s13+$0x0] =	vst.idx.add.f32.msk $0xffff, v8;
	v8 =	vadd.s32 v2, v13  }
0x11f: {  	v14 =	vcvt.f32.s32 v16;
	v16 =	vld [tilespmem:s24+$0xF0]  }
0x120: {  	v13 =	vcvt.s32.f32 v13;
	[tilespmem:v12+s12+$0x0] =	vst.idx.add.f32.msk $0xffff, v3  }
0x121: {  	v17 =	vtrunc.f32 v15;
	v18 =	vadd.s32 v2, v14;
	[tilespmem:v12+s13+$0x0] =	vst.idx.add.f32.msk $0xffff, v9  }
0x122: {  	v11 =	vsub.f32 v11, v13;
	v9 =	vcvt.f32.s32 v17;
	v12 =	vld [tilespmem:s24+$0x70]  }
0x123: {  	v13 =	vcvt.s32.f32 v14;
	[tilespmem:v8+s12+$0x0] =	vst.idx.add.f32.msk $0xffff, v3  }
0x124: {  	v14 =	vcvt.s32.f32 v9;
	v9 =	vadd.s32 v2, v9;
	v17 =	vtrunc.f32 v16;
	[tilespmem:v8+s13+$0x0] =	vst.idx.add.f32.msk $0xffff, v11  }
0x125: {  	v8 =	vsub.f32 v10, v13;
	v10 =	vcvt.f32.s32 v17;
	v11 =	vld [tilespmem:s23+$0x4D0]  }
0x126: {  	v13 =	vsub.f32 v15, v14;
	[tilespmem:v18+s12+$0x0] =	vst.idx.add.f32.msk $0xffff, v3  }
0x127: {  	[tilespmem:v18+s13+$0x0] =	vst.idx.add.f32.msk $0xffff, v8;
	v8 =	vtrunc.f32 v12;
	v14 =	vadd.s32 v2, v10  }
0x128: {  	v15 =	vld [tilespmem:s29+$0xA0];
	v8 =	vcvt.f32.s32 v8  }
0x129: {  	v10 =	vcvt.s32.f32 v10;
	[tilespmem:v9+s12+$0x0] =	vst.idx.add.f32.msk $0xffff, v3  }
0x12a: {  	[tilespmem:v9+s13+$0x0] =	vst.idx.add.f32.msk $0xffff, v13;
	v9 =	vcvt.s32.f32 v8;
	v8 =	vadd.s32 v2, v8;
	v13 =	vtrunc.f32 v11  }
0x12b: {  	v10 =	vsub.f32 v16, v10;
	v17 =	vld [tilespmem:s29+$0x20];
	v13 =	vcvt.f32.s32 v13  }
0x12c: {  	v9 =	vsub.f32 v12, v9;
	[tilespmem:v14+s12+$0x0] =	vst.idx.add.f32.msk $0xffff, v3  }
0x12d: {  	v12 =	vtrunc.f32 v15;
	[tilespmem:v14+s13+$0x0] =	vst.idx.add.f32.msk $0xffff, v10;
	v10 =	vadd.s32 v2, v13  }
0x12e: {  	v12 =	vcvt.f32.s32 v12;
	v14 =	vld [tilespmem:s24+$0x480]  }
0x12f: {  	v13 =	vcvt.s32.f32 v13;
	[tilespmem:v8+s12+$0x0] =	vst.idx.add.f32.msk $0xffff, v3  }
0x130: {  	v16 =	vtrunc.f32 v17;
	v18 =	vadd.s32 v2, v12;
	[tilespmem:v8+s13+$0x0] =	vst.idx.add.f32.msk $0xffff, v9  }
0x131: {  	v11 =	vsub.f32 v11, v13;
	v8 =	vcvt.f32.s32 v16;
	v9 =	vld [tilespmem:s24+$0x400]  }
0x132: {  	v12 =	vcvt.s32.f32 v12;
	[tilespmem:v10+s12+$0x0] =	vst.idx.add.f32.msk $0xffff, v3  }
0x133: {  	v13 =	vcvt.s32.f32 v8;
	v8 =	vadd.s32 v2, v8;
	v16 =	vtrunc.f32 v14;
	[tilespmem:v10+s13+$0x0] =	vst.idx.add.f32.msk $0xffff, v11  }
0x134: {  	v10 =	vsub.f32 v15, v12;
	v11 =	vcvt.f32.s32 v16;
	[tilespmem:v6+s12+$0x0] =	vst.idx.add.f32.msk $0xffff, v3  }
0x135: {  	v12 =	vsub.f32 v17, v13;
	[tilespmem:v18+s12+$0x0] =	vst.idx.add.f32.msk $0xffff, v3  }
0x136: {  	[tilespmem:v18+s13+$0x0] =	vst.idx.add.f32.msk $0xffff, v10;
	v10 =	vtrunc.f32 v9;
	v13 =	vadd.s32 v2, v11  }
0x137: {  	v15 =	vld [tilespmem:s29+$0xB0];
	v10 =	vcvt.f32.s32 v10  }
0x138: {  	v11 =	vcvt.s32.f32 v11;
	[tilespmem:v8+s12+$0x0] =	vst.idx.add.f32.msk $0xffff, v3  }
0x139: {  	[tilespmem:v8+s13+$0x0] =	vst.idx.add.f32.msk $0xffff, v12;
	v8 =	vcvt.s32.f32 v10;
	v10 =	vadd.s32 v2, v10  }
0x13a: {  	v11 =	vsub.f32 v14, v11;
	v12 =	vld [tilespmem:s29+$0x30]  }
0x13b: {  	v8 =	vsub.f32 v9, v8;
	[tilespmem:v13+s12+$0x0] =	vst.idx.add.f32.msk $0xffff, v3  }
0x13c: {  	v9 =	vtrunc.f32 v15;
	[tilespmem:v13+s13+$0x0] =	vst.idx.add.f32.msk $0xffff, v11  }
0x13d: {  	v9 =	vcvt.f32.s32 v9;
	v11 =	vld [tilespmem:s24+$0x490]  }
0x13e: {  	[tilespmem:v10+s12+$0x0] =	vst.idx.add.f32.msk $0xffff, v3  }
0x13f: {  	v13 =	vtrunc.f32 v12;
	v14 =	vadd.s32 v2, v9;
	[tilespmem:v10+s13+$0x0] =	vst.idx.add.f32.msk $0xffff, v8  }
0x140: {  	v8 =	vcvt.f32.s32 v13;
	v10 =	vld [tilespmem:s24+$0x410]  }
0x141: {  	v9 =	vcvt.s32.f32 v9;
	[tilespmem:v6+s13+$0x0] =	vst.idx.add.f32.msk $0xffff, v7  }
0x142: {  	v6 =	vcvt.s32.f32 v8;
	v7 =	vadd.s32 v2, v8;
	v8 =	vtrunc.f32 v11;
	v13 =	vld [tilespmem:s23+$0x440]  }
0x143: {  	v9 =	vsub.f32 v15, v9;
	v8 =	vcvt.f32.s32 v8;
	[tilespmem:v4+s13+$0x0] =	vst.idx.add.f32.msk $0xffff, v5  }
0x144: {  	v4 =	vsub.f32 v12, v6;
	[tilespmem:v14+s12+$0x0] =	vst.idx.add.f32.msk $0xffff, v3  }
0x145: {  	[tilespmem:v14+s13+$0x0] =	vst.idx.add.f32.msk $0xffff, v9;
	v5 =	vtrunc.f32 v10;
	v6 =	vadd.s32 v2, v8  }
0x146: {  	v9 =	vld [tilespmem:s29+$0xC0];
	v5 =	vcvt.f32.s32 v5  }
0x147: {  	v8 =	vcvt.s32.f32 v8;
	[tilespmem:v7+s12+$0x0] =	vst.idx.add.f32.msk $0xffff, v3;
	v12 =	vtrunc.f32 v13  }
0x148: {  	[tilespmem:v7+s13+$0x0] =	vst.idx.add.f32.msk $0xffff, v4;
	v4 =	vcvt.s32.f32 v5;
	v5 =	vadd.s32 v2, v5;
	v7 =	vcvt.f32.s32 v12  }
0x149: {  	v8 =	vsub.f32 v11, v8;
	v12 =	vld [tilespmem:s29+$0x40]  }
0x14a: {  	v4 =	vsub.f32 v10, v4;
	[tilespmem:v6+s12+$0x0] =	vst.idx.add.f32.msk $0xffff, v3;
	v10 =	vcvt.s32.f32 v7;
	v7 =	vadd.s32 v2, v7  }
0x14b: {  	v11 =	vtrunc.f32 v9;
	[tilespmem:v6+s13+$0x0] =	vst.idx.add.f32.msk $0xffff, v8  }
0x14c: {  	v6 =	vcvt.f32.s32 v11;
	v14 =	vld [tilespmem:s24+$0x4A0];
	v8 =	vsub.f32 v13, v10  }
0x14d: {  	[tilespmem:v5+s12+$0x0] =	vst.idx.add.f32.msk $0xffff, v3  }
0x14e: {  	v10 =	vtrunc.f32 v12;
	v11 =	vadd.s32 v2, v6;
	[tilespmem:v5+s13+$0x0] =	vst.idx.add.f32.msk $0xffff, v4  }
0x14f: {  	v4 =	vcvt.f32.s32 v10;
	v13 =	vld [tilespmem:s24+$0x420]  }
0x150: {  	v5 =	vcvt.s32.f32 v6;
	[tilespmem:v7+s12+$0x0] =	vst.idx.add.f32.msk $0xffff, v3  }
0x151: {  	v6 =	vcvt.s32.f32 v4;
	v4 =	vadd.s32 v2, v4;
	v10 =	vtrunc.f32 v14;
	[tilespmem:v7+s13+$0x0] =	vst.idx.add.f32.msk $0xffff, v8  }
0x152: {  	v7 =	vsub.f32 v9, v5;
	v8 =	vcvt.f32.s32 v10;
	v5 =	vld [tilespmem:s23+$0x450];
	s23 =	smov.u32 s24;
	s24 =	smov.u32 s29  }
0x153: {  	v6 =	vsub.f32 v12, v6;
	[tilespmem:v11+s12+$0x0] =	vst.idx.add.f32.msk $0xffff, v3  }
0x154: {  	[tilespmem:v11+s13+$0x0] =	vst.idx.add.f32.msk $0xffff, v7;
	v7 =	vtrunc.f32 v13;
	v12 =	vadd.s32 v2, v8  }
0x155: {  	v10 =	vld [tilespmem:s24+$0xD0];
	v7 =	vcvt.f32.s32 v7  }
0x156: {  	v9 =	vcvt.s32.f32 v8;
	[tilespmem:v4+s12+$0x0] =	vst.idx.add.f32.msk $0xffff, v3  }
.Ltmp1:
0x157: {  	[tilespmem:v4+s13+$0x0] =	vst.idx.add.f32.msk $0xffff, v6;
	v4 =	vcvt.s32.f32 v7;
	v8 =	vadd.s32 v2, v7;
	v6 =	vtrunc.f32 v5;
	(pc) =	sbr.rel @p0 .LBB2_5-.Ltmp1, $4  }
0x158: {  	v7 =	vsub.f32 v14, v9;
	v11 =	vld [tilespmem:s24+$0x50];
	v14 =	vcvt.f32.s32 v6  }
0x159: {  	v9 =	vsub.f32 v13, v4;
	[tilespmem:v12+s12+$0x0] =	vst.idx.add.f32.msk $0xffff, v3  }
0x15a: {  	v13 =	vtrunc.f32 v10;
	[tilespmem:v12+s13+$0x0] =	vst.idx.add.f32.msk $0xffff, v7;
	v6 =	vcvt.s32.f32 v14;
	v4 =	vadd.s32 v2, v14  }
0x15b: {  	s26 =	sadd.s32 $0x100, s26;
	s28 =	sadd.s32 $0x200, s28;
	v12 =	vcvt.f32.s32 v13;
	v7 =	vld [tilespmem:s23+$0x4B0]  }
0x15c: {  	_ = 	snop  }
0x15d: {  	v13 =	vtrunc.f32 v11;
	v14 =	vadd.s32 v2, v12  }
0x15e: {  	v13 =	vcvt.f32.s32 v13  }
0x15f: {  	v12 =	vcvt.s32.f32 v12  }
0x160: {  	v15 =	vadd.s32 v2, v13  }
0x161: {  	v10 =	vsub.f32 v10, v12  }
0x162: {  	v12 =	vcvt.s32.f32 v13;
	[tilespmem:v14+s12+$0x0] =	vst.idx.add.f32.msk $0xffff, v3  }
0x163: {  	[tilespmem:v14+s13+$0x0] =	vst.idx.add.f32.msk $0xffff, v10  }
0x164: {  	v10 =	vsub.f32 v11, v12;
	v11 =	vld [tilespmem:s24+$0xE0]  }
0x165: {  	[tilespmem:v15+s12+$0x0] =	vst.idx.add.f32.msk $0xffff, v3  }
0x166: {  	[tilespmem:v15+s13+$0x0] =	vst.idx.add.f32.msk $0xffff, v10  }
0x167: {  	v10 =	vld [tilespmem:s24+$0x60];
	_ =	sdelay $0x1  }
0x168: {  	v12 =	vtrunc.f32 v11  }
0x169: {  	v12 =	vcvt.f32.s32 v12;
	_ =	sdelay $0x1  }
0x16a: {  	v13 =	vtrunc.f32 v10;
	v14 =	vadd.s32 v2, v12  }
0x16b: {  	v13 =	vcvt.f32.s32 v13  }
0x16c: {  	v12 =	vcvt.s32.f32 v12  }
0x16d: {  	v15 =	vadd.s32 v2, v13  }
0x16e: {  	v11 =	vsub.f32 v11, v12  }
0x16f: {  	v12 =	vcvt.s32.f32 v13;
	[tilespmem:v14+s12+$0x0] =	vst.idx.add.f32.msk $0xffff, v3  }
0x170: {  	[tilespmem:v14+s13+$0x0] =	vst.idx.add.f32.msk $0xffff, v11  }
0x171: {  	v10 =	vsub.f32 v10, v12;
	v11 =	vld [tilespmem:s24+$0xF0]  }
0x172: {  	[tilespmem:v15+s12+$0x0] =	vst.idx.add.f32.msk $0xffff, v3  }
0x173: {  	[tilespmem:v15+s13+$0x0] =	vst.idx.add.f32.msk $0xffff, v10  }
0x174: {  	v10 =	vld [tilespmem:s24+$0x70];
	_ =	sdelay $0x1  }
0x175: {  	v12 =	vtrunc.f32 v11  }
0x176: {  	v12 =	vcvt.f32.s32 v12;
	_ =	sdelay $0x1  }
0x177: {  	v13 =	vtrunc.f32 v10;
	v14 =	vadd.s32 v2, v12  }
0x178: {  	v13 =	vcvt.f32.s32 v13  }
0x179: {  	v12 =	vcvt.s32.f32 v12  }
0x17a: {  	v15 =	vadd.s32 v2, v13  }
0x17b: {  	v11 =	vsub.f32 v11, v12  }
0x17c: {  	v12 =	vcvt.s32.f32 v13;
	[tilespmem:v14+s12+$0x0] =	vst.idx.add.f32.msk $0xffff, v3  }
0x17d: {  	[tilespmem:v14+s13+$0x0] =	vst.idx.add.f32.msk $0xffff, v11  }
0x17e: {  	v10 =	vsub.f32 v10, v12;
	v11 =	vld [tilespmem:s24+$0x480]  }
0x17f: {  	[tilespmem:v15+s12+$0x0] =	vst.idx.add.f32.msk $0xffff, v3  }
0x180: {  	[tilespmem:v15+s13+$0x0] =	vst.idx.add.f32.msk $0xffff, v10  }
0x181: {  	v10 =	vld [tilespmem:s24+$0x400];
	_ =	sdelay $0x1  }
0x182: {  	v12 =	vtrunc.f32 v11  }
0x183: {  	v12 =	vcvt.f32.s32 v12;
	_ =	sdelay $0x1  }
0x184: {  	v13 =	vtrunc.f32 v10;
	v14 =	vadd.s32 v2, v12  }
0x185: {  	v13 =	vcvt.f32.s32 v13  }
0x186: {  	v12 =	vcvt.s32.f32 v12  }
0x187: {  	v15 =	vadd.s32 v2, v13  }
0x188: {  	v11 =	vsub.f32 v11, v12  }
0x189: {  	v12 =	vcvt.s32.f32 v13;
	[tilespmem:v14+s12+$0x0] =	vst.idx.add.f32.msk $0xffff, v3  }
0x18a: {  	[tilespmem:v14+s13+$0x0] =	vst.idx.add.f32.msk $0xffff, v11  }
0x18b: {  	v10 =	vsub.f32 v10, v12;
	v11 =	vld [tilespmem:s24+$0x490]  }
0x18c: {  	[tilespmem:v15+s12+$0x0] =	vst.idx.add.f32.msk $0xffff, v3  }
0x18d: {  	[tilespmem:v15+s13+$0x0] =	vst.idx.add.f32.msk $0xffff, v10  }
0x18e: {  	v10 =	vld [tilespmem:s24+$0x410];
	_ =	sdelay $0x1  }
0x18f: {  	v12 =	vtrunc.f32 v11  }
0x190: {  	v12 =	vcvt.f32.s32 v12;
	_ =	sdelay $0x1  }
0x191: {  	v13 =	vtrunc.f32 v10;
	v14 =	vadd.s32 v2, v12  }
0x192: {  	v13 =	vcvt.f32.s32 v13  }
0x193: {  	v12 =	vcvt.s32.f32 v12  }
0x194: {  	v15 =	vadd.s32 v2, v13  }
0x195: {  	v11 =	vsub.f32 v11, v12  }
0x196: {  	v12 =	vcvt.s32.f32 v13;
	[tilespmem:v14+s12+$0x0] =	vst.idx.add.f32.msk $0xffff, v3  }
0x197: {  	[tilespmem:v14+s13+$0x0] =	vst.idx.add.f32.msk $0xffff, v11  }
0x198: {  	v10 =	vsub.f32 v10, v12;
	v11 =	vld [tilespmem:s24+$0x4A0]  }
0x199: {  	[tilespmem:v15+s12+$0x0] =	vst.idx.add.f32.msk $0xffff, v3  }
0x19a: {  	[tilespmem:v15+s13+$0x0] =	vst.idx.add.f32.msk $0xffff, v10  }
0x19b: {  	v10 =	vld [tilespmem:s24+$0x420];
	_ =	sdelay $0x1  }
0x19c: {  	v12 =	vtrunc.f32 v11  }
0x19d: {  	v12 =	vcvt.f32.s32 v12;
	_ =	sdelay $0x1  }
0x19e: {  	v13 =	vtrunc.f32 v10;
	v14 =	vadd.s32 v2, v12  }
0x19f: {  	v13 =	vcvt.f32.s32 v13  }
0x1a0: {  	[tilespmem:v8+s12+$0x0] =	vst.idx.add.f32.msk $0xffff, v3;
	v12 =	vcvt.s32.f32 v12  }
0x1a1: {  	[tilespmem:v8+s13+$0x0] =	vst.idx.add.f32.msk $0xffff, v9;
	v8 =	vadd.s32 v2, v13  }
0x1a2: {  	v9 =	vld [tilespmem:s23+$0x430];
	v11 =	vsub.f32 v11, v12  }
0x1a3: {  	v12 =	vcvt.s32.f32 v13;
	[tilespmem:v14+s12+$0x0] =	vst.idx.add.f32.msk $0xffff, v3  }
0x1a4: {  	v13 =	vtrunc.f32 v7;
	[tilespmem:v14+s13+$0x0] =	vst.idx.add.f32.msk $0xffff, v11  }
0x1a5: {  	v10 =	vsub.f32 v10, v12;
	v11 =	vcvt.f32.s32 v13;
	v12 =	vld [tilespmem:s24+$0x4B0]  }
0x1a6: {  	[tilespmem:v8+s12+$0x0] =	vst.idx.add.f32.msk $0xffff, v3  }
0x1a7: {  	v14 =	vtrunc.f32 v9;
	v13 =	vadd.s32 v2, v11;
	[tilespmem:v8+s13+$0x0] =	vst.idx.add.f32.msk $0xffff, v10  }
0x1a8: {  	v8 =	vcvt.f32.s32 v14;
	v10 =	vld [tilespmem:s24+$0x430]  }
0x1a9: {  	v11 =	vcvt.s32.f32 v11  }
0x1aa: {  	v14 =	vadd.s32 v2, v8;
	v15 =	vtrunc.f32 v12  }
0x1ab: {  	v7 =	vsub.f32 v7, v11;
	v11 =	vcvt.f32.s32 v15  }
0x1ac: {  	v8 =	vcvt.s32.f32 v8;
	[tilespmem:v13+s12+$0x0] =	vst.idx.add.f32.msk $0xffff, v3  }
0x1ad: {  	[tilespmem:v13+s13+$0x0] =	vst.idx.add.f32.msk $0xffff, v7;
	v7 =	vadd.s32 v2, v11;
	v13 =	vtrunc.f32 v10  }
0x1ae: {  	v8 =	vsub.f32 v9, v8;
	v15 =	vld [tilespmem:s23+$0x4C0];
	v9 =	vcvt.f32.s32 v13  }
0x1af: {  	v11 =	vcvt.s32.f32 v11;
	[tilespmem:v14+s12+$0x0] =	vst.idx.add.f32.msk $0xffff, v3  }
0x1b0: {  	[tilespmem:v14+s13+$0x0] =	vst.idx.add.f32.msk $0xffff, v8;
	v8 =	vadd.s32 v2, v9  }
0x1b1: {  	v11 =	vsub.f32 v12, v11;
	v13 =	vld [tilespmem:s23+$0x440]  }
0x1b2: {  	v9 =	vcvt.s32.f32 v9;
	[tilespmem:v7+s12+$0x0] =	vst.idx.add.f32.msk $0xffff, v3  }
0x1b3: {  	v12 =	vtrunc.f32 v15;
	[tilespmem:v7+s13+$0x0] =	vst.idx.add.f32.msk $0xffff, v11  }
0x1b4: {  	v9 =	vsub.f32 v10, v9;
	v7 =	vcvt.f32.s32 v12;
	v11 =	vld [tilespmem:s24+$0x4C0]  }
0x1b5: {  	[tilespmem:v8+s12+$0x0] =	vst.idx.add.f32.msk $0xffff, v3  }
0x1b6: {  	v10 =	vadd.s32 v2, v7;
	v12 =	vtrunc.f32 v13;
	[tilespmem:v8+s13+$0x0] =	vst.idx.add.f32.msk $0xffff, v9  }
0x1b7: {  	v8 =	vcvt.f32.s32 v12;
	v9 =	vld [tilespmem:s24+$0x440]  }
0x1b8: {  	v7 =	vcvt.s32.f32 v7  }
0x1b9: {  	v12 =	vadd.s32 v2, v8;
	v14 =	vtrunc.f32 v11  }
0x1ba: {  	v7 =	vsub.f32 v15, v7;
	v14 =	vcvt.f32.s32 v14  }
0x1bb: {  	v8 =	vcvt.s32.f32 v8;
	[tilespmem:v10+s12+$0x0] =	vst.idx.add.f32.msk $0xffff, v3  }
0x1bc: {  	[tilespmem:v10+s13+$0x0] =	vst.idx.add.f32.msk $0xffff, v7;
	v7 =	vadd.s32 v2, v14;
	v10 =	vtrunc.f32 v9  }
0x1bd: {  	v8 =	vsub.f32 v13, v8;
	v15 =	vld [tilespmem:s23+$0x4D0];
	v10 =	vcvt.f32.s32 v10  }
0x1be: {  	v13 =	vcvt.s32.f32 v14;
	[tilespmem:v12+s12+$0x0] =	vst.idx.add.f32.msk $0xffff, v3  }
0x1bf: {  	[tilespmem:v12+s13+$0x0] =	vst.idx.add.f32.msk $0xffff, v8;
	v8 =	vadd.s32 v2, v10  }
0x1c0: {  	v11 =	vsub.f32 v11, v13;
	v12 =	vld [tilespmem:s23+$0x450]  }
0x1c1: {  	v10 =	vcvt.s32.f32 v10;
	[tilespmem:v7+s12+$0x0] =	vst.idx.add.f32.msk $0xffff, v3  }
0x1c2: {  	[tilespmem:v7+s13+$0x0] =	vst.idx.add.f32.msk $0xffff, v11  }
0x1c3: {  	v9 =	vsub.f32 v9, v10;
	v7 =	vld [tilespmem:s24+$0x4D0]  }
0x1c4: {  	[tilespmem:v8+s12+$0x0] =	vst.idx.add.f32.msk $0xffff, v3  }
0x1c5: {  	v10 =	vtrunc.f32 v15;
	[tilespmem:v8+s13+$0x0] =	vst.idx.add.f32.msk $0xffff, v9  }
0x1c6: {  	s2 =	sshll.u32 s22, $0x1;
	v10 =	vcvt.f32.s32 v10;
	v8 =	vld [tilespmem:s24+$0x450]  }
0x1c7: {  	s23 =	sadd.s32 s1, s2;
	v11 =	vtrunc.f32 v12  }
0x1c8: {  	s2 =	sadd.s32 $0x2, s23;
	v9 =	vadd.s32 v2, v10;
	v11 =	vcvt.f32.s32 v11  }
0x1c9: {  	p0 =	sge.u32 s2, s8;
	v10 =	vcvt.s32.f32 v10;
	v13 =	vtrunc.f32 v7  }
0x1ca: {  	v5 =	vsub.f32 v5, v6;
	s24 =	smulhi.u32 @!p0 $0x2AAAAAAB, s2;
	v14 =	vadd.s32 v2, v11;
	v13 =	vcvt.f32.s32 v13  }
0x1cb: {  	[tilespmem:v4+s12+$0x0] =	vst.idx.add.f32.msk $0xffff, v3;
	v10 =	vsub.f32 v15, v10;
	v16 =	vtrunc.f32 v8  }
0x1cc: {  	[tilespmem:v4+s13+$0x0] =	vst.idx.add.f32.msk $0xffff, v5;
	v4 =	vcvt.s32.f32 v11;
	s24 =	sshrl.u32 @!p0 s24, $0x4;
	v15 =	vadd.s32 v2, v13;
	v6 =	vcvt.f32.s32 v16  }
0x1cd: {  	s25 =	smul.u32 @!p0 $0x60, s24;
	[tilespmem:v9+s12+$0x0] =	vst.idx.add.f32.msk $0xffff, v3  }
0x1ce: {  	v4 =	vsub.f32 v12, v4;
	[tilespmem:v9+s13+$0x0] =	vst.idx.add.f32.msk $0xffff, v10;
	v9 =	vcvt.s32.f32 v13;
	v5 =	vadd.s32 v2, v6  }
0x1cf: {  	s24 =	smul.u32 @!p0 $0x540000, s24;
	s2 =	ssub.s32 @!p0 s2, s25;
	[tilespmem:v14+s12+$0x0] =	vst.idx.add.f32.msk $0xffff, v3  }
0x1d0: {  	s2 =	smul.u32 @!p0 $0xE000, s2;
	v7 =	vsub.f32 v7, v9;
	[tilespmem:v14+s13+$0x0] =	vst.idx.add.f32.msk $0xffff, v4;
	v6 =	vcvt.s32.f32 v6  }
0x1d1: {  	[tilespmem:v15+s12+$0x0] =	vst.idx.add.f32.msk $0xffff, v3  }
0x1d2: {  	s2 =	sadd.s32 @!p0 s2, s24;
	v4 =	vsub.f32 v8, v6;
	[tilespmem:v15+s13+$0x0] =	vst.idx.add.f32.msk $0xffff, v7  }
0x1d3: {  	s2 =	sshrl.u32 @!p0 s2, $0x3;
	[tilespmem:v5+s12+$0x0] =	vst.idx.add.f32.msk $0xffff, v3  }
0x1d4: {  	s24 =	simm.s32 @!p0 $0x0;
	s2 =	sadd.s32 @!p0 s3, s2;
	[tilespmem:v5+s13+$0x0] =	vst.idx.add.f32.msk $0xffff, v4  }
0x1d5: {  	[tilespmem:s24], [sflag:$0x1] =	stream.linear.gather @!p0 [hbm4b:s2+s24], $0xE000, $0x38;
	[tilespmem:$0x1E600] =	vst v63  }
0x1d6: {  	s2 =	simm.s32 $0x0  }
0x1d7: {  	v4 =	vld [tilespmem:s2+$0x1D210]  }
0x1d8: {  	v5 =	vld [tilespmem:s2+$0x1C110]  }
0x1d9: {  	v6 =	vld [tilespmem:s2+$0x1D100]  }
0x1da: {  	v7 =	vld [tilespmem:s2+$0x1C000]  }
0x1db: {  	v8 =	vld [tilespmem:s2+$0x1C220]  }
0x1dc: {  	v9 =	vld [tilespmem:s2+$0x1D320]  }
0x1dd: {  	v10 =	vld [tilespmem:s2+$0x1C330]  }
0x1de: {  	v11 =	vld [tilespmem:s2+$0x1D430]  }
0x1df: {  	v12 =	vld [tilespmem:s2+$0x1D540];
	v4 =	vadd.f32 v4, v6  }
0x1e0: {  	v13 =	vld [tilespmem:s2+$0x1D650]  }
0x1e1: {  	v14 =	vld [tilespmem:s2+$0x1DBA0];
	v4 =	vadd.f32 v9, v4  }
0x1e2: {  	v15 =	vld [tilespmem:s2+$0x1DA90];
	v5 =	vadd.f32 v5, v7  }
0x1e3: {  	v6 =	vld [tilespmem:s2+$0x1C440];
	v4 =	vadd.f32 v11, v4  }
0x1e4: {  	v7 =	vld [tilespmem:s2+$0x1D760];
	v5 =	vadd.f32 v8, v5  }
0x1e5: {  	v8 =	vld [tilespmem:s2+$0x1C550];
	v4 =	vadd.f32 v12, v4  }
0x1e6: {  	s24 =	simm.s32 $0x0;
	v5 =	vadd.f32 v10, v5;
	v12 =	vld [tilespmem:s2+$0x1D870]  }
0x1e7: {  	s31 =	sand.u32 $0x1F0, s24;
	v10 =	vld [tilespmem:s2+$0x1C660];
	v4 =	vadd.f32 v13, v4  }
0x1e8: {  	v11 =	vld [tilespmem:s31+$0x1D980];
	v5 =	vadd.f32 v6, v5  }
0x1e9: {  	v13 =	vld [tilespmem:s2+$0x1C770];
	v4 =	vadd.f32 v7, v4  }
0x1ea: {  	v9 =	vld [tilespmem:s31+$0x1C880];
	v5 =	vadd.f32 v8, v5  }
0x1eb: {  	v6 =	vld [tilespmem:s2+$0x1CFF0];
	v4 =	vadd.f32 v12, v4  }
0x1ec: {  	v8 =	vld [tilespmem:s2+$0x1CBB0];
	v5 =	vadd.f32 v10, v5  }
0x1ed: {  	v10 =	vld [tilespmem:s2+$0x1C990];
	v4 =	vadd.f32 v11, v4  }
0x1ee: {  	v5 =	vadd.f32 v13, v5;
	v11 =	vld [tilespmem:s2+$0x1DCB0]  }
0x1ef: {  	v12 =	vld [tilespmem:s2+$0x1CAA0];
	v4 =	vadd.f32 v15, v4  }
0x1f0: {  	v13 =	vld [tilespmem:s2+$0x1DDC0];
	v5 =	vadd.f32 v9, v5  }
0x1f1: {  	v7 =	vld [tilespmem:s2+$0x1E0F0];
	v9 =	vadd.f32 v14, v4  }
0x1f2: {  	v10 =	vadd.f32 v10, v5;
	v4 =	vld [tilespmem:s2+$0x1DED0]  }
0x1f3: {  	v11 =	vadd.f32 v11, v9;
	v9 =	vld [tilespmem:s2+$0x1CCC0]  }
0x1f4: {  	v5 =	vld [tilespmem:s2+$0x1DFE0];
	v12 =	vadd.f32 v12, v10  }
0x1f5: {  	s26 =	simm.s32 $0x0;
	s25 =	simm.s32 $0x40;
	v10 =	vld [tilespmem:s2+$0x1CDD0];
	v11 =	vadd.f32 v13, v11  }
.LBB2_7:
0x1f6: {  	s28 =	sshra.s32 s25, $0x2;
	p0 =	sne.s32 s25, $0x400;
	s25 =	sadd.s32 $0x40, s25;
	v8 =	vadd.f32 v8, v12;
	v12 =	vld [tilespmem:s2+$0x1CEE0]  }
0x1f7: {  	v13 =	vld [tilespmem:s28+$0x1D210];
	v4 =	vadd.f32 v4, v11  }
0x1f8: {  	v11 =	vld [tilespmem:s28+$0x1C110];
	v8 =	vadd.f32 v9, v8  }
0x1f9: {  	v9 =	vld [tilespmem:s28+$0x1D100];
	v4 =	vadd.f32 v5, v4  }
0x1fa: {  	v5 =	vld [tilespmem:s28+$0x1C000];
	v8 =	vadd.f32 v10, v8  }
0x1fb: {  	v10 =	vld [tilespmem:s28+$0x1C220];
	v4 =	vadd.f32 v7, v4  }
0x1fc: {  	v7 =	vld [tilespmem:s28+$0x1D320];
	v8 =	vadd.f32 v12, v8  }
0x1fd: {  	v12 =	vld [tilespmem:s28+$0x1C330];
	[tilespmem:s2+$0x1E380] =	vst v4  }
0x1fe: {  	v4 =	vld [tilespmem:s28+$0x1D430];
	v6 =	vadd.f32 v6, v8  }
0x1ff: {  	s26 =	sadd.s32 $0x10, s26;
	v8 =	vadd.f32 v13, v9;
	v5 =	vadd.f32 v11, v5;
	v9 =	vld [tilespmem:s28+$0x1C440]  }
0x200: {  	s29 =	sand.u32 $0x1F0, s26;
	v11 =	vld [tilespmem:s28+$0x1D540];
	[tilespmem:s2+$0x1E200] =	vst v6;
	s2 =	smov.u32 s28  }
0x201: {  	v5 =	vadd.f32 v10, v5;
	v6 =	vadd.f32 v7, v8;
	v8 =	vld [tilespmem:s29+$0x1C880]  }
0x202: {  	v7 =	vld [tilespmem:s2+$0x1D650]  }
0x203: {  	v5 =	vadd.f32 v12, v5;
	v4 =	vadd.f32 v4, v6;
	v10 =	vld [tilespmem:s29+$0x1D980]  }
0x204: {  	v6 =	vld [tilespmem:s2+$0x1D760]  }
0x205: {  	v4 =	vadd.f32 v11, v4;
	v11 =	vld [tilespmem:s2+$0x1C550]  }
0x206: {  	v12 =	vld [tilespmem:s2+$0x1D870]  }
0x207: {  	v4 =	vadd.f32 v7, v4;
	v13 =	vld [tilespmem:s2+$0x1C660]  }
0x208: {  	v5 =	vadd.f32 v9, v5;
	v9 =	vld [tilespmem:s2+$0x1C770]  }
0x209: {  	v4 =	vadd.f32 v6, v4;
	v14 =	vld [tilespmem:s2+$0x1DBA0]  }
0x20a: {  	v5 =	vadd.f32 v11, v5;
	v11 =	vld [tilespmem:s2+$0x1DA90]  }
0x20b: {  	v4 =	vadd.f32 v12, v4;
	v7 =	vld [tilespmem:s2+$0x1E0F0]  }
0x20c: {  	v5 =	vadd.f32 v13, v5;
	v6 =	vld [tilespmem:s2+$0x1CFF0]  }
0x20d: {  	v4 =	vadd.f32 v10, v4;
	v10 =	vld [tilespmem:s2+$0x1C990]  }
0x20e: {  	v5 =	vadd.f32 v9, v5;
	v9 =	vld [tilespmem:s2+$0x1DCB0]  }
0x20f: {  	v4 =	vadd.f32 v11, v4;
	v11 =	vld [tilespmem:s2+$0x1CAA0]  }
0x210: {  	v5 =	vadd.f32 v8, v5;
	v13 =	vld [tilespmem:s2+$0x1DDC0]  }
.Ltmp2:
0x211: {  	v12 =	vadd.f32 v14, v4;
	v8 =	vld [tilespmem:s2+$0x1CBB0];
	(pc) =	sbr.rel @p0 .LBB2_7-.Ltmp2, $4  }
0x212: {  	v5 =	vadd.f32 v10, v5;
	v4 =	vld [tilespmem:s2+$0x1DED0]  }
0x213: {  	v10 =	vadd.f32 v9, v12;
	v9 =	vld [tilespmem:s2+$0x1CCC0]  }
0x214: {  	v12 =	vadd.f32 v11, v5;
	v5 =	vld [tilespmem:s2+$0x1DFE0]  }
0x215: {  	v11 =	vadd.f32 v13, v10;
	v10 =	vld [tilespmem:s2+$0x1CDD0]  }
0x216: {  	v8 =	vadd.f32 v8, v12  }
0x217: {  	v62 =	vld [tilespmem:s2+$0x1CEE0]  }
0x218: {  	v8 =	vadd.f32 v9, v8  }
0x219: {  	v4 =	vadd.f32 v4, v11  }
0x21a: {  	v8 =	vadd.f32 v10, v8  }
0x21b: {  	v9 =	vadd.f32 v5, v4;
	v4 =	vadd.s32 $0x1, v0  }
0x21c: {  	v5 =	vadd.s32 $0x3, v0;
	v10 =	vadd.s32 s24, v4;
	v8 =	vadd.f32 v62, v8  }
0x21d: {  	v7 =	vadd.f32 v7, v9;
	v9 =	vadd.s32 s24, v5  }
0x21e: {  	v6 =	vadd.f32 v6, v8  }
0x21f: {  	[tilespmem:s2+$0x1E380] =	vst v7  }
0x220: {  	v7 =	vor.u32 s24, v0;
	[tilespmem:s2+$0x1E200] =	vst v6;
	v6 =	vadd.s32 $0x2, v0  }
0x221: {  	v8 =	vadd.s32 s24, v6;
	v11 =	vld.idx.msk [tilespmem:v10+s14+$0x0], $0xffff  }
0x222: {  	v63 =	vld.idx.msk [tilespmem:v9+s14+$0x0], $0xffff  }
0x223: {  	v10 =	vld.idx.msk [tilespmem:v10+s15+$0x0], $0xffff  }
0x224: {  	v9 =	vld.idx.msk [tilespmem:v9+s15+$0x0], $0xffff  }
0x225: {  	v7 =	vld.idx.msk [tilespmem:v7+s15+$0x0], $0xffff  }
0x226: {  	v13 =	vld.idx.msk [tilespmem:v8+s15+$0x0], $0xffff;
	_ =	sdelay $0x3  }
0x227: {  	v8 =	vld.idx.msk [tilespmem:v8+s14+$0x0], $0xffff;
	v11 =	vadd.f32 v11, v63  }
0x228: {  	v7 =	vadd.f32 v7, v10;
	v9 =	vadd.f32 v13, v9;
	_ =	sdelay $0x1  }
0x229: {  	v10 =	vmul.f32 $5.000000000e-01, v11;
	v7 =	vsub.f32 v7, v9;
	_ =	sdelay $0x1  }
0x22a: {  	v8 =	vadd.f32 v10, v8;
	v7 =	vmul.f32 $5.000000000e-01, v7  }
0x22b: {  	s24 =	simm.s32 $0x10  }
0x22c: {  	v10 =	vadd.f32 v7, v8;
	v8 =	vadd.s32 s24, v4  }
0x22d: {  	v7 =	vadd.s32 s24, v5;
	_ =	sdelay $0x1  }
0x22e: {  	s2 =	simm.s32 $0x1E500;
	v9 =	vor.u32 s24, v0  }
0x22f: {  	s25 =	simm.s32 $0x20;
	[tilespmem:s2+$0x0] =	vst v10  }
.LBB2_9:
0x230: {  	p0 =	sne.s32 s25, $0xF0;
	v10 =	vadd.s32 s24, v6;
	v11 =	vld.idx.msk [tilespmem:v8+s14+$0x0], $0xffff;
	s24 =	smov.u32 s25  }
0x231: {  	v12 =	vld.idx.msk [tilespmem:v7+s14+$0x0], $0xffff  }
0x232: {  	v8 =	vld.idx.msk [tilespmem:v8+s15+$0x0], $0xffff  }
0x233: {  	v9 =	vld.idx.msk [tilespmem:v9+s15+$0x0], $0xffff  }
0x234: {  	v7 =	vld.idx.msk [tilespmem:v7+s15+$0x0], $0xffff  }
0x235: {  	v13 =	vld.idx.msk [tilespmem:v10+s15+$0x0], $0xffff;
	_ =	sdelay $0x3  }
0x236: {  	v10 =	vld.idx.msk [tilespmem:v10+s14+$0x0], $0xffff  }
0x237: {  	v11 =	vadd.f32 v11, v12  }
0x238: {  	v8 =	vadd.f32 v9, v8;
	v7 =	vadd.f32 v13, v7;
	_ =	sdelay $0x1  }
0x239: {  	v9 =	vmul.f32 $5.000000000e-01, v11;
	v7 =	vsub.f32 v8, v7;
	_ =	sdelay $0x1  }
.Ltmp3:
0x23a: {  	v8 =	vadd.s32 s25, v4;
	v9 =	vadd.f32 v9, v10;
	v10 =	vmul.f32 $5.000000000e-01, v7;
	(pc) =	sbr.rel @p0 .LBB2_9-.Ltmp3, $4  }
0x23b: {  	v7 =	vadd.s32 s25, v5  }
0x23c: {  	v10 =	vadd.f32 v10, v9  }
0x23d: {  	s2 =	sadd.s32 $0x10, s2;
	v9 =	vor.u32 s25, v0  }
0x23e: {  	s25 =	sadd.s32 $0x10, s25;
	[tilespmem:s2+$0x0] =	vst v10  }
0x23f: {  	_ =	sdelay $0x3  }
0x240: {  	v10 =	vadd.s32 s24, v6;
	v11 =	vld.idx.msk [tilespmem:v8+s14+$0x0], $0xffff  }
0x241: {  	v12 =	vld.idx.msk [tilespmem:v7+s14+$0x0], $0xffff  }
0x242: {  	v8 =	vld.idx.msk [tilespmem:v8+s15+$0x0], $0xffff  }
0x243: {  	v9 =	vld.idx.msk [tilespmem:v9+s15+$0x0], $0xffff  }
0x244: {  	v7 =	vld.idx.msk [tilespmem:v7+s15+$0x0], $0xffff  }
0x245: {  	v13 =	vld.idx.msk [tilespmem:v10+s15+$0x0], $0xffff;
	_ =	sdelay $0x3  }
0x246: {  	v10 =	vld.idx.msk [tilespmem:v10+s14+$0x0], $0xffff;
	v11 =	vadd.f32 v11, v12  }
0x247: {  	v8 =	vadd.f32 v9, v8;
	v7 =	vadd.f32 v13, v7;
	_ =	sdelay $0x1  }
0x248: {  	v63 =	vmul.f32 $5.000000000e-01, v11;
	v7 =	vsub.f32 v8, v7;
	_ =	sdelay $0x1  }
0x249: {  	v8 =	vadd.f32 v63, v10;
	v7 =	vmul.f32 $5.000000000e-01, v7  }
0x24a: {  	s30 =	sshll.u32 s23, $0x4  }
0x24b: {  	s25 =	sshll.u32 s23, $0x5;
	s24 =	sand.u32 $0x60, s30;
	v7 =	vadd.f32 v7, v8  }
0x24c: {  	s2 =	sadd.s32 $0x10, s2;
	s25 =	sand.u32 $0xFFFFF00, s25;
	s26 =	sadd.s32 s4, s24  }
0x24d: {  	s31 =	sadd.s32 s25, s26;
	[tilespmem:s2+$0x0] =	vst v7  }
0x24e: {  	[hbm4b:s31+s16] =	stream.strided.scatter [tilespmem:s18], [sflag:$0x3], $0x100, s17, s16, $0x38;
	[tilespmem:$0x1E600] =	vst v63  }
0x24f: {  	_ =	swait.ge [sflag:s19], $0x100  }
0x250: {  	[sflag:s19] =	ssyncset.done $0x0  }
0x251: {  	[sflag:s19] =	ssyncadd.s32 $0xFFFFFF00  }
0x252: {  	_ =	swait.ge [sflag:s20], $0xE000  }
0x253: {  	[sflag:s20] =	ssyncset.done $0x0  }
0x254: {  	s26 =	simm.s32 $0x0;
	s2 =	simm.s32 $0x0;
	[sflag:s20] =	ssyncadd.s32 $0xFFFF2000  }
.LBB2_11:
0x255: {  	p0 =	sne.s32 s26, $0x43C0  }
.Ltmp4:
0x256: {  	_ = 	snop;
	(pc) =	sbr.rel @p0 .LBB2_11-.Ltmp4, $4  }
0x257: {  	_ = 	snop  }
0x258: {  	s28 =	sshra.s32 s26, $0x2  }
0x259: {  	[tilespmem:s28+$0x1C000] =	vst v1  }
0x25a: {  	s26 =	sadd.s32 $0x40, s26;
	[tilespmem:s28+$0x1D100] =	vst v1  }
0x25b: {  	s26 =	sand.u32 $0xF800, s2;
	s0 =	sand.u32 $0x300, s2  }
0x25c: {  	s29 =	sor.u32 s0, s26  }
0x25d: {  	v7 =	vld [tilespmem:s29+$0xE080];
	_ =	sdelay $0x4  }
0x25e: {  	v8 =	vtrunc.f32 v7  }
0x25f: {  	v9 =	vld [tilespmem:s29+$0xE000];
	v8 =	vcvt.f32.s32 v8;
	_ =	sdelay $0x1  }
0x260: {  	v10 =	vadd.s32 v2, v8;
	_ =	sdelay $0x1  }
0x261: {  	v8 =	vcvt.s32.f32 v8  }
0x262: {  	v11 =	vtrunc.f32 v9  }
0x263: {  	v11 =	vcvt.f32.s32 v11;
	v7 =	vsub.f32 v7, v8  }
0x264: {  	[tilespmem:v10+s12+$0x0] =	vst.idx.add.f32.msk $0xffff, v3  }
0x265: {  	v8 =	vadd.s32 v2, v11;
	[tilespmem:v10+s13+$0x0] =	vst.idx.add.f32.msk $0xffff, v7  }
0x266: {  	v7 =	vld [tilespmem:s29+$0xE090]  }
0x267: {  	v10 =	vcvt.s32.f32 v11;
	_ =	sdelay $0x1  }
0x268: {  	v9 =	vsub.f32 v9, v10  }
0x269: {  	[tilespmem:v8+s12+$0x0] =	vst.idx.add.f32.msk $0xffff, v3  }
0x26a: {  	[tilespmem:v8+s13+$0x0] =	vst.idx.add.f32.msk $0xffff, v9;
	v8 =	vtrunc.f32 v7  }
0x26b: {  	v9 =	vld [tilespmem:s29+$0xE010];
	v8 =	vcvt.f32.s32 v8;
	_ =	sdelay $0x1  }
0x26c: {  	v10 =	vadd.s32 v2, v8;
	_ =	sdelay $0x1  }
0x26d: {  	v8 =	vcvt.s32.f32 v8  }
0x26e: {  	v11 =	vtrunc.f32 v9  }
0x26f: {  	v11 =	vcvt.f32.s32 v11;
	v7 =	vsub.f32 v7, v8  }
0x270: {  	[tilespmem:v10+s12+$0x0] =	vst.idx.add.f32.msk $0xffff, v3  }
0x271: {  	v8 =	vadd.s32 v2, v11;
	[tilespmem:v10+s13+$0x0] =	vst.idx.add.f32.msk $0xffff, v7  }
0x272: {  	v7 =	vld [tilespmem:s29+$0xE0A0]  }
0x273: {  	v10 =	vcvt.s32.f32 v11;
	_ =	sdelay $0x1  }
0x274: {  	v9 =	vsub.f32 v9, v10  }
0x275: {  	[tilespmem:v8+s12+$0x0] =	vst.idx.add.f32.msk $0xffff, v3  }
0x276: {  	[tilespmem:v8+s13+$0x0] =	vst.idx.add.f32.msk $0xffff, v9;
	v8 =	vtrunc.f32 v7  }
0x277: {  	v9 =	vld [tilespmem:s29+$0xE020];
	v8 =	vcvt.f32.s32 v8;
	_ =	sdelay $0x1  }
0x278: {  	v10 =	vadd.s32 v2, v8;
	_ =	sdelay $0x1  }
0x279: {  	v8 =	vcvt.s32.f32 v8  }
0x27a: {  	v11 =	vtrunc.f32 v9  }
0x27b: {  	v11 =	vcvt.f32.s32 v11;
	v7 =	vsub.f32 v7, v8  }
0x27c: {  	[tilespmem:v10+s12+$0x0] =	vst.idx.add.f32.msk $0xffff, v3  }
0x27d: {  	v8 =	vadd.s32 v2, v11;
	[tilespmem:v10+s13+$0x0] =	vst.idx.add.f32.msk $0xffff, v7  }
0x27e: {  	v7 =	vld [tilespmem:s29+$0xE0B0]  }
0x27f: {  	v10 =	vcvt.s32.f32 v11;
	_ =	sdelay $0x1  }
0x280: {  	v9 =	vsub.f32 v9, v10  }
0x281: {  	[tilespmem:v8+s12+$0x0] =	vst.idx.add.f32.msk $0xffff, v3  }
0x282: {  	[tilespmem:v8+s13+$0x0] =	vst.idx.add.f32.msk $0xffff, v9;
	v8 =	vtrunc.f32 v7  }
0x283: {  	v9 =	vld [tilespmem:s29+$0xE030];
	v8 =	vcvt.f32.s32 v8;
	_ =	sdelay $0x1  }
0x284: {  	v10 =	vadd.s32 v2, v8;
	_ =	sdelay $0x1  }
0x285: {  	v8 =	vcvt.s32.f32 v8  }
0x286: {  	v11 =	vtrunc.f32 v9  }
0x287: {  	v11 =	vcvt.f32.s32 v11;
	v7 =	vsub.f32 v7, v8  }
0x288: {  	[tilespmem:v10+s12+$0x0] =	vst.idx.add.f32.msk $0xffff, v3  }
0x289: {  	v8 =	vadd.s32 v2, v11;
	[tilespmem:v10+s13+$0x0] =	vst.idx.add.f32.msk $0xffff, v7  }
0x28a: {  	v7 =	vld [tilespmem:s29+$0xE0C0]  }
0x28b: {  	v10 =	vcvt.s32.f32 v11;
	_ =	sdelay $0x1  }
0x28c: {  	v9 =	vsub.f32 v9, v10  }
0x28d: {  	[tilespmem:v8+s12+$0x0] =	vst.idx.add.f32.msk $0xffff, v3  }
0x28e: {  	[tilespmem:v8+s13+$0x0] =	vst.idx.add.f32.msk $0xffff, v9;
	v8 =	vtrunc.f32 v7  }
0x28f: {  	v9 =	vld [tilespmem:s29+$0xE040];
	v8 =	vcvt.f32.s32 v8;
	_ =	sdelay $0x1  }
0x290: {  	v10 =	vadd.s32 v2, v8;
	_ =	sdelay $0x1  }
0x291: {  	v8 =	vcvt.s32.f32 v8  }
0x292: {  	v11 =	vtrunc.f32 v9  }
0x293: {  	v11 =	vcvt.f32.s32 v11;
	v7 =	vsub.f32 v7, v8  }
0x294: {  	[tilespmem:v10+s12+$0x0] =	vst.idx.add.f32.msk $0xffff, v3  }
0x295: {  	v8 =	vadd.s32 v2, v11;
	[tilespmem:v10+s13+$0x0] =	vst.idx.add.f32.msk $0xffff, v7  }
0x296: {  	v7 =	vld [tilespmem:s29+$0xE0D0]  }
0x297: {  	v10 =	vcvt.s32.f32 v11;
	_ =	sdelay $0x1  }
0x298: {  	v9 =	vsub.f32 v9, v10  }
0x299: {  	[tilespmem:v8+s12+$0x0] =	vst.idx.add.f32.msk $0xffff, v3  }
0x29a: {  	[tilespmem:v8+s13+$0x0] =	vst.idx.add.f32.msk $0xffff, v9;
	v8 =	vtrunc.f32 v7  }
0x29b: {  	s2 =	simm.s32 $0x100;
	s0 =	simm.s32 $0x200;
	v9 =	vld [tilespmem:s29+$0xE050];
	v8 =	vcvt.f32.s32 v8  }
0x29c: {  	s2 =	sand.u32 $0x300, s2;
	s26 =	sand.u32 $0xF800, s0  }
0x29d: {  	s26 =	sor.u32 s2, s26;
	v10 =	vadd.s32 v2, v8  }
0x29e: {  	v11 =	vld [tilespmem:s26+$0xE080]  }
0x29f: {  	v8 =	vcvt.s32.f32 v8  }
0x2a0: {  	v12 =	vtrunc.f32 v9  }
0x2a1: {  	v13 =	vld [tilespmem:s26+$0xE000];
	v12 =	vcvt.f32.s32 v12;
	v7 =	vsub.f32 v7, v8  }
0x2a2: {  	[tilespmem:v10+s12+$0x0] =	vst.idx.add.f32.msk $0xffff, v3  }
0x2a3: {  	v14 =	vtrunc.f32 v11;
	v8 =	vadd.s32 v2, v12;
	[tilespmem:v10+s13+$0x0] =	vst.idx.add.f32.msk $0xffff, v7  }
0x2a4: {  	v7 =	vcvt.f32.s32 v14;
	v10 =	vld [tilespmem:s29+$0xE0E0]  }
0x2a5: {  	v12 =	vcvt.s32.f32 v12  }
0x2a6: {  	v14 =	vtrunc.f32 v13;
	v15 =	vadd.s32 v2, v7  }
0x2a7: {  	v9 =	vsub.f32 v9, v12;
	v12 =	vcvt.f32.s32 v14  }
0x2a8: {  	v7 =	vcvt.s32.f32 v7;
	[tilespmem:v8+s12+$0x0] =	vst.idx.add.f32.msk $0xffff, v3  }
0x2a9: {  	[tilespmem:v8+s13+$0x0] =	vst.idx.add.f32.msk $0xffff, v9;
	v8 =	vadd.s32 v2, v12;
	v9 =	vtrunc.f32 v10  }
0x2aa: {  	v7 =	vsub.f32 v11, v7;
	v14 =	vld [tilespmem:s29+$0xE060];
	v9 =	vcvt.f32.s32 v9  }
0x2ab: {  	v11 =	vcvt.s32.f32 v12;
	[tilespmem:v15+s12+$0x0] =	vst.idx.add.f32.msk $0xffff, v3  }
0x2ac: {  	[tilespmem:v15+s13+$0x0] =	vst.idx.add.f32.msk $0xffff, v7;
	v7 =	vadd.s32 v2, v9  }
0x2ad: {  	v11 =	vsub.f32 v13, v11;
	v12 =	vld [tilespmem:s26+$0xE090]  }
0x2ae: {  	[tilespmem:v8+s12+$0x0] =	vst.idx.add.f32.msk $0xffff, v3;
	v9 =	vcvt.s32.f32 v9  }
0x2af: {  	v13 =	vtrunc.f32 v14;
	[tilespmem:v8+s13+$0x0] =	vst.idx.add.f32.msk $0xffff, v11  }
0x2b0: {  	v8 =	vcvt.f32.s32 v13;
	v11 =	vld [tilespmem:s26+$0xE010];
	v9 =	vsub.f32 v10, v9  }
0x2b1: {  	[tilespmem:v7+s12+$0x0] =	vst.idx.add.f32.msk $0xffff, v3  }
0x2b2: {  	v10 =	vadd.s32 v2, v8;
	v13 =	vtrunc.f32 v12;
	[tilespmem:v7+s13+$0x0] =	vst.idx.add.f32.msk $0xffff, v9  }
0x2b3: {  	v7 =	vcvt.f32.s32 v13;
	v9 =	vld [tilespmem:s29+$0xE0F0]  }
0x2b4: {  	v8 =	vcvt.s32.f32 v8  }
0x2b5: {  	v13 =	vtrunc.f32 v11;
	v15 =	vadd.s32 v2, v7  }
0x2b6: {  	v8 =	vsub.f32 v14, v8;
	v13 =	vcvt.f32.s32 v13  }
0x2b7: {  	v7 =	vcvt.s32.f32 v7;
	[tilespmem:v10+s12+$0x0] =	vst.idx.add.f32.msk $0xffff, v3  }
0x2b8: {  	[tilespmem:v10+s13+$0x0] =	vst.idx.add.f32.msk $0xffff, v8;
	v8 =	vadd.s32 v2, v13;
	v10 =	vtrunc.f32 v9  }
0x2b9: {  	v7 =	vsub.f32 v12, v7;
	v14 =	vld [tilespmem:s29+$0xE070];
	v10 =	vcvt.f32.s32 v10  }
0x2ba: {  	v12 =	vcvt.s32.f32 v13;
	[tilespmem:v15+s12+$0x0] =	vst.idx.add.f32.msk $0xffff, v3  }
0x2bb: {  	[tilespmem:v15+s13+$0x0] =	vst.idx.add.f32.msk $0xffff, v7;
	v7 =	vadd.s32 v2, v10  }
0x2bc: {  	v11 =	vsub.f32 v11, v12;
	v12 =	vld [tilespmem:s26+$0xE0A0]  }
0x2bd: {  	[tilespmem:v8+s12+$0x0] =	vst.idx.add.f32.msk $0xffff, v3;
	v10 =	vcvt.s32.f32 v10  }
0x2be: {  	v13 =	vtrunc.f32 v14;
	[tilespmem:v8+s13+$0x0] =	vst.idx.add.f32.msk $0xffff, v11  }
0x2bf: {  	v8 =	vcvt.f32.s32 v13;
	v11 =	vld [tilespmem:s26+$0xE020];
	v9 =	vsub.f32 v9, v10  }
0x2c0: {  	[tilespmem:v7+s12+$0x0] =	vst.idx.add.f32.msk $0xffff, v3  }
0x2c1: {  	v10 =	vadd.s32 v2, v8;
	v13 =	vtrunc.f32 v12;
	[tilespmem:v7+s13+$0x0] =	vst.idx.add.f32.msk $0xffff, v9  }
0x2c2: {  	v7 =	vcvt.f32.s32 v13;
	v9 =	vld [tilespmem:s29+$0xE480]  }
0x2c3: {  	v8 =	vcvt.s32.f32 v8  }
0x2c4: {  	v13 =	vtrunc.f32 v11;
	v15 =	vadd.s32 v2, v7  }
0x2c5: {  	v8 =	vsub.f32 v14, v8;
	v13 =	vcvt.f32.s32 v13  }
0x2c6: {  	v7 =	vcvt.s32.f32 v7;
	[tilespmem:v10+s12+$0x0] =	vst.idx.add.f32.msk $0xffff, v3  }
0x2c7: {  	[tilespmem:v10+s13+$0x0] =	vst.idx.add.f32.msk $0xffff, v8;
	v8 =	vadd.s32 v2, v13;
	v10 =	vtrunc.f32 v9  }
0x2c8: {  	v7 =	vsub.f32 v12, v7;
	v14 =	vld [tilespmem:s29+$0xE400];
	v10 =	vcvt.f32.s32 v10  }
0x2c9: {  	v12 =	vcvt.s32.f32 v13;
	[tilespmem:v15+s12+$0x0] =	vst.idx.add.f32.msk $0xffff, v3  }
0x2ca: {  	[tilespmem:v15+s13+$0x0] =	vst.idx.add.f32.msk $0xffff, v7;
	v7 =	vadd.s32 v2, v10  }
0x2cb: {  	v11 =	vsub.f32 v11, v12;
	v12 =	vld [tilespmem:s26+$0xE0B0]  }
0x2cc: {  	[tilespmem:v8+s12+$0x0] =	vst.idx.add.f32.msk $0xffff, v3;
	v10 =	vcvt.s32.f32 v10  }
0x2cd: {  	v13 =	vtrunc.f32 v14;
	[tilespmem:v8+s13+$0x0] =	vst.idx.add.f32.msk $0xffff, v11  }
0x2ce: {  	v8 =	vcvt.f32.s32 v13;
	v11 =	vld [tilespmem:s26+$0xE030];
	v9 =	vsub.f32 v9, v10  }
0x2cf: {  	[tilespmem:v7+s12+$0x0] =	vst.idx.add.f32.msk $0xffff, v3  }
0x2d0: {  	v10 =	vadd.s32 v2, v8;
	v13 =	vtrunc.f32 v12;
	[tilespmem:v7+s13+$0x0] =	vst.idx.add.f32.msk $0xffff, v9  }
0x2d1: {  	v7 =	vcvt.f32.s32 v13;
	v9 =	vld [tilespmem:s29+$0xE490]  }
0x2d2: {  	v8 =	vcvt.s32.f32 v8  }
0x2d3: {  	v13 =	vtrunc.f32 v11;
	v15 =	vadd.s32 v2, v7  }
0x2d4: {  	v8 =	vsub.f32 v14, v8;
	v13 =	vcvt.f32.s32 v13  }
0x2d5: {  	v7 =	vcvt.s32.f32 v7;
	[tilespmem:v10+s12+$0x0] =	vst.idx.add.f32.msk $0xffff, v3  }
0x2d6: {  	[tilespmem:v10+s13+$0x0] =	vst.idx.add.f32.msk $0xffff, v8;
	v8 =	vadd.s32 v2, v13;
	v10 =	vtrunc.f32 v9  }
0x2d7: {  	v7 =	vsub.f32 v12, v7;
	v14 =	vld [tilespmem:s29+$0xE410];
	v10 =	vcvt.f32.s32 v10  }
0x2d8: {  	v12 =	vcvt.s32.f32 v13;
	[tilespmem:v15+s12+$0x0] =	vst.idx.add.f32.msk $0xffff, v3  }
0x2d9: {  	[tilespmem:v15+s13+$0x0] =	vst.idx.add.f32.msk $0xffff, v7;
	v7 =	vadd.s32 v2, v10  }
0x2da: {  	v11 =	vsub.f32 v11, v12;
	v12 =	vld [tilespmem:s26+$0xE0C0]  }
0x2db: {  	[tilespmem:v8+s12+$0x0] =	vst.idx.add.f32.msk $0xffff, v3;
	v10 =	vcvt.s32.f32 v10  }
0x2dc: {  	v13 =	vtrunc.f32 v14;
	[tilespmem:v8+s13+$0x0] =	vst.idx.add.f32.msk $0xffff, v11  }
0x2dd: {  	v8 =	vcvt.f32.s32 v13;
	v11 =	vld [tilespmem:s26+$0xE040];
	v9 =	vsub.f32 v9, v10  }
0x2de: {  	[tilespmem:v7+s12+$0x0] =	vst.idx.add.f32.msk $0xffff, v3  }
0x2df: {  	v10 =	vadd.s32 v2, v8;
	v13 =	vtrunc.f32 v12;
	[tilespmem:v7+s13+$0x0] =	vst.idx.add.f32.msk $0xffff, v9  }
0x2e0: {  	v7 =	vcvt.f32.s32 v13;
	v9 =	vld [tilespmem:s29+$0xE4A0]  }
0x2e1: {  	v8 =	vcvt.s32.f32 v8  }
0x2e2: {  	v13 =	vtrunc.f32 v11;
	v15 =	vadd.s32 v2, v7  }
0x2e3: {  	v8 =	vsub.f32 v14, v8;
	v13 =	vcvt.f32.s32 v13  }
0x2e4: {  	v7 =	vcvt.s32.f32 v7;
	[tilespmem:v10+s12+$0x0] =	vst.idx.add.f32.msk $0xffff, v3  }
0x2e5: {  	[tilespmem:v10+s13+$0x0] =	vst.idx.add.f32.msk $0xffff, v8;
	v8 =	vadd.s32 v2, v13;
	v10 =	vtrunc.f32 v9  }
0x2e6: {  	v7 =	vsub.f32 v12, v7;
	v14 =	vld [tilespmem:s29+$0xE420];
	v10 =	vcvt.f32.s32 v10  }
0x2e7: {  	v12 =	vcvt.s32.f32 v13;
	[tilespmem:v15+s12+$0x0] =	vst.idx.add.f32.msk $0xffff, v3  }
0x2e8: {  	[tilespmem:v15+s13+$0x0] =	vst.idx.add.f32.msk $0xffff, v7;
	v7 =	vadd.s32 v2, v10  }
0x2e9: {  	v11 =	vsub.f32 v11, v12;
	v12 =	vld [tilespmem:s26+$0xE0D0]  }
0x2ea: {  	[tilespmem:v8+s12+$0x0] =	vst.idx.add.f32.msk $0xffff, v3;
	v10 =	vcvt.s32.f32 v10  }
0x2eb: {  	v13 =	vtrunc.f32 v14;
	[tilespmem:v8+s13+$0x0] =	vst.idx.add.f32.msk $0xffff, v11  }
0x2ec: {  	v8 =	vcvt.f32.s32 v13;
	v11 =	vld [tilespmem:s26+$0xE050];
	v9 =	vsub.f32 v9, v10  }
0x2ed: {  	[tilespmem:v7+s12+$0x0] =	vst.idx.add.f32.msk $0xffff, v3  }
0x2ee: {  	v10 =	vadd.s32 v2, v8;
	v13 =	vtrunc.f32 v12;
	[tilespmem:v7+s13+$0x0] =	vst.idx.add.f32.msk $0xffff, v9  }
0x2ef: {  	s28 =	simm.s32 $0x400;
	s0 =	simm.s32 $0x200;
	v7 =	vcvt.f32.s32 v13;
	v9 =	vld [tilespmem:s29+$0xE4B0]  }
0x2f0: {  	s28 =	sand.u32 $0xF800, s28;
	s2 =	sand.u32 $0x300, s0;
	v8 =	vcvt.s32.f32 v8  }
0x2f1: {  	s28 =	sor.u32 s2, s28;
	v13 =	vtrunc.f32 v11;
	v15 =	vadd.s32 v2, v7  }
0x2f2: {  	v8 =	vsub.f32 v14, v8;
	v14 =	vld [tilespmem:s28+$0xE080];
	v13 =	vcvt.f32.s32 v13  }
0x2f3: {  	v7 =	vcvt.s32.f32 v7;
	[tilespmem:v10+s12+$0x0] =	vst.idx.add.f32.msk $0xffff, v3  }
0x2f4: {  	[tilespmem:v10+s13+$0x0] =	vst.idx.add.f32.msk $0xffff, v8;
	v8 =	vadd.s32 v2, v13;
	v10 =	vtrunc.f32 v9  }
0x2f5: {  	v16 =	vld [tilespmem:s28+$0xE000];
	v7 =	vsub.f32 v12, v7;
	v10 =	vcvt.f32.s32 v10  }
0x2f6: {  	v12 =	vcvt.s32.f32 v13;
	[tilespmem:v15+s12+$0x0] =	vst.idx.add.f32.msk $0xffff, v3  }
0x2f7: {  	v13 =	vtrunc.f32 v14;
	[tilespmem:v15+s13+$0x0] =	vst.idx.add.f32.msk $0xffff, v7;
	v7 =	vadd.s32 v2, v10  }
0x2f8: {  	v11 =	vsub.f32 v11, v12;
	v12 =	vcvt.f32.s32 v13;
	v13 =	vld [tilespmem:s26+$0xE0E0]  }
0x2f9: {  	[tilespmem:v8+s12+$0x0] =	vst.idx.add.f32.msk $0xffff, v3;
	v10 =	vcvt.s32.f32 v10  }
0x2fa: {  	v15 =	vtrunc.f32 v16;
	v17 =	vadd.s32 v2, v12;
	[tilespmem:v8+s13+$0x0] =	vst.idx.add.f32.msk $0xffff, v11  }
0x2fb: {  	v8 =	vcvt.f32.s32 v15;
	v11 =	vld [tilespmem:s26+$0xE060];
	v9 =	vsub.f32 v9, v10  }
0x2fc: {  	v10 =	vcvt.s32.f32 v12;
	[tilespmem:v7+s12+$0x0] =	vst.idx.add.f32.msk $0xffff, v3  }
0x2fd: {  	v12 =	vadd.s32 v2, v8;
	v15 =	vtrunc.f32 v13;
	[tilespmem:v7+s13+$0x0] =	vst.idx.add.f32.msk $0xffff, v9  }
0x2fe: {  	v7 =	vsub.f32 v14, v10;
	v9 =	vcvt.f32.s32 v15;
	v10 =	vld [tilespmem:s29+$0xE4C0]  }
0x2ff: {  	v8 =	vcvt.s32.f32 v8;
	[tilespmem:v17+s12+$0x0] =	vst.idx.add.f32.msk $0xffff, v3  }
0x300: {  	[tilespmem:v17+s13+$0x0] =	vst.idx.add.f32.msk $0xffff, v7;
	v7 =	vtrunc.f32 v11;
	v14 =	vadd.s32 v2, v9  }
0x301: {  	v8 =	vsub.f32 v16, v8;
	v15 =	vld [tilespmem:s28+$0xE090];
	v7 =	vcvt.f32.s32 v7  }
0x302: {  	[tilespmem:v12+s12+$0x0] =	vst.idx.add.f32.msk $0xffff, v3;
	v9 =	vcvt.s32.f32 v9  }
0x303: {  	[tilespmem:v12+s13+$0x0] =	vst.idx.add.f32.msk $0xffff, v8;
	v8 =	vadd.s32 v2, v7;
	v12 =	vtrunc.f32 v10  }
0x304: {  	v16 =	vld [tilespmem:s28+$0xE010];
	v9 =	vsub.f32 v13, v9;
	v12 =	vcvt.f32.s32 v12  }
0x305: {  	v7 =	vcvt.s32.f32 v7;
	[tilespmem:v14+s12+$0x0] =	vst.idx.add.f32.msk $0xffff, v3  }
0x306: {  	v13 =	vtrunc.f32 v15;
	[tilespmem:v14+s13+$0x0] =	vst.idx.add.f32.msk $0xffff, v9;
	v9 =	vadd.s32 v2, v12  }
0x307: {  	v7 =	vsub.f32 v11, v7;
	v11 =	vcvt.f32.s32 v13;
	v13 =	vld [tilespmem:s26+$0xE0F0]  }
0x308: {  	v12 =	vcvt.s32.f32 v12;
	[tilespmem:v8+s12+$0x0] =	vst.idx.add.f32.msk $0xffff, v3  }
0x309: {  	v14 =	vtrunc.f32 v16;
	v17 =	vadd.s32 v2, v11;
	[tilespmem:v8+s13+$0x0] =	vst.idx.add.f32.msk $0xffff, v7  }
0x30a: {  	v7 =	vcvt.f32.s32 v14;
	v10 =	vsub.f32 v10, v12;
	v8 =	vld [tilespmem:s26+$0xE070]  }
0x30b: {  	v11 =	vcvt.s32.f32 v11;
	[tilespmem:v9+s12+$0x0] =	vst.idx.add.f32.msk $0xffff, v3  }
0x30c: {  	v12 =	vadd.s32 v2, v7;
	v14 =	vtrunc.f32 v13;
	[tilespmem:v9+s13+$0x0] =	vst.idx.add.f32.msk $0xffff, v10  }
0x30d: {  	v9 =	vsub.f32 v15, v11;
	v10 =	vcvt.f32.s32 v14;
	v11 =	vld [tilespmem:s29+$0xE4D0]  }
0x30e: {  	v7 =	vcvt.s32.f32 v7;
	[tilespmem:v17+s12+$0x0] =	vst.idx.add.f32.msk $0xffff, v3  }
0x30f: {  	[tilespmem:v17+s13+$0x0] =	vst.idx.add.f32.msk $0xffff, v9;
	v9 =	vtrunc.f32 v8;
	v14 =	vadd.s32 v2, v10  }
0x310: {  	v7 =	vsub.f32 v16, v7;
	v15 =	vld [tilespmem:s28+$0xE0A0];
	v9 =	vcvt.f32.s32 v9  }
0x311: {  	v10 =	vcvt.s32.f32 v10;
	[tilespmem:v12+s12+$0x0] =	vst.idx.add.f32.msk $0xffff, v3  }
0x312: {  	[tilespmem:v12+s13+$0x0] =	vst.idx.add.f32.msk $0xffff, v7;
	v7 =	vadd.s32 v2, v9  }
0x313: {  	v10 =	vsub.f32 v13, v10;
	v16 =	vld [tilespmem:s28+$0xE020];
	v12 =	vtrunc.f32 v11  }
0x314: {  	v9 =	vcvt.s32.f32 v9;
	v12 =	vcvt.f32.s32 v12;
	[tilespmem:v14+s12+$0x0] =	vst.idx.add.f32.msk $0xffff, v3  }
0x315: {  	v13 =	vtrunc.f32 v15;
	[tilespmem:v14+s13+$0x0] =	vst.idx.add.f32.msk $0xffff, v10  }
0x316: {  	v8 =	vsub.f32 v8, v9;
	v9 =	vadd.s32 v2, v12;
	v10 =	vcvt.f32.s32 v13;
	v13 =	vld [tilespmem:s26+$0xE480]  }
0x317: {  	[tilespmem:v7+s12+$0x0] =	vst.idx.add.f32.msk $0xffff, v3  }
0x318: {  	v12 =	vcvt.s32.f32 v12;
	v14 =	vtrunc.f32 v16;
	v17 =	vadd.s32 v2, v10;
	[tilespmem:v7+s13+$0x0] =	vst.idx.add.f32.msk $0xffff, v8  }
0x319: {  	v7 =	vcvt.f32.s32 v14;
	v8 =	vld [tilespmem:s26+$0xE400]  }
0x31a: {  	v14 =	vld [tilespmem:s29+$0xE430];
	v11 =	vsub.f32 v11, v12;
	v10 =	vcvt.s32.f32 v10  }
0x31b: {  	v12 =	vadd.s32 v2, v7;
	[tilespmem:v9+s12+$0x0] =	vst.idx.add.f32.msk $0xffff, v3;
	v18 =	vtrunc.f32 v13  }
0x31c: {  	[tilespmem:v9+s13+$0x0] =	vst.idx.add.f32.msk $0xffff, v11;
	v9 =	vsub.f32 v15, v10;
	v10 =	vcvt.f32.s32 v18  }
0x31d: {  	v7 =	vcvt.s32.f32 v7;
	[tilespmem:v17+s12+$0x0] =	vst.idx.add.f32.msk $0xffff, v3  }
0x31e: {  	[tilespmem:v17+s13+$0x0] =	vst.idx.add.f32.msk $0xffff, v9;
	v9 =	vtrunc.f32 v8;
	v11 =	vadd.s32 v2, v10  }
0x31f: {  	v7 =	vsub.f32 v16, v7;
	v15 =	vld [tilespmem:s28+$0xE0B0];
	v9 =	vcvt.f32.s32 v9  }
0x320: {  	v10 =	vcvt.s32.f32 v10;
	[tilespmem:v12+s12+$0x0] =	vst.idx.add.f32.msk $0xffff, v3  }
0x321: {  	v16 =	vtrunc.f32 v14;
	[tilespmem:v12+s13+$0x0] =	vst.idx.add.f32.msk $0xffff, v7;
	v7 =	vadd.s32 v2, v9  }
0x322: {  	v12 =	vcvt.f32.s32 v16;
	v10 =	vsub.f32 v13, v10;
	v16 =	vld [tilespmem:s28+$0xE030]  }
0x323: {  	v9 =	vcvt.s32.f32 v9;
	[tilespmem:v11+s12+$0x0] =	vst.idx.add.f32.msk $0xffff, v3  }
0x324: {  	v13 =	vadd.s32 v2, v12;
	v17 =	vtrunc.f32 v15;
	[tilespmem:v11+s13+$0x0] =	vst.idx.add.f32.msk $0xffff, v10  }
0x325: {  	v8 =	vsub.f32 v8, v9;
	v9 =	vcvt.f32.s32 v17;
	v10 =	vld [tilespmem:s26+$0xE490]  }
0x326: {  	v11 =	vcvt.s32.f32 v12;
	[tilespmem:v7+s12+$0x0] =	vst.idx.add.f32.msk $0xffff, v3  }
0x327: {  	v12 =	vtrunc.f32 v16;
	v17 =	vadd.s32 v2, v9;
	[tilespmem:v7+s13+$0x0] =	vst.idx.add.f32.msk $0xffff, v8  }
0x328: {  	v7 =	vsub.f32 v14, v11;
	v8 =	vcvt.f32.s32 v12;
	v11 =	vld [tilespmem:s26+$0xE410]  }
0x329: {  	[tilespmem:v13+s12+$0x0] =	vst.idx.add.f32.msk $0xffff, v3;
	v9 =	vcvt.s32.f32 v9  }
0x32a: {  	[tilespmem:v13+s13+$0x0] =	vst.idx.add.f32.msk $0xffff, v7;
	v7 =	vadd.s32 v2, v8;
	v12 =	vtrunc.f32 v10  }
0x32b: {  	v9 =	vsub.f32 v15, v9;
	v13 =	vld [tilespmem:s29+$0xE440];
	v12 =	vcvt.f32.s32 v12  }
0x32c: {  	v8 =	vcvt.s32.f32 v8;
	[tilespmem:v17+s12+$0x0] =	vst.idx.add.f32.msk $0xffff, v3  }
0x32d: {  	[tilespmem:v17+s13+$0x0] =	vst.idx.add.f32.msk $0xffff, v9;
	v9 =	vtrunc.f32 v11;
	v14 =	vadd.s32 v2, v12  }
0x32e: {  	v8 =	vsub.f32 v16, v8;
	v15 =	vld [tilespmem:s28+$0xE0C0];
	v9 =	vcvt.f32.s32 v9  }
0x32f: {  	v12 =	vcvt.s32.f32 v12;
	[tilespmem:v7+s12+$0x0] =	vst.idx.add.f32.msk $0xffff, v3  }
0x330: {  	v16 =	vtrunc.f32 v13;
	[tilespmem:v7+s13+$0x0] =	vst.idx.add.f32.msk $0xffff, v8;
	v7 =	vadd.s32 v2, v9  }
0x331: {  	v10 =	vsub.f32 v10, v12;
	v8 =	vcvt.f32.s32 v16;
	v16 =	vld [tilespmem:s28+$0xE040]  }
0x332: {  	v9 =	vcvt.s32.f32 v9;
	[tilespmem:v14+s12+$0x0] =	vst.idx.add.f32.msk $0xffff, v3  }
0x333: {  	v12 =	vadd.s32 v2, v8;
	v17 =	vtrunc.f32 v15;
	[tilespmem:v14+s13+$0x0] =	vst.idx.add.f32.msk $0xffff, v10  }
0x334: {  	v9 =	vsub.f32 v11, v9;
	v10 =	vcvt.f32.s32 v17;
	v11 =	vld [tilespmem:s26+$0xE4A0]  }
0x335: {  	v8 =	vcvt.s32.f32 v8;
	[tilespmem:v7+s12+$0x0] =	vst.idx.add.f32.msk $0xffff, v3  }
0x336: {  	v14 =	vtrunc.f32 v16;
	v17 =	vadd.s32 v2, v10;
	[tilespmem:v7+s13+$0x0] =	vst.idx.add.f32.msk $0xffff, v9  }
0x337: {  	v7 =	vsub.f32 v13, v8;
	v9 =	vcvt.f32.s32 v14;
	v63 =	vld [tilespmem:s26+$0xE420]  }
0x338: {  	v8 =	vcvt.s32.f32 v10;
	[tilespmem:v12+s12+$0x0] =	vst.idx.add.f32.msk $0xffff, v3  }
0x339: {  	v10 =	vadd.s32 v2, v9;
	[tilespmem:v12+s13+$0x0] =	vst.idx.add.f32.msk $0xffff, v7;
	v13 =	vtrunc.f32 v11  }
0x33a: {  	v7 =	vsub.f32 v15, v8;
	v8 =	vld [tilespmem:s29+$0xE450];
	v12 =	vcvt.f32.s32 v13  }
0x33b: {  	v9 =	vcvt.s32.f32 v9;
	[tilespmem:v17+s12+$0x0] =	vst.idx.add.f32.msk $0xffff, v3  }
0x33c: {  	[tilespmem:v17+s13+$0x0] =	vst.idx.add.f32.msk $0xffff, v7;
	v7 =	vadd.s32 v2, v12;
	v14 =	vtrunc.f32 v63  }
0x33d: {  	v9 =	vsub.f32 v16, v9;
	v12 =	vcvt.s32.f32 v12;
	v13 =	vld [tilespmem:s28+$0xE0D0];
	v15 =	vcvt.f32.s32 v14  }
0x33e: {  	[tilespmem:v10+s12+$0x0] =	vst.idx.add.f32.msk $0xffff, v3  }
0x33f: {  	[tilespmem:v10+s13+$0x0] =	vst.idx.add.f32.msk $0xffff, v9;
	v10 =	vtrunc.f32 v8;
	v16 =	vsub.f32 v11, v12;
	v11 =	vadd.s32 v2, v15  }
0x340: {  	v9 =	vcvt.s32.f32 v15;
	v14 =	vld [tilespmem:s28+$0xE050];
	v10 =	vcvt.f32.s32 v10  }
0x341: {  	[tilespmem:v7+s12+$0x0] =	vst.idx.add.f32.msk $0xffff, v3  }
0x342: {  	v12 =	vsub.f32 v63, v9;
	v9 =	vcvt.s32.f32 v10;
	v15 =	vtrunc.f32 v13;
	[tilespmem:v7+s13+$0x0] =	vst.idx.add.f32.msk $0xffff, v16  }
0x343: {  	s30 =	simm.s32 $0x300;
	s31 =	simm.s32 $0x600;
	s29 =	simm.s32 $0x4;
	v7 =	vadd.s32 v2, v10;
	v15 =	vcvt.f32.s32 v15;
	v10 =	vld [tilespmem:s26+$0xE4B0]  }
.LBB2_13:
0x344: {  	s2 =	sand.u32 $0xF800, s31;
	s0 =	sand.u32 $0x300, s30;
	[tilespmem:v11+s12+$0x0] =	vst.idx.add.f32.msk $0xffff, v3;
	v8 =	vsub.f32 v8, v9  }
0x345: {  	s2 =	sor.u32 s0, s2;
	v9 =	vtrunc.f32 v14;
	v16 =	vadd.s32 v2, v15;
	[tilespmem:v11+s13+$0x0] =	vst.idx.add.f32.msk $0xffff, v12  }
0x346: {  	v11 =	vld [tilespmem:s2+$0xE080];
	v9 =	vcvt.f32.s32 v9  }
0x347: {  	v15 =	vcvt.s32.f32 v15;
	v12 =	vld [tilespmem:s2+$0xE000]  }
0x348: {  	v17 =	vcvt.s32.f32 v9;
	v9 =	vadd.s32 v2, v9;
	v18 =	vld [tilespmem:s26+$0xE430];
	v19 =	vtrunc.f32 v10  }
0x349: {  	v13 =	vsub.f32 v13, v15;
	v15 =	vcvt.f32.s32 v19;
	[tilespmem:v7+s12+$0x0] =	vst.idx.add.f32.msk $0xffff, v3  }
0x34a: {  	v14 =	vsub.f32 v14, v17;
	[tilespmem:v16+s12+$0x0] =	vst.idx.add.f32.msk $0xffff, v3  }
0x34b: {  	v17 =	vtrunc.f32 v11;
	[tilespmem:v16+s13+$0x0] =	vst.idx.add.f32.msk $0xffff, v13;
	v13 =	vadd.s32 v2, v15  }
0x34c: {  	v16 =	vtrunc.f32 v12;
	v17 =	vcvt.f32.s32 v17;
	v19 =	vld [tilespmem:s28+$0xE0E0]  }
0x34d: {  	v15 =	vcvt.s32.f32 v15;
	v16 =	vcvt.f32.s32 v16;
	[tilespmem:v9+s12+$0x0] =	vst.idx.add.f32.msk $0xffff, v3  }
0x34e: {  	v20 =	vadd.s32 v2, v17;
	[tilespmem:v9+s13+$0x0] =	vst.idx.add.f32.msk $0xffff, v14;
	v9 =	vtrunc.f32 v18  }
0x34f: {  	v10 =	vsub.f32 v10, v15;
	v14 =	vcvt.s32.f32 v16;
	v16 =	vadd.s32 v2, v16;
	v21 =	vld [tilespmem:s28+$0xE060]  }
0x350: {  	v15 =	vcvt.s32.f32 v17;
	v9 =	vcvt.f32.s32 v9;
	[tilespmem:v13+s12+$0x0] =	vst.idx.add.f32.msk $0xffff, v3  }
0x351: {  	v12 =	vsub.f32 v12, v14;
	v14 =	vtrunc.f32 v19;
	[tilespmem:v13+s13+$0x0] =	vst.idx.add.f32.msk $0xffff, v10  }
0x352: {  	s29 =	sadd.s32 $0x2, s29;
	v10 =	vsub.f32 v11, v15;
	v13 =	vcvt.s32.f32 v9;
	v11 =	vcvt.f32.s32 v14;
	v14 =	vld [tilespmem:s26+$0xE4C0]  }
0x353: {  	p0 =	slt.u32 s29, $0xDE;
	v9 =	vadd.s32 v2, v9;
	[tilespmem:v20+s12+$0x0] =	vst.idx.add.f32.msk $0xffff, v3  }
0x354: {  	[tilespmem:v20+s13+$0x0] =	vst.idx.add.f32.msk $0xffff, v10;
	v15 =	vtrunc.f32 v21;
	v17 =	vadd.s32 v2, v11;
	v10 =	vsub.f32 v18, v13  }
0x355: {  	v13 =	vld [tilespmem:s2+$0xE090];
	v15 =	vcvt.f32.s32 v15  }
0x356: {  	v11 =	vcvt.s32.f32 v11;
	[tilespmem:v16+s12+$0x0] =	vst.idx.add.f32.msk $0xffff, v3  }
0x357: {  	[tilespmem:v16+s13+$0x0] =	vst.idx.add.f32.msk $0xffff, v12;
	v12 =	vcvt.s32.f32 v15;
	v15 =	vadd.s32 v2, v15;
	v16 =	vtrunc.f32 v14  }
0x358: {  	v11 =	vsub.f32 v19, v11;
	v18 =	vld [tilespmem:s2+$0xE010];
	v16 =	vcvt.f32.s32 v16  }
0x359: {  	v12 =	vsub.f32 v21, v12;
	[tilespmem:v17+s12+$0x0] =	vst.idx.add.f32.msk $0xffff, v3  }
0x35a: {  	v19 =	vtrunc.f32 v13;
	[tilespmem:v17+s13+$0x0] =	vst.idx.add.f32.msk $0xffff, v11;
	v11 =	vadd.s32 v2, v16  }
0x35b: {  	v17 =	vcvt.f32.s32 v19;
	v19 =	vld [tilespmem:s28+$0xE0F0]  }
0x35c: {  	v16 =	vcvt.s32.f32 v16;
	[tilespmem:v15+s12+$0x0] =	vst.idx.add.f32.msk $0xffff, v3  }
0x35d: {  	v20 =	vtrunc.f32 v18;
	v21 =	vadd.s32 v2, v17;
	[tilespmem:v15+s13+$0x0] =	vst.idx.add.f32.msk $0xffff, v12  }
0x35e: {  	v14 =	vsub.f32 v14, v16;
	v12 =	vcvt.f32.s32 v20;
	v15 =	vld [tilespmem:s28+$0xE070]  }
0x35f: {  	v16 =	vcvt.s32.f32 v17;
	[tilespmem:v11+s12+$0x0] =	vst.idx.add.f32.msk $0xffff, v3  }
0x360: {  	v17 =	vcvt.s32.f32 v12;
	v12 =	vadd.s32 v2, v12;
	v20 =	vtrunc.f32 v19;
	[tilespmem:v11+s13+$0x0] =	vst.idx.add.f32.msk $0xffff, v14  }
0x361: {  	v11 =	vsub.f32 v13, v16;
	v13 =	vcvt.f32.s32 v20;
	v14 =	vld [tilespmem:s26+$0xE4D0]  }
0x362: {  	v16 =	vsub.f32 v18, v17;
	[tilespmem:v21+s12+$0x0] =	vst.idx.add.f32.msk $0xffff, v3  }
0x363: {  	[tilespmem:v21+s13+$0x0] =	vst.idx.add.f32.msk $0xffff, v11;
	v11 =	vtrunc.f32 v15;
	v17 =	vadd.s32 v2, v13  }
0x364: {  	v18 =	vld [tilespmem:s2+$0xE0A0];
	v11 =	vcvt.f32.s32 v11  }
0x365: {  	v13 =	vcvt.s32.f32 v13;
	[tilespmem:v12+s12+$0x0] =	vst.idx.add.f32.msk $0xffff, v3  }
0x366: {  	[tilespmem:v12+s13+$0x0] =	vst.idx.add.f32.msk $0xffff, v16;
	v12 =	vcvt.s32.f32 v11;
	v11 =	vadd.s32 v2, v11;
	v16 =	vtrunc.f32 v14  }
0x367: {  	v13 =	vsub.f32 v19, v13;
	v20 =	vld [tilespmem:s2+$0xE020];
	v16 =	vcvt.f32.s32 v16  }
0x368: {  	v12 =	vsub.f32 v15, v12;
	[tilespmem:v17+s12+$0x0] =	vst.idx.add.f32.msk $0xffff, v3  }
0x369: {  	v15 =	vtrunc.f32 v18;
	[tilespmem:v17+s13+$0x0] =	vst.idx.add.f32.msk $0xffff, v13;
	v13 =	vadd.s32 v2, v16  }
0x36a: {  	v15 =	vcvt.f32.s32 v15;
	v17 =	vld [tilespmem:s28+$0xE480]  }
0x36b: {  	v16 =	vcvt.s32.f32 v16;
	[tilespmem:v11+s12+$0x0] =	vst.idx.add.f32.msk $0xffff, v3  }
0x36c: {  	v19 =	vtrunc.f32 v20;
	v21 =	vadd.s32 v2, v15;
	[tilespmem:v11+s13+$0x0] =	vst.idx.add.f32.msk $0xffff, v12  }
0x36d: {  	v14 =	vsub.f32 v14, v16;
	v11 =	vcvt.f32.s32 v19;
	v12 =	vld [tilespmem:s28+$0xE400]  }
0x36e: {  	v15 =	vcvt.s32.f32 v15;
	[tilespmem:v13+s12+$0x0] =	vst.idx.add.f32.msk $0xffff, v3  }
0x36f: {  	v16 =	vcvt.s32.f32 v11;
	v11 =	vadd.s32 v2, v11;
	v19 =	vtrunc.f32 v17;
	[tilespmem:v13+s13+$0x0] =	vst.idx.add.f32.msk $0xffff, v14  }
0x370: {  	v13 =	vsub.f32 v18, v15;
	v14 =	vcvt.f32.s32 v19;
	[tilespmem:v9+s12+$0x0] =	vst.idx.add.f32.msk $0xffff, v3  }
0x371: {  	v15 =	vsub.f32 v20, v16;
	[tilespmem:v21+s12+$0x0] =	vst.idx.add.f32.msk $0xffff, v3  }
0x372: {  	[tilespmem:v21+s13+$0x0] =	vst.idx.add.f32.msk $0xffff, v13;
	v13 =	vtrunc.f32 v12;
	v16 =	vadd.s32 v2, v14  }
0x373: {  	v18 =	vld [tilespmem:s2+$0xE0B0];
	v13 =	vcvt.f32.s32 v13  }
0x374: {  	v14 =	vcvt.s32.f32 v14;
	[tilespmem:v11+s12+$0x0] =	vst.idx.add.f32.msk $0xffff, v3  }
0x375: {  	[tilespmem:v11+s13+$0x0] =	vst.idx.add.f32.msk $0xffff, v15;
	v11 =	vcvt.s32.f32 v13;
	v13 =	vadd.s32 v2, v13  }
0x376: {  	v14 =	vsub.f32 v17, v14;
	v15 =	vld [tilespmem:s2+$0xE030]  }
0x377: {  	v11 =	vsub.f32 v12, v11;
	[tilespmem:v16+s12+$0x0] =	vst.idx.add.f32.msk $0xffff, v3  }
0x378: {  	v12 =	vtrunc.f32 v18;
	[tilespmem:v16+s13+$0x0] =	vst.idx.add.f32.msk $0xffff, v14  }
0x379: {  	v12 =	vcvt.f32.s32 v12;
	v14 =	vld [tilespmem:s28+$0xE490]  }
0x37a: {  	[tilespmem:v13+s12+$0x0] =	vst.idx.add.f32.msk $0xffff, v3  }
0x37b: {  	v16 =	vtrunc.f32 v15;
	v17 =	vadd.s32 v2, v12;
	[tilespmem:v13+s13+$0x0] =	vst.idx.add.f32.msk $0xffff, v11  }
0x37c: {  	v11 =	vcvt.f32.s32 v16;
	v13 =	vld [tilespmem:s28+$0xE410]  }
0x37d: {  	v12 =	vcvt.s32.f32 v12;
	[tilespmem:v9+s13+$0x0] =	vst.idx.add.f32.msk $0xffff, v10  }
0x37e: {  	v9 =	vcvt.s32.f32 v11;
	v10 =	vadd.s32 v2, v11;
	v11 =	vtrunc.f32 v14;
	v16 =	vld [tilespmem:s26+$0xE440]  }
0x37f: {  	v12 =	vsub.f32 v18, v12;
	v11 =	vcvt.f32.s32 v11;
	[tilespmem:v7+s13+$0x0] =	vst.idx.add.f32.msk $0xffff, v8  }
0x380: {  	v7 =	vsub.f32 v15, v9;
	[tilespmem:v17+s12+$0x0] =	vst.idx.add.f32.msk $0xffff, v3  }
0x381: {  	[tilespmem:v17+s13+$0x0] =	vst.idx.add.f32.msk $0xffff, v12;
	v8 =	vtrunc.f32 v13;
	v9 =	vadd.s32 v2, v11  }
0x382: {  	v12 =	vld [tilespmem:s2+$0xE0C0];
	v8 =	vcvt.f32.s32 v8  }
0x383: {  	v11 =	vcvt.s32.f32 v11;
	[tilespmem:v10+s12+$0x0] =	vst.idx.add.f32.msk $0xffff, v3;
	v15 =	vtrunc.f32 v16  }
0x384: {  	[tilespmem:v10+s13+$0x0] =	vst.idx.add.f32.msk $0xffff, v7;
	v7 =	vcvt.s32.f32 v8;
	v8 =	vadd.s32 v2, v8;
	v10 =	vcvt.f32.s32 v15  }
0x385: {  	v11 =	vsub.f32 v14, v11;
	v15 =	vld [tilespmem:s2+$0xE040]  }
0x386: {  	v7 =	vsub.f32 v13, v7;
	[tilespmem:v9+s12+$0x0] =	vst.idx.add.f32.msk $0xffff, v3;
	v13 =	vcvt.s32.f32 v10;
	v10 =	vadd.s32 v2, v10  }
0x387: {  	v14 =	vtrunc.f32 v12;
	[tilespmem:v9+s13+$0x0] =	vst.idx.add.f32.msk $0xffff, v11  }
0x388: {  	v9 =	vcvt.f32.s32 v14;
	v17 =	vld [tilespmem:s28+$0xE4A0];
	v11 =	vsub.f32 v16, v13  }
0x389: {  	[tilespmem:v8+s12+$0x0] =	vst.idx.add.f32.msk $0xffff, v3  }
0x38a: {  	v13 =	vtrunc.f32 v15;
	v14 =	vadd.s32 v2, v9;
	[tilespmem:v8+s13+$0x0] =	vst.idx.add.f32.msk $0xffff, v7  }
0x38b: {  	v7 =	vcvt.f32.s32 v13;
	v16 =	vld [tilespmem:s28+$0xE420]  }
0x38c: {  	v8 =	vcvt.s32.f32 v9;
	[tilespmem:v10+s12+$0x0] =	vst.idx.add.f32.msk $0xffff, v3  }
0x38d: {  	v9 =	vcvt.s32.f32 v7;
	v7 =	vadd.s32 v2, v7;
	v13 =	vtrunc.f32 v17;
	[tilespmem:v10+s13+$0x0] =	vst.idx.add.f32.msk $0xffff, v11  }
0x38e: {  	v10 =	vsub.f32 v12, v8;
	v11 =	vcvt.f32.s32 v13;
	v8 =	vld [tilespmem:s26+$0xE450];
	s26 =	smov.u32 s28;
	s28 =	smov.u32 s2  }
0x38f: {  	v9 =	vsub.f32 v15, v9;
	[tilespmem:v14+s12+$0x0] =	vst.idx.add.f32.msk $0xffff, v3  }
0x390: {  	[tilespmem:v14+s13+$0x0] =	vst.idx.add.f32.msk $0xffff, v10;
	v10 =	vtrunc.f32 v16;
	v15 =	vadd.s32 v2, v11  }
0x391: {  	v13 =	vld [tilespmem:s28+$0xE0D0];
	v10 =	vcvt.f32.s32 v10  }
0x392: {  	v12 =	vcvt.s32.f32 v11;
	[tilespmem:v7+s12+$0x0] =	vst.idx.add.f32.msk $0xffff, v3  }
.Ltmp5:
0x393: {  	[tilespmem:v7+s13+$0x0] =	vst.idx.add.f32.msk $0xffff, v9;
	v7 =	vcvt.s32.f32 v10;
	v11 =	vadd.s32 v2, v10;
	v9 =	vtrunc.f32 v8;
	(pc) =	sbr.rel @p0 .LBB2_13-.Ltmp5, $4  }
0x394: {  	v10 =	vsub.f32 v17, v12;
	v14 =	vld [tilespmem:s28+$0xE050];
	v17 =	vcvt.f32.s32 v9  }
0x395: {  	v12 =	vsub.f32 v16, v7;
	[tilespmem:v15+s12+$0x0] =	vst.idx.add.f32.msk $0xffff, v3  }
0x396: {  	v16 =	vtrunc.f32 v13;
	[tilespmem:v15+s13+$0x0] =	vst.idx.add.f32.msk $0xffff, v10;
	v9 =	vcvt.s32.f32 v17;
	v7 =	vadd.s32 v2, v17  }
0x397: {  	s30 =	sadd.s32 $0x100, s30;
	s31 =	sadd.s32 $0x200, s31;
	v15 =	vcvt.f32.s32 v16;
	v10 =	vld [tilespmem:s26+$0xE4B0]  }
0x398: {  	_ = 	snop  }
0x399: {  	v16 =	vtrunc.f32 v14;
	v17 =	vadd.s32 v2, v15  }
0x39a: {  	v16 =	vcvt.f32.s32 v16  }
0x39b: {  	v15 =	vcvt.s32.f32 v15  }
0x39c: {  	v18 =	vadd.s32 v2, v16  }
0x39d: {  	v13 =	vsub.f32 v13, v15  }
0x39e: {  	v15 =	vcvt.s32.f32 v16;
	[tilespmem:v17+s12+$0x0] =	vst.idx.add.f32.msk $0xffff, v3  }
0x39f: {  	[tilespmem:v17+s13+$0x0] =	vst.idx.add.f32.msk $0xffff, v13  }
0x3a0: {  	v13 =	vsub.f32 v14, v15;
	v14 =	vld [tilespmem:s28+$0xE0E0]  }
0x3a1: {  	[tilespmem:v18+s12+$0x0] =	vst.idx.add.f32.msk $0xffff, v3  }
0x3a2: {  	[tilespmem:v18+s13+$0x0] =	vst.idx.add.f32.msk $0xffff, v13  }
0x3a3: {  	v13 =	vld [tilespmem:s28+$0xE060];
	_ =	sdelay $0x1  }
0x3a4: {  	v15 =	vtrunc.f32 v14  }
0x3a5: {  	v15 =	vcvt.f32.s32 v15;
	_ =	sdelay $0x1  }
0x3a6: {  	v16 =	vtrunc.f32 v13;
	v17 =	vadd.s32 v2, v15  }
0x3a7: {  	v16 =	vcvt.f32.s32 v16  }
0x3a8: {  	v15 =	vcvt.s32.f32 v15  }
0x3a9: {  	v56 =	vadd.s32 v2, v16  }
0x3aa: {  	v14 =	vsub.f32 v14, v15  }
0x3ab: {  	v15 =	vcvt.s32.f32 v16;
	[tilespmem:v17+s12+$0x0] =	vst.idx.add.f32.msk $0xffff, v3  }
0x3ac: {  	[tilespmem:v17+s13+$0x0] =	vst.idx.add.f32.msk $0xffff, v14  }
0x3ad: {  	v13 =	vsub.f32 v13, v15;
	v14 =	vld [tilespmem:s28+$0xE0F0]  }
0x3ae: {  	[tilespmem:v56+s12+$0x0] =	vst.idx.add.f32.msk $0xffff, v3  }
0x3af: {  	[tilespmem:v56+s13+$0x0] =	vst.idx.add.f32.msk $0xffff, v13  }
0x3b0: {  	v13 =	vld [tilespmem:s28+$0xE070];
	_ =	sdelay $0x1  }
0x3b1: {  	v15 =	vtrunc.f32 v14  }
0x3b2: {  	v15 =	vcvt.f32.s32 v15;
	_ =	sdelay $0x1  }
0x3b3: {  	v16 =	vtrunc.f32 v13;
	v17 =	vadd.s32 v2, v15  }
0x3b4: {  	v16 =	vcvt.f32.s32 v16  }
0x3b5: {  	v15 =	vcvt.s32.f32 v15  }
0x3b6: {  	v57 =	vadd.s32 v2, v16  }
0x3b7: {  	v14 =	vsub.f32 v14, v15  }
0x3b8: {  	v15 =	vcvt.s32.f32 v16;
	[tilespmem:v17+s12+$0x0] =	vst.idx.add.f32.msk $0xffff, v3  }
0x3b9: {  	[tilespmem:v17+s13+$0x0] =	vst.idx.add.f32.msk $0xffff, v14  }
0x3ba: {  	v13 =	vsub.f32 v13, v15;
	v14 =	vld [tilespmem:s28+$0xE480]  }
0x3bb: {  	[tilespmem:v57+s12+$0x0] =	vst.idx.add.f32.msk $0xffff, v3  }
0x3bc: {  	[tilespmem:v57+s13+$0x0] =	vst.idx.add.f32.msk $0xffff, v13  }
0x3bd: {  	v13 =	vld [tilespmem:s28+$0xE400];
	_ =	sdelay $0x1  }
0x3be: {  	v15 =	vtrunc.f32 v14  }
0x3bf: {  	v15 =	vcvt.f32.s32 v15;
	_ =	sdelay $0x1  }
0x3c0: {  	v16 =	vtrunc.f32 v13;
	v17 =	vadd.s32 v2, v15  }
0x3c1: {  	v16 =	vcvt.f32.s32 v16  }
0x3c2: {  	v15 =	vcvt.s32.f32 v15  }
0x3c3: {  	v58 =	vadd.s32 v2, v16  }
0x3c4: {  	v14 =	vsub.f32 v14, v15  }
0x3c5: {  	v15 =	vcvt.s32.f32 v16;
	[tilespmem:v17+s12+$0x0] =	vst.idx.add.f32.msk $0xffff, v3  }
0x3c6: {  	[tilespmem:v17+s13+$0x0] =	vst.idx.add.f32.msk $0xffff, v14  }
0x3c7: {  	v13 =	vsub.f32 v13, v15;
	v14 =	vld [tilespmem:s28+$0xE490]  }
0x3c8: {  	[tilespmem:v58+s12+$0x0] =	vst.idx.add.f32.msk $0xffff, v3  }
0x3c9: {  	[tilespmem:v58+s13+$0x0] =	vst.idx.add.f32.msk $0xffff, v13  }
0x3ca: {  	v13 =	vld [tilespmem:s28+$0xE410];
	_ =	sdelay $0x1  }
0x3cb: {  	v15 =	vtrunc.f32 v14  }
0x3cc: {  	v15 =	vcvt.f32.s32 v15;
	_ =	sdelay $0x1  }
0x3cd: {  	v16 =	vtrunc.f32 v13;
	v17 =	vadd.s32 v2, v15  }
0x3ce: {  	v16 =	vcvt.f32.s32 v16  }
0x3cf: {  	v15 =	vcvt.s32.f32 v15  }
0x3d0: {  	v59 =	vadd.s32 v2, v16  }
0x3d1: {  	v14 =	vsub.f32 v14, v15  }
0x3d2: {  	v15 =	vcvt.s32.f32 v16;
	[tilespmem:v17+s12+$0x0] =	vst.idx.add.f32.msk $0xffff, v3  }
0x3d3: {  	[tilespmem:v17+s13+$0x0] =	vst.idx.add.f32.msk $0xffff, v14  }
0x3d4: {  	v13 =	vsub.f32 v13, v15;
	v14 =	vld [tilespmem:s28+$0xE4A0]  }
0x3d5: {  	[tilespmem:v59+s12+$0x0] =	vst.idx.add.f32.msk $0xffff, v3  }
0x3d6: {  	[tilespmem:v59+s13+$0x0] =	vst.idx.add.f32.msk $0xffff, v13  }
0x3d7: {  	v13 =	vld [tilespmem:s28+$0xE420];
	_ =	sdelay $0x1  }
0x3d8: {  	v15 =	vtrunc.f32 v14  }
0x3d9: {  	v15 =	vcvt.f32.s32 v15;
	_ =	sdelay $0x1  }
0x3da: {  	v16 =	vtrunc.f32 v13;
	v17 =	vadd.s32 v2, v15  }
0x3db: {  	v16 =	vcvt.f32.s32 v16  }
0x3dc: {  	[tilespmem:v11+s12+$0x0] =	vst.idx.add.f32.msk $0xffff, v3;
	v15 =	vcvt.s32.f32 v15  }
0x3dd: {  	[tilespmem:v11+s13+$0x0] =	vst.idx.add.f32.msk $0xffff, v12;
	v11 =	vadd.s32 v2, v16  }
0x3de: {  	v12 =	vld [tilespmem:s26+$0xE430];
	v14 =	vsub.f32 v14, v15  }
0x3df: {  	v15 =	vcvt.s32.f32 v16;
	[tilespmem:v17+s12+$0x0] =	vst.idx.add.f32.msk $0xffff, v3  }
0x3e0: {  	v16 =	vtrunc.f32 v10;
	[tilespmem:v17+s13+$0x0] =	vst.idx.add.f32.msk $0xffff, v14  }
0x3e1: {  	v13 =	vsub.f32 v13, v15;
	v14 =	vcvt.f32.s32 v16;
	v15 =	vld [tilespmem:s28+$0xE4B0]  }
0x3e2: {  	[tilespmem:v11+s12+$0x0] =	vst.idx.add.f32.msk $0xffff, v3  }
0x3e3: {  	v17 =	vtrunc.f32 v12;
	v16 =	vadd.s32 v2, v14;
	[tilespmem:v11+s13+$0x0] =	vst.idx.add.f32.msk $0xffff, v13  }
0x3e4: {  	v11 =	vcvt.f32.s32 v17;
	v13 =	vld [tilespmem:s28+$0xE430]  }
0x3e5: {  	v14 =	vcvt.s32.f32 v14  }
0x3e6: {  	v17 =	vadd.s32 v2, v11;
	v60 =	vtrunc.f32 v15  }
0x3e7: {  	v10 =	vsub.f32 v10, v14;
	v14 =	vcvt.f32.s32 v60  }
0x3e8: {  	v11 =	vcvt.s32.f32 v11;
	[tilespmem:v16+s12+$0x0] =	vst.idx.add.f32.msk $0xffff, v3  }
0x3e9: {  	[tilespmem:v16+s13+$0x0] =	vst.idx.add.f32.msk $0xffff, v10;
	v10 =	vadd.s32 v2, v14;
	v16 =	vtrunc.f32 v13  }
0x3ea: {  	v11 =	vsub.f32 v12, v11;
	v61 =	vld [tilespmem:s26+$0xE4C0];
	v12 =	vcvt.f32.s32 v16  }
0x3eb: {  	v14 =	vcvt.s32.f32 v14;
	[tilespmem:v17+s12+$0x0] =	vst.idx.add.f32.msk $0xffff, v3  }
0x3ec: {  	[tilespmem:v17+s13+$0x0] =	vst.idx.add.f32.msk $0xffff, v11;
	v11 =	vadd.s32 v2, v12  }
0x3ed: {  	v14 =	vsub.f32 v15, v14;
	v16 =	vld [tilespmem:s26+$0xE440]  }
0x3ee: {  	v12 =	vcvt.s32.f32 v12;
	[tilespmem:v10+s12+$0x0] =	vst.idx.add.f32.msk $0xffff, v3  }
0x3ef: {  	v15 =	vtrunc.f32 v61;
	[tilespmem:v10+s13+$0x0] =	vst.idx.add.f32.msk $0xffff, v14  }
0x3f0: {  	v12 =	vsub.f32 v13, v12;
	v10 =	vcvt.f32.s32 v15;
	v14 =	vld [tilespmem:s28+$0xE4C0]  }
0x3f1: {  	[tilespmem:v11+s12+$0x0] =	vst.idx.add.f32.msk $0xffff, v3  }
0x3f2: {  	v13 =	vadd.s32 v2, v10;
	v15 =	vtrunc.f32 v16;
	[tilespmem:v11+s13+$0x0] =	vst.idx.add.f32.msk $0xffff, v12  }
0x3f3: {  	v11 =	vcvt.f32.s32 v15;
	v12 =	vld [tilespmem:s28+$0xE440]  }
0x3f4: {  	v10 =	vcvt.s32.f32 v10  }
0x3f5: {  	v15 =	vadd.s32 v2, v11;
	v17 =	vtrunc.f32 v14  }
0x3f6: {  	v10 =	vsub.f32 v61, v10;
	v17 =	vcvt.f32.s32 v17  }
0x3f7: {  	v11 =	vcvt.s32.f32 v11;
	[tilespmem:v13+s12+$0x0] =	vst.idx.add.f32.msk $0xffff, v3  }
0x3f8: {  	[tilespmem:v13+s13+$0x0] =	vst.idx.add.f32.msk $0xffff, v10;
	v10 =	vadd.s32 v2, v17;
	v13 =	vtrunc.f32 v12  }
0x3f9: {  	v11 =	vsub.f32 v16, v11;
	v62 =	vld [tilespmem:s26+$0xE4D0];
	v13 =	vcvt.f32.s32 v13  }
0x3fa: {  	v16 =	vcvt.s32.f32 v17;
	[tilespmem:v15+s12+$0x0] =	vst.idx.add.f32.msk $0xffff, v3  }
0x3fb: {  	[tilespmem:v15+s13+$0x0] =	vst.idx.add.f32.msk $0xffff, v11;
	v11 =	vadd.s32 v2, v13  }
0x3fc: {  	v14 =	vsub.f32 v14, v16;
	v15 =	vld [tilespmem:s26+$0xE450]  }
0x3fd: {  	v13 =	vcvt.s32.f32 v13;
	[tilespmem:v10+s12+$0x0] =	vst.idx.add.f32.msk $0xffff, v3  }
0x3fe: {  	[tilespmem:v10+s13+$0x0] =	vst.idx.add.f32.msk $0xffff, v14  }
0x3ff: {  	v12 =	vsub.f32 v12, v13;
	v10 =	vld [tilespmem:s28+$0xE4D0]  }
0x400: {  	[tilespmem:v11+s12+$0x0] =	vst.idx.add.f32.msk $0xffff, v3  }
0x401: {  	v13 =	vtrunc.f32 v62;
	[tilespmem:v11+s13+$0x0] =	vst.idx.add.f32.msk $0xffff, v12  }
0x402: {  	v13 =	vcvt.f32.s32 v13;
	v11 =	vld [tilespmem:s28+$0xE450]  }
0x403: {  	v14 =	vtrunc.f32 v15  }
0x404: {  	s0 =	sadd.s32 $0x3, s23;
	v12 =	vadd.s32 v2, v13;
	v14 =	vcvt.f32.s32 v14  }
0x405: {  	p0 =	sge.u32 s0, s8;
	v13 =	vcvt.s32.f32 v13;
	v16 =	vtrunc.f32 v10  }
0x406: {  	v8 =	vsub.f32 v8, v9;
	s2 =	smulhi.u32 @!p0 $0x2AAAAAAB, s0;
	v17 =	vadd.s32 v2, v14;
	v16 =	vcvt.f32.s32 v16  }
0x407: {  	[tilespmem:v7+s12+$0x0] =	vst.idx.add.f32.msk $0xffff, v3;
	v13 =	vsub.f32 v62, v13;
	v19 =	vtrunc.f32 v11  }
0x408: {  	[tilespmem:v7+s13+$0x0] =	vst.idx.add.f32.msk $0xffff, v8;
	s2 =	sshrl.u32 @!p0 s2, $0x4;
	v7 =	vcvt.s32.f32 v14;
	v63 =	vadd.s32 v2, v16;
	v9 =	vcvt.f32.s32 v19  }
0x409: {  	s23 =	smul.u32 @!p0 $0x60, s2;
	[tilespmem:v12+s12+$0x0] =	vst.idx.add.f32.msk $0xffff, v3  }
0x40a: {  	v7 =	vsub.f32 v15, v7;
	[tilespmem:v12+s13+$0x0] =	vst.idx.add.f32.msk $0xffff, v13;
	v12 =	vcvt.s32.f32 v16;
	v8 =	vadd.s32 v2, v9  }
0x40b: {  	s2 =	smul.u32 @!p0 $0x540000, s2;
	s0 =	ssub.s32 @!p0 s0, s23;
	[tilespmem:v17+s12+$0x0] =	vst.idx.add.f32.msk $0xffff, v3  }
0x40c: {  	s0 =	smul.u32 @!p0 $0xE000, s0;
	v10 =	vsub.f32 v10, v12;
	[tilespmem:v17+s13+$0x0] =	vst.idx.add.f32.msk $0xffff, v7;
	v9 =	vcvt.s32.f32 v9  }
0x40d: {  	[tilespmem:v63+s12+$0x0] =	vst.idx.add.f32.msk $0xffff, v3  }
0x40e: {  	s0 =	sadd.s32 @!p0 s0, s2;
	v7 =	vsub.f32 v11, v9;
	[tilespmem:v63+s13+$0x0] =	vst.idx.add.f32.msk $0xffff, v10  }
0x40f: {  	s0 =	sshrl.u32 @!p0 s0, $0x3;
	[tilespmem:v8+s12+$0x0] =	vst.idx.add.f32.msk $0xffff, v3  }
0x410: {  	s23 =	simm.s32 @!p0 $0xE000;
	s2 =	simm.s32 @!p0 $0x0;
	s0 =	sadd.s32 @!p0 s3, s0;
	[tilespmem:v8+s13+$0x0] =	vst.idx.add.f32.msk $0xffff, v7  }
0x411: {  	[tilespmem:s23], [sflag:$0x2] =	stream.linear.gather @!p0 [hbm4b:s0+s2], $0xE000, $0x38;
	[tilespmem:$0x1E600] =	vst v63  }
0x412: {  	s2 =	simm.s32 $0x0  }
0x413: {  	v7 =	vld [tilespmem:s2+$0x1D210]  }
0x414: {  	v8 =	vld [tilespmem:s2+$0x1C110]  }
0x415: {  	v9 =	vld [tilespmem:s2+$0x1D100]  }
0x416: {  	v10 =	vld [tilespmem:s2+$0x1C000]  }
0x417: {  	v11 =	vld [tilespmem:s2+$0x1C220]  }
0x418: {  	v12 =	vld [tilespmem:s2+$0x1D320]  }
0x419: {  	v13 =	vld [tilespmem:s2+$0x1C330]  }
0x41a: {  	v14 =	vld [tilespmem:s2+$0x1D430]  }
0x41b: {  	v15 =	vld [tilespmem:s2+$0x1D540];
	v7 =	vadd.f32 v7, v9  }
0x41c: {  	s23 =	simm.s32 $0x0;
	v16 =	vld [tilespmem:s2+$0x1D650]  }
0x41d: {  	s31 =	sand.u32 $0x1F0, s23;
	v9 =	vld [tilespmem:s2+$0x1C440];
	v7 =	vadd.f32 v12, v7  }
0x41e: {  	v8 =	vadd.f32 v8, v10;
	v10 =	vld [tilespmem:s31+$0x1D980]  }
0x41f: {  	v12 =	vld [tilespmem:s31+$0x1C880];
	v7 =	vadd.f32 v14, v7  }
0x420: {  	v8 =	vadd.f32 v11, v8;
	v14 =	vld [tilespmem:s2+$0x1D760]  }
0x421: {  	v11 =	vld [tilespmem:s2+$0x1C550];
	v7 =	vadd.f32 v15, v7  }
0x422: {  	v8 =	vadd.f32 v13, v8;
	v15 =	vld [tilespmem:s2+$0x1D870]  }
0x423: {  	v13 =	vld [tilespmem:s2+$0x1C660];
	v7 =	vadd.f32 v16, v7  }
0x424: {  	v8 =	vadd.f32 v9, v8;
	v9 =	vld [tilespmem:s2+$0x1DBA0]  }
0x425: {  	v16 =	vld [tilespmem:s2+$0x1C770];
	v7 =	vadd.f32 v14, v7  }
0x426: {  	v11 =	vadd.f32 v11, v8;
	v14 =	vld [tilespmem:s2+$0x1DA90]  }
0x427: {  	v8 =	vld [tilespmem:s2+$0x1E0F0];
	v15 =	vadd.f32 v15, v7  }
0x428: {  	v11 =	vadd.f32 v13, v11;
	v13 =	vld [tilespmem:s2+$0x1C990]  }
0x429: {  	v7 =	vld [tilespmem:s2+$0x1CFF0];
	v10 =	vadd.f32 v10, v15  }
0x42a: {  	v11 =	vadd.f32 v16, v11;
	v15 =	vld [tilespmem:s2+$0x1DCB0]  }
0x42b: {  	v10 =	vadd.f32 v14, v10;
	v14 =	vld [tilespmem:s2+$0x1CAA0]  }
0x42c: {  	v16 =	vld [tilespmem:s2+$0x1DDC0];
	v12 =	vadd.f32 v12, v11  }
0x42d: {  	v11 =	vld [tilespmem:s2+$0x1CBB0];
	v10 =	vadd.f32 v9, v10  }
0x42e: {  	v13 =	vadd.f32 v13, v12;
	v9 =	vld [tilespmem:s2+$0x1DED0]  }
0x42f: {  	v12 =	vld [tilespmem:s2+$0x1CCC0];
	v17 =	vadd.f32 v15, v10  }
0x430: {  	v10 =	vld [tilespmem:s2+$0x1DFE0];
	v15 =	vadd.f32 v14, v13  }
0x431: {  	s26 =	simm.s32 $0x40;
	s28 =	simm.s32 $0x0;
	v13 =	vld [tilespmem:s2+$0x1CDD0];
	v14 =	vadd.f32 v16, v17  }
.LBB2_15:
0x432: {  	s0 =	sshra.s32 s26, $0x2;
	p0 =	sne.s32 s26, $0x400;
	s26 =	sadd.s32 $0x40, s26;
	v11 =	vadd.f32 v11, v15;
	v15 =	vld [tilespmem:s2+$0x1CEE0]  }
0x433: {  	v16 =	vld [tilespmem:s0+$0x1D210];
	v9 =	vadd.f32 v9, v14  }
0x434: {  	v14 =	vld [tilespmem:s0+$0x1C110];
	v11 =	vadd.f32 v12, v11  }
0x435: {  	v12 =	vld [tilespmem:s0+$0x1D100];
	v9 =	vadd.f32 v10, v9  }
0x436: {  	v10 =	vld [tilespmem:s0+$0x1C000];
	v11 =	vadd.f32 v13, v11  }
0x437: {  	v13 =	vld [tilespmem:s0+$0x1C220];
	v8 =	vadd.f32 v8, v9  }
0x438: {  	v9 =	vld [tilespmem:s0+$0x1D320];
	v11 =	vadd.f32 v15, v11  }
0x439: {  	v15 =	vld [tilespmem:s0+$0x1C330];
	[tilespmem:s2+$0x1E380] =	vst v8  }
0x43a: {  	v8 =	vld [tilespmem:s0+$0x1D430];
	v7 =	vadd.f32 v7, v11  }
0x43b: {  	s28 =	sadd.s32 $0x10, s28;
	v11 =	vadd.f32 v16, v12;
	v10 =	vadd.f32 v14, v10;
	v12 =	vld [tilespmem:s0+$0x1C440]  }
0x43c: {  	s29 =	sand.u32 $0x1F0, s28;
	v14 =	vld [tilespmem:s0+$0x1D540];
	[tilespmem:s2+$0x1E200] =	vst v7;
	s2 =	smov.u32 s0  }
0x43d: {  	v7 =	vadd.f32 v13, v10;
	v9 =	vadd.f32 v9, v11;
	v10 =	vld [tilespmem:s29+$0x1C880]  }
0x43e: {  	v11 =	vld [tilespmem:s2+$0x1D650]  }
0x43f: {  	v7 =	vadd.f32 v15, v7;
	v8 =	vadd.f32 v8, v9;
	v9 =	vld [tilespmem:s29+$0x1D980]  }
0x440: {  	v13 =	vld [tilespmem:s2+$0x1D760]  }
0x441: {  	v8 =	vadd.f32 v14, v8;
	v14 =	vld [tilespmem:s2+$0x1C550]  }
0x442: {  	v15 =	vld [tilespmem:s2+$0x1D870]  }
0x443: {  	v8 =	vadd.f32 v11, v8;
	v11 =	vld [tilespmem:s2+$0x1C660]  }
0x444: {  	v7 =	vadd.f32 v12, v7;
	v12 =	vld [tilespmem:s2+$0x1C770]  }
0x445: {  	v8 =	vadd.f32 v13, v8;
	v13 =	vld [tilespmem:s2+$0x1DBA0]  }
0x446: {  	v7 =	vadd.f32 v14, v7;
	v14 =	vld [tilespmem:s2+$0x1DA90]  }
0x447: {  	v15 =	vadd.f32 v15, v8;
	v8 =	vld [tilespmem:s2+$0x1E0F0]  }
0x448: {  	v11 =	vadd.f32 v11, v7;
	v7 =	vld [tilespmem:s2+$0x1CFF0]  }
0x449: {  	v9 =	vadd.f32 v9, v15;
	v15 =	vld [tilespmem:s2+$0x1C990]  }
0x44a: {  	v11 =	vadd.f32 v12, v11;
	v12 =	vld [tilespmem:s2+$0x1DCB0]  }
0x44b: {  	v9 =	vadd.f32 v14, v9;
	v14 =	vld [tilespmem:s2+$0x1CAA0]  }
0x44c: {  	v10 =	vadd.f32 v10, v11;
	v16 =	vld [tilespmem:s2+$0x1DDC0]  }
.Ltmp6:
0x44d: {  	v13 =	vadd.f32 v13, v9;
	v11 =	vld [tilespmem:s2+$0x1CBB0];
	(pc) =	sbr.rel @p0 .LBB2_15-.Ltmp6, $4  }
0x44e: {  	v10 =	vadd.f32 v15, v10;
	v9 =	vld [tilespmem:s2+$0x1DED0]  }
0x44f: {  	v13 =	vadd.f32 v12, v13;
	v12 =	vld [tilespmem:s2+$0x1CCC0]  }
0x450: {  	v15 =	vadd.f32 v14, v10;
	v10 =	vld [tilespmem:s2+$0x1DFE0]  }
0x451: {  	v14 =	vadd.f32 v16, v13;
	v13 =	vld [tilespmem:s2+$0x1CDD0]  }
0x452: {  	v11 =	vadd.f32 v11, v15  }
0x453: {  	v60 =	vld [tilespmem:s2+$0x1CEE0]  }
0x454: {  	v11 =	vadd.f32 v12, v11  }
0x455: {  	v9 =	vadd.f32 v9, v14  }
0x456: {  	v11 =	vadd.f32 v13, v11  }
0x457: {  	v9 =	vadd.f32 v10, v9  }
0x458: {  	v10 =	vadd.f32 v60, v11;
	v11 =	vadd.s32 s23, v4  }
0x459: {  	v8 =	vadd.f32 v8, v9;
	v9 =	vadd.s32 s23, v5  }
0x45a: {  	v7 =	vadd.f32 v7, v10  }
0x45b: {  	[tilespmem:s2+$0x1E380] =	vst v8  }
0x45c: {  	v8 =	vor.u32 s23, v0;
	[tilespmem:s2+$0x1E200] =	vst v7  }
0x45d: {  	v7 =	vadd.s32 s23, v6;
	v10 =	vld.idx.msk [tilespmem:v11+s14+$0x0], $0xffff  }
0x45e: {  	v61 =	vld.idx.msk [tilespmem:v9+s14+$0x0], $0xffff  }
0x45f: {  	v11 =	vld.idx.msk [tilespmem:v11+s15+$0x0], $0xffff  }
0x460: {  	v9 =	vld.idx.msk [tilespmem:v9+s15+$0x0], $0xffff  }
0x461: {  	v8 =	vld.idx.msk [tilespmem:v8+s15+$0x0], $0xffff  }
0x462: {  	v62 =	vld.idx.msk [tilespmem:v7+s15+$0x0], $0xffff;
	_ =	sdelay $0x3  }
0x463: {  	v63 =	vld.idx.msk [tilespmem:v7+s14+$0x0], $0xffff;
	v7 =	vadd.f32 v10, v61  }
0x464: {  	v8 =	vadd.f32 v8, v11;
	v9 =	vadd.f32 v62, v9;
	_ =	sdelay $0x1  }
0x465: {  	v10 =	vmul.f32 $5.000000000e-01, v7;
	v8 =	vsub.f32 v8, v9;
	_ =	sdelay $0x1  }
0x466: {  	v9 =	vadd.f32 v10, v63;
	v8 =	vmul.f32 $5.000000000e-01, v8;
	_ =	sdelay $0x1  }
0x467: {  	s0 =	simm.s32 $0x10;
	v8 =	vadd.f32 v8, v9  }
0x468: {  	s2 =	simm.s32 $0x1E500;
	v7 =	vadd.s32 s0, v4  }
0x469: {  	[tilespmem:s2+$0x0] =	vst v8;
	v8 =	vadd.s32 s0, v5;
	_ =	sdelay $0x1  }
0x46a: {  	v11 =	vor.u32 s0, v0;
	_ =	sdelay $0x1  }
0x46b: {  	s23 =	simm.s32 $0x20;
	v10 =	vadd.s32 s0, v6;
	v9 =	vld.idx.msk [tilespmem:v7+s14+$0x0], $0xffff  }
.LBB2_17:
0x46c: {  	p0 =	sne.s32 s23, $0xF0;
	v12 =	vld.idx.msk [tilespmem:v8+s14+$0x0], $0xffff  }
0x46d: {  	v7 =	vld.idx.msk [tilespmem:v7+s15+$0x0], $0xffff  }
0x46e: {  	v11 =	vld.idx.msk [tilespmem:v11+s15+$0x0], $0xffff  }
0x46f: {  	v8 =	vld.idx.msk [tilespmem:v8+s15+$0x0], $0xffff  }
0x470: {  	v13 =	vld.idx.msk [tilespmem:v10+s15+$0x0], $0xffff;
	_ =	sdelay $0x3  }
0x471: {  	v10 =	vld.idx.msk [tilespmem:v10+s14+$0x0], $0xffff  }
0x472: {  	v9 =	vadd.f32 v9, v12  }
0x473: {  	v7 =	vadd.f32 v11, v7;
	v8 =	vadd.f32 v13, v8;
	_ =	sdelay $0x1  }
0x474: {  	v9 =	vmul.f32 $5.000000000e-01, v9;
	v8 =	vsub.f32 v7, v8;
	_ =	sdelay $0x1  }
0x475: {  	v7 =	vadd.s32 s23, v4;
	v9 =	vadd.f32 v9, v10;
	v10 =	vmul.f32 $5.000000000e-01, v8  }
.Ltmp7:
0x476: {  	v8 =	vadd.s32 s23, v5;
	(pc) =	sbr.rel @p0 .LBB2_17-.Ltmp7, $4  }
0x477: {  	v9 =	vadd.f32 v10, v9  }
0x478: {  	s2 =	sadd.s32 $0x10, s2;
	v11 =	vor.u32 s23, v0  }
0x479: {  	[tilespmem:s2+$0x0] =	vst v9  }
0x47a: {  	v10 =	vadd.s32 s23, v6;
	s23 =	sadd.s32 $0x10, s23;
	v9 =	vld.idx.msk [tilespmem:v7+s14+$0x0], $0xffff  }
0x47b: {  	_ =	sdelay $0x3  }
0x47c: {  	v4 =	vld.idx.msk [tilespmem:v8+s14+$0x0], $0xffff  }
0x47d: {  	v5 =	vld.idx.msk [tilespmem:v7+s15+$0x0], $0xffff  }
0x47e: {  	v6 =	vld.idx.msk [tilespmem:v11+s15+$0x0], $0xffff  }
0x47f: {  	v60 =	vld.idx.msk [tilespmem:v8+s15+$0x0], $0xffff  }
0x480: {  	v61 =	vld.idx.msk [tilespmem:v10+s15+$0x0], $0xffff;
	_ =	sdelay $0x3  }
0x481: {  	v62 =	vld.idx.msk [tilespmem:v10+s14+$0x0], $0xffff;
	v4 =	vadd.f32 v9, v4  }
0x482: {  	v5 =	vadd.f32 v6, v5;
	v63 =	vadd.f32 v61, v60;
	_ =	sdelay $0x1  }
0x483: {  	v4 =	vmul.f32 $5.000000000e-01, v4;
	v5 =	vsub.f32 v5, v63;
	_ =	sdelay $0x1  }
0x484: {  	v4 =	vadd.f32 v4, v62;
	v5 =	vmul.f32 $5.000000000e-01, v5;
	_ =	sdelay $0x1  }
0x485: {  	s0 =	sadd.s32 s4, s25;
	s22 =	sadd.s32 $0x1, s22;
	v4 =	vadd.f32 v5, v4  }
0x486: {  	s2 =	sadd.s32 $0x10, s2;
	s0 =	sadd.s32 s24, s0;
	p0 =	sne.s32 s22, $0x6  }
.Ltmp8:
0x487: {  	s0 =	sadd.s32 $0x10, s0;
	[tilespmem:s2+$0x0] =	vst v4;
	(pc) =	sbr.rel @p0 .LBB2_2-.Ltmp8, $4  }
0x488: {  	[hbm4b:s0+s16] =	stream.strided.scatter [tilespmem:s18], [sflag:$0x3], $0x100, s17, s16, $0x38;
	[tilespmem:$0x1E600] =	vst v63  }
0x489: {  	_ =	swait.ge [sflag:s19], $0x100  }
0x48a: {  	[sflag:s19] =	ssyncset.done $0x0  }
0x48b: {  	[sflag:s19] =	ssyncadd.s32 $0xFFFFFF00  }
0x48c: {  	s21 =	sadd.s32 $0x1, s21  }
0x48d: {  	p0 =	sne.s32 s21, s9  }
.Ltmp9:
0x48e: {  	_ = 	snop;
	(pc) =	sbr.rel @p0 .LBB2_1-.Ltmp9, $1  }
0x48f: {  	_ =	sdelay $0x3  }
0x490: {  	_ =	sfence.sel $0x180000  }
0x491: {  	[bflag:$0x0] =	sbarrier.arrive $0xFFFF  }
0x492: {  	_ =	strace $0x90000047  }
0x493: {  	s0 =	stileid.u32;
	[bflag:$0x2] =	sbarrier.arrive $0xFFFF  }
0x494: {  	p0 =	sne.s32 s0, $0x0;
	s0 =	rddreg [dreg:$0x2]  }
0x495: {  	s0 =	sadd.s32 @!p0 $0x100000, s0  }
0x496: {  	[sflag:s0] =	ssyncadd.tile.s32 @!p0 $0x1;
	_ =	shalt  }
.Lfunc_end2:
_tile_overlayer_lowered:
.L_overlay_start_2:
0x497: {  	(tag) =	ssettag $0x2  }
0x498: {  	s0 =	rddreg [dreg:$0x0];
	s2 =	stileid.u32  }
0x499: {  	s1 =	rddreg [dreg:$0x1];
	p0 =	sne.s32 s2, $0x0  }
0x49a: {  	s3 =	rddreg [dreg:$0x2];
	[bflag:$0x3] =	sbarrier.arrive $0xFFFF;
	s2 =	simm.s32 @!p0 $0x1C03  }
0x49b: {  	[timem:s3], [sflag:s2] =	dma.local @!p0 [hbm:s0], s1  }
0x49c: {  	s0 =	simm.s32 @!p0 $0x3  }
0x49d: {  	_ =	swait.ge @!p0 [sflag:s0], s1  }
0x49e: {  	s1 =	ssub.s32 @!p0 $0x0, s1;
	[sflag:s0] =	ssyncset.done @!p0 $0x0  }
0x49f: {  	[sflag:s0] =	ssyncadd.s32 @!p0 s1  }
0x4a0: {  	[bflag:$0x3] =	sbarrier.arrive $0xFFFF  }
0x4a1: {  	_ =	shalt  }

</sc_bundles>
